<compile_context>
chip_gen: v7x
topology: tpu7x:2x2x1
jax: 0.10.2.dev20260603
libtpu: 0.0.44.dev20260713+nightly
codegen_flags: <defaults>
</compile_context>

<pallas_src>
import functools

import jax
import jax.numpy as jnp
from jax import lax
from jax.experimental import pallas as pl
from jax.experimental.pallas import tpu as pltpu
from jax.experimental.pallas import tpu_sc as plsc

N_NODES = 10000
N_EDGES = 320000
D = 128
N_GRAPHS = 64

NC = 2
NS = 16
NW = NC * NS
EPW = N_EDGES // NW
WIN = 128
NWIN = -(-EPW // WIN)
EPW_PAD = NWIN * WIN
PAD = EPW_PAD - EPW
NSC = N_NODES + 16
NROW = 10240
RPS = NROW // NS



def _tc_first_body(x_ref, w_ref, as_ref, ad_ref, h_ref, asrc_ref, adst_ref,
                   gub_ref):
    h = jnp.dot(x_ref[...], w_ref[...], preferred_element_type=jnp.float32)
    h_ref[...] = h
    asrc = jnp.dot(h, as_ref[...], preferred_element_type=jnp.float32)
    adst = jnp.dot(h, ad_ref[...], preferred_element_type=jnp.float32)
    pad = jnp.zeros((NSC - N_NODES,), jnp.float32)
    asrc_ref[...] = jnp.concatenate([asrc, pad])
    adst_ref[...] = jnp.concatenate([adst, pad])
    ub = jnp.max(asrc) + jnp.max(adst)
    gub = jnp.where(ub >= 0, ub, 0.2 * ub)
    gub_ref[...] = jnp.full((128,), gub, jnp.float32)


def _tc_mid_body(acc_ref, den_ref, b_ref, w_ref, as_ref, ad_ref,
                 h_ref, asrc_ref, adst_ref, gub_ref):
    accs = acc_ref[0, :N_NODES, :] + acc_ref[1, :N_NODES, :]
    dens = den_ref[0, :N_NODES] + den_ref[1, :N_NODES]
    prev = accs / (dens + 1e-16)[:, None] + b_ref[...][None, :]
    prev = jnp.maximum(prev, 0.0)
    h = jnp.dot(prev, w_ref[...], preferred_element_type=jnp.float32)
    h_ref[...] = h
    asrc = jnp.dot(h, as_ref[...], preferred_element_type=jnp.float32)
    adst = jnp.dot(h, ad_ref[...], preferred_element_type=jnp.float32)
    pad = jnp.zeros((NSC - N_NODES,), jnp.float32)
    asrc_ref[...] = jnp.concatenate([asrc, pad])
    adst_ref[...] = jnp.concatenate([adst, pad])
    ub = jnp.max(asrc) + jnp.max(adst)
    gub = jnp.where(ub >= 0, ub, 0.2 * ub)
    gub_ref[...] = jnp.full((128,), gub, jnp.float32)


def _tc_final_body(acc_ref, den_ref, b_ref, batch_ref, lw_ref, lb_ref,
                   out_ref):
    accs = acc_ref[0, :N_NODES, :] + acc_ref[1, :N_NODES, :]
    dens = den_ref[0, :N_NODES] + den_ref[1, :N_NODES]
    node = accs / (dens + 1e-16)[:, None]
    gids = lax.broadcasted_iota(jnp.int32, (N_NODES, N_GRAPHS), 1)
    onehot = (batch_ref[...][:, None] == gids).astype(jnp.float32)
    pooled = lax.dot_general(onehot, node, (((0,), (0,)), ((), ())),
                             preferred_element_type=jnp.float32)
    cnt = jnp.sum(onehot, axis=0)
    pooled = pooled / jnp.maximum(cnt, 1.0)[:, None] + b_ref[...][None, :]
    out_ref[...] = (jnp.dot(pooled, lw_ref[...],
                            preferred_element_type=jnp.float32)
                    + lb_ref[...][None, :])


_TC_PARAMS = pltpu.CompilerParams(vmem_limit_bytes=100 * 1024 * 1024)


def _tc_first(x, w, a_s, a_d):
    return pl.pallas_call(
        _tc_first_body,
        out_shape=(
            jax.ShapeDtypeStruct((N_NODES, D), jnp.float32),
            jax.ShapeDtypeStruct((NSC,), jnp.float32),
            jax.ShapeDtypeStruct((NSC,), jnp.float32),
            jax.ShapeDtypeStruct((128,), jnp.float32),
        ),
        compiler_params=_TC_PARAMS,
    )(x, w, a_s, a_d)


def _tc_mid(acc, den, b, w, a_s, a_d):
    return pl.pallas_call(
        _tc_mid_body,
        out_shape=(
            jax.ShapeDtypeStruct((N_NODES, D), jnp.float32),
            jax.ShapeDtypeStruct((NSC,), jnp.float32),
            jax.ShapeDtypeStruct((NSC,), jnp.float32),
            jax.ShapeDtypeStruct((128,), jnp.float32),
        ),
        compiler_params=_TC_PARAMS,
    )(acc, den, b, w, a_s, a_d)


def _tc_final(acc, den, b, batch_i32, lin_w, lin_b):
    return pl.pallas_call(
        _tc_final_body,
        out_shape=jax.ShapeDtypeStruct((N_GRAPHS, D), jnp.float32),
        compiler_params=_TC_PARAMS,
    )(acc, den, b, batch_i32, lin_w, lin_b)



def _sc_body(h_hbm, asrc_hbm, adst_hbm, gub_hbm, srcw_hbm, dstw_hbm,
             zacc_hbm, zden_hbm, acc_out, den_out,
             sidx, didx, asv, adv, gub_v, wwin, rows, acc_sh, den_sh,
             sem, rsem):
    c = lax.axis_index("c")
    s = lax.axis_index("s")
    w = c * NS + s
    pltpu.sync_copy(gub_hbm.at[pl.ds(0, 16)], gub_v)
    pltpu.sync_copy(srcw_hbm.at[w], sidx)
    pltpu.sync_copy(dstw_hbm.at[w], didx)
    pltpu.sync_copy(zacc_hbm.at[pl.ds(s * RPS, RPS)],
                    acc_sh.at[pl.ds(s * RPS, RPS)])
    pltpu.sync_copy(zden_hbm.at[pl.ds(s * RPS, RPS)],
                    den_sh.at[pl.ds(s * RPS, RPS)])
    plsc.subcore_barrier()
    gvec = gub_v[...]

    def win_body(j, carry):
        d2 = pltpu.async_copy(asrc_hbm.at[sidx.at[j]], asv, sem)
        d3 = pltpu.async_copy(adst_hbm.at[didx.at[j]], adv, sem)
        d1 = pltpu.async_copy(h_hbm.at[sidx.at[j]], rows, rsem)
        d2.wait()
        d3.wait()
        for g in range(WIN // 16):
            sl = pl.ds(g * 16, 16)
            al = asv[sl] + adv[sl]
            al = jnp.where(al >= 0, al, 0.2 * al)
            wwin[sl] = jnp.exp(al - gvec)
        d1.wait()
        def e_body(e, carry2):
            we = plsc.load_gather(wwin, [jnp.full((16,), e, jnp.int32)])
            for g2 in range(D // 16):
                sl2 = pl.ds(g2 * 16, 16)
                rows[e, sl2] = rows[e, sl2] * we
            return carry2
        lax.fori_loop(0, WIN, e_body, 0, unroll=False)
        pltpu.sync_copy(rows, acc_sh.at[didx.at[j]], add=True)
        pltpu.sync_copy(wwin, den_sh.at[didx.at[j]], add=True)
        return carry

    lax.fori_loop(0, NWIN, win_body, 0, unroll=False)
    plsc.subcore_barrier()
    pltpu.sync_copy(acc_sh.at[pl.ds(s * RPS, RPS)],
                    acc_out.at[c].at[pl.ds(s * RPS, RPS)])
    pltpu.sync_copy(den_sh.at[pl.ds(s * RPS, RPS)],
                    den_out.at[c].at[pl.ds(s * RPS, RPS)])


_sc_layer = pl.kernel(
    _sc_body,
    out_type=(
        jax.ShapeDtypeStruct((NC, NROW, D), jnp.float32),
        jax.ShapeDtypeStruct((NC, NROW), jnp.float32),
    ),
    mesh=plsc.VectorSubcoreMesh(core_axis_name="c", subcore_axis_name="s",
                                num_cores=NC, num_subcores=NS),
    compiler_params=pltpu.CompilerParams(needs_layout_passes=False),
    scratch_types=[
        pltpu.VMEM((NWIN, WIN), jnp.int32),
        pltpu.VMEM((NWIN, WIN), jnp.int32),
        pltpu.VMEM((WIN,), jnp.float32),
        pltpu.VMEM((WIN,), jnp.float32),
        pltpu.VMEM((16,), jnp.float32),
        pltpu.VMEM((WIN,), jnp.float32),
        pltpu.VMEM((WIN, D), jnp.float32),
        pltpu.VMEM_SHARED((NROW, D), jnp.float32),
        pltpu.VMEM_SHARED((NROW,), jnp.float32),
        pltpu.SemaphoreType.DMA,
        pltpu.SemaphoreType.DMA,
    ],
)



def kernel(x, edge_index, edge_attr, batch,
           W1, b1, as1, ad1, W2, b2, as2, ad2, W3, b3, as3, ad3,
           lin_W, lin_b):
    del edge_attr
    src = edge_index[0].astype(jnp.int32).reshape(NW, EPW)
    dst = edge_index[1].astype(jnp.int32).reshape(NW, EPW)
    pad_src = jnp.zeros((NW, PAD), jnp.int32)
    pad_dst = jnp.broadcast_to(
        N_NODES + (jnp.arange(PAD, dtype=jnp.int32) % (NSC - N_NODES)),
        (NW, PAD))
    srcw = jnp.concatenate([src, pad_src], axis=1).reshape(NW, NWIN, WIN)
    dstw = jnp.concatenate([dst, pad_dst], axis=1).reshape(NW, NWIN, WIN)
    zacc = jnp.zeros((NROW, D), jnp.float32)
    zden = jnp.zeros((NROW,), jnp.float32)
    batch_i32 = batch.astype(jnp.int32)

    h, asrc, adst, gub = _tc_first(x, W1, as1, ad1)
    acc, den = _sc_layer(h, asrc, adst, gub, srcw, dstw, zacc, zden)
    h, asrc, adst, gub = _tc_mid(acc, den, b1, W2, as2, ad2)
    acc, den = _sc_layer(h, asrc, adst, gub, srcw, dstw, zacc, zden)
    h, asrc, adst, gub = _tc_mid(acc, den, b2, W3, as3, ad3)
    acc, den = _sc_layer(h, asrc, adst, gub, srcw, dstw, zacc, zden)
    return _tc_final(acc, den, b3, batch_i32, lin_W, lin_b)

# --- scband reference (transcript-rebuilt; emitter-appended) ---
"""Pipeline reference for scband-gatv2-17600775979470 (READ-ONLY COPY).

The authoritative reference and input builder live on the scoring server;
editing this copy changes nothing except your own understanding.
"""

import jax, jax.numpy as jnp
import numpy as np

N_NODES = 10000
N_EDGES = 320000
D_IN = 128
D_HID = 128
D_OUT = 128
D_EDGE = 12
N_GRAPHS = 64


def gat_conv(x, edge_index, W, b, att_src, att_dst):
    # PyG GATConv, heads=1: shared linear for src/dst, GATv1-style attention
    N = x.shape[0]
    h = x @ W  # [N, F']
    src = edge_index[0]
    dst = edge_index[1]
    a_src = (h * att_src).sum(-1)  # [N]
    a_dst = (h * att_dst).sum(-1)  # [N]
    alpha = a_src[src] + a_dst[dst]  # [E]
    alpha = jax.nn.leaky_relu(alpha, 0.2)
    amax = jax.ops.segment_max(alpha, dst, num_segments=N)
    amax = jnp.where(jnp.isneginf(amax), 0.0, amax)
    e = jnp.exp(alpha - amax[dst])
    denom = jax.ops.segment_sum(e, dst, num_segments=N)
    a = e / (denom[dst] + 1e-16)
    out = jax.ops.segment_sum(h[src] * a[:, None], dst, num_segments=N)
    return out + b


def setup_inputs(seed: int = 0) -> dict:
    key = jax.random.key(seed)
    ks = jax.random.split(key, 20)
    x = jax.random.normal(ks[0], (N_NODES, D_IN), dtype=jnp.float32)
    edge_index = jax.random.randint(ks[1], (2, N_EDGES), 0, N_NODES, dtype=jnp.int64)
    edge_attr = jax.random.normal(ks[2], (N_EDGES, D_EDGE), dtype=jnp.float32)
    batch = jnp.sort(jax.random.randint(ks[3], (N_NODES,), 0, N_GRAPHS, dtype=jnp.int64))
    s_in = 1.0 / np.sqrt(D_IN)
    s_hid = 1.0 / np.sqrt(D_HID)
    params = {
        'W1': jax.random.normal(ks[4], (D_IN, D_HID), dtype=jnp.float32) * s_in,
        'b1': jnp.zeros((D_HID,), dtype=jnp.float32),
        'as1': jax.random.normal(ks[5], (D_HID,), dtype=jnp.float32) * s_hid,
        'ad1': jax.random.normal(ks[6], (D_HID,), dtype=jnp.float32) * s_hid,
        'W2': jax.random.normal(ks[7], (D_HID, D_HID), dtype=jnp.float32) * s_hid,
        'b2': jnp.zeros((D_HID,), dtype=jnp.float32),
        'as2': jax.random.normal(ks[8], (D_HID,), dtype=jnp.float32) * s_hid,
        'ad2': jax.random.normal(ks[9], (D_HID,), dtype=jnp.float32) * s_hid,
        'W3': jax.random.normal(ks[10], (D_HID, D_HID), dtype=jnp.float32) * s_hid,
        'b3': jnp.zeros((D_HID,), dtype=jnp.float32),
        'as3': jax.random.normal(ks[11], (D_HID,), dtype=jnp.float32) * s_hid,
        'ad3': jax.random.normal(ks[12], (D_HID,), dtype=jnp.float32) * s_hid,
        'lin_W': jax.random.normal(ks[13], (D_HID, D_OUT), dtype=jnp.float32) * s_hid,
        'lin_b': jnp.zeros((D_OUT,), dtype=jnp.float32),
    }
    out = {'x': x, 'edge_index': edge_index, 'edge_attr': edge_attr, 'batch': batch}
    out.update(params)
    return out


def reference(x, edge_index, edge_attr, batch,
              W1, b1, as1, ad1, W2, b2, as2, ad2, W3, b3, as3, ad3,
              lin_W, lin_b):
    # edge_attr is part of the data object but unused in the original forward
    h = jax.nn.relu(gat_conv(x, edge_index, W1, b1, as1, ad1))
    h = jax.nn.relu(gat_conv(h, edge_index, W2, b2, as2, ad2))
    h = gat_conv(h, edge_index, W3, b3, as3, ad3)
    sums = jax.ops.segment_sum(h, batch, num_segments=N_GRAPHS)
    cnt = jax.ops.segment_sum(jnp.ones((h.shape[0],), dtype=h.dtype), batch, num_segments=N_GRAPHS)
    pooled = sums / jnp.maximum(cnt, 1.0)[:, None]
    # dropout is identity in eval mode
    return pooled @ lin_W + lin_b

if __name__ == "__main__":
    import jax
    _d = setup_inputs()
    print(jax.jit(kernel)(*tuple(_d.values())))

</pallas_src>

<mosaic_0001>
#map = affine_map<(d0, d1) -> (0, 0)>
#map1 = affine_map<(d0, d1) -> (0)>
#map2 = affine_map<(d0, d1) -> (0, 0, 0)>
module attributes {stable_mosaic.version = 14 : i64} {
  func.func @_sc_body(%arg0: i32, %arg1: i32, %arg2: memref<10000x128xf32, #tpu.memory_space<hbm>>, %arg3: memref<10016xf32, #tpu.memory_space<hbm>>, %arg4: memref<10016xf32, #tpu.memory_space<hbm>>, %arg5: memref<128xf32, #tpu.memory_space<hbm>>, %arg6: memref<32x79x128xi32, #tpu.memory_space<hbm>>, %arg7: memref<32x79x128xi32, #tpu.memory_space<hbm>>, %arg8: memref<10240x128xf32, #tpu.memory_space<hbm>>, %arg9: memref<10240xf32, #tpu.memory_space<hbm>>, %arg10: memref<2x10240x128xf32, #tpu.memory_space<hbm>>, %arg11: memref<2x10240xf32, #tpu.memory_space<hbm>>, %arg12: memref<79x128xi32, #tpu.memory_space<vmem>>, %arg13: memref<79x128xi32, #tpu.memory_space<vmem>>, %arg14: memref<128xf32, #tpu.memory_space<vmem>>, %arg15: memref<128xf32, #tpu.memory_space<vmem>>, %arg16: memref<16xf32, #tpu.memory_space<vmem>>, %arg17: memref<128xf32, #tpu.memory_space<vmem>>, %arg18: memref<128x128xf32, #tpu.memory_space<vmem>>, %arg19: memref<10240x128xf32, #tpu.memory_space<vmem_shared>>, %arg20: memref<10240xf32, #tpu.memory_space<vmem_shared>>, %arg21: memref<!tpu.dma_semaphore, #tpu.memory_space<semaphore_mem>>, %arg22: memref<!tpu.dma_semaphore, #tpu.memory_space<semaphore_mem>>) attributes {dimension_semantics = [#tpu.dimension_semantics<core_parallel>, #tpu.dimension_semantics<subcore_parallel>], iteration_bounds = array<i64: 2, 16>, scalar_prefetch = 0 : i64, scratch_operands = 11 : i64, tpu.core_type = #tpu.core_type<sc_vector_subcore>, window_params = [{transform_indices = #map}, {transform_indices = #map1}, {transform_indices = #map1}, {transform_indices = #map1}, {transform_indices = #map2}, {transform_indices = #map2}, {transform_indices = #map}, {transform_indices = #map1}, {transform_indices = #map2}, {transform_indices = #map}]} {
    %mul3A = arith.constant 16 : i32
    %mul3A_0 = arith.muli %arg0, %mul3A : i32
    %add3A = arith.addi %mul3A_0, %arg1 : i32
    "tpu.region"() ({
      %run_scoped3A = tpu.sem_alloc : memref<!tpu.dma_semaphore, #tpu.memory_space<semaphore_mem>>
      %dma_start3A = arith.constant 0 : i32
      %dma_start3A_24 = tpu.memref_slice %arg5[%dma_start3A] : memref<128xf32, #tpu.memory_space<hbm>> -> memref<16xf32, #tpu.memory_space<hbm>>
      %dma_start3A_25 = arith.constant 0 : i32
      %dma_start3A_26 = tpu.memref_slice %arg5[%dma_start3A_25] : memref<128xf32, #tpu.memory_space<hbm>> -> memref<16xf32, #tpu.memory_space<hbm>>
      tpu.enqueue_dma source(%dma_start3A_26 : memref<16xf32, #tpu.memory_space<hbm>>) target(%arg16 : memref<16xf32, #tpu.memory_space<vmem>>) target_semaphore(%run_scoped3A : memref<!tpu.dma_semaphore, #tpu.memory_space<semaphore_mem>>)
      %dma_wait3A = arith.constant 0 : i32
      %dma_wait3A_27 = tpu.memref_slice %arg5[%dma_wait3A] : memref<128xf32, #tpu.memory_space<hbm>> -> memref<16xf32, #tpu.memory_space<hbm>>
      %dma_wait3A_28 = arith.constant 0 : i32
      %dma_wait3A_29 = tpu.memref_slice %arg5[%dma_wait3A_28] : memref<128xf32, #tpu.memory_space<hbm>> -> memref<16xf32, #tpu.memory_space<hbm>>
      tpu.wait_dma2 semaphore(%run_scoped3A : memref<!tpu.dma_semaphore, #tpu.memory_space<semaphore_mem>>) src(%dma_wait3A_29 : memref<16xf32, #tpu.memory_space<hbm>>) dst(%arg16 : memref<16xf32, #tpu.memory_space<vmem>>)
      tpu.yield
    }) : () -> ()
    "tpu.region"() ({
      %run_scoped3A = tpu.sem_alloc : memref<!tpu.dma_semaphore, #tpu.memory_space<semaphore_mem>>
      %dma_start3A = arith.constant 0 : i32
      %dma_start3A_24 = arith.constant 0 : i32
      %dma_start3A_25 = tpu.memref_slice %arg6[%add3A, %dma_start3A, %dma_start3A_24] : memref<32x79x128xi32, #tpu.memory_space<hbm>> -> memref<1x79x128xi32, #tpu.memory_space<hbm>>
      %dma_start3A_26 = tpu.memref_squeeze %dma_start3A_25 : memref<1x79x128xi32, #tpu.memory_space<hbm>> -> memref<79x128xi32, #tpu.memory_space<hbm>>
      %dma_start3A_27 = arith.constant 0 : i32
      %dma_start3A_28 = arith.constant 0 : i32
      %dma_start3A_29 = tpu.memref_slice %arg6[%add3A, %dma_start3A_27, %dma_start3A_28] : memref<32x79x128xi32, #tpu.memory_space<hbm>> -> memref<1x79x128xi32, #tpu.memory_space<hbm>>
      %dma_start3A_30 = tpu.memref_squeeze %dma_start3A_29 : memref<1x79x128xi32, #tpu.memory_space<hbm>> -> memref<79x128xi32, #tpu.memory_space<hbm>>
      tpu.enqueue_dma source(%dma_start3A_30 : memref<79x128xi32, #tpu.memory_space<hbm>>) target(%arg12 : memref<79x128xi32, #tpu.memory_space<vmem>>) target_semaphore(%run_scoped3A : memref<!tpu.dma_semaphore, #tpu.memory_space<semaphore_mem>>)
      %dma_wait3A = arith.constant 0 : i32
      %dma_wait3A_31 = arith.constant 0 : i32
      %dma_wait3A_32 = tpu.memref_slice %arg6[%add3A, %dma_wait3A, %dma_wait3A_31] : memref<32x79x128xi32, #tpu.memory_space<hbm>> -> memref<1x79x128xi32, #tpu.memory_space<hbm>>
      %dma_wait3A_33 = tpu.memref_squeeze %dma_wait3A_32 : memref<1x79x128xi32, #tpu.memory_space<hbm>> -> memref<79x128xi32, #tpu.memory_space<hbm>>
      %dma_wait3A_34 = arith.constant 0 : i32
      %dma_wait3A_35 = arith.constant 0 : i32
      %dma_wait3A_36 = tpu.memref_slice %arg6[%add3A, %dma_wait3A_34, %dma_wait3A_35] : memref<32x79x128xi32, #tpu.memory_space<hbm>> -> memref<1x79x128xi32, #tpu.memory_space<hbm>>
      %dma_wait3A_37 = tpu.memref_squeeze %dma_wait3A_36 : memref<1x79x128xi32, #tpu.memory_space<hbm>> -> memref<79x128xi32, #tpu.memory_space<hbm>>
      tpu.wait_dma2 semaphore(%run_scoped3A : memref<!tpu.dma_semaphore, #tpu.memory_space<semaphore_mem>>) src(%dma_wait3A_37 : memref<79x128xi32, #tpu.memory_space<hbm>>) dst(%arg12 : memref<79x128xi32, #tpu.memory_space<vmem>>)
      tpu.yield
    }) : () -> ()
    "tpu.region"() ({
      %run_scoped3A = tpu.sem_alloc : memref<!tpu.dma_semaphore, #tpu.memory_space<semaphore_mem>>
      %dma_start3A = arith.constant 0 : i32
      %dma_start3A_24 = arith.constant 0 : i32
      %dma_start3A_25 = tpu.memref_slice %arg7[%add3A, %dma_start3A, %dma_start3A_24] : memref<32x79x128xi32, #tpu.memory_space<hbm>> -> memref<1x79x128xi32, #tpu.memory_space<hbm>>
      %dma_start3A_26 = tpu.memref_squeeze %dma_start3A_25 : memref<1x79x128xi32, #tpu.memory_space<hbm>> -> memref<79x128xi32, #tpu.memory_space<hbm>>
      %dma_start3A_27 = arith.constant 0 : i32
      %dma_start3A_28 = arith.constant 0 : i32
      %dma_start3A_29 = tpu.memref_slice %arg7[%add3A, %dma_start3A_27, %dma_start3A_28] : memref<32x79x128xi32, #tpu.memory_space<hbm>> -> memref<1x79x128xi32, #tpu.memory_space<hbm>>
      %dma_start3A_30 = tpu.memref_squeeze %dma_start3A_29 : memref<1x79x128xi32, #tpu.memory_space<hbm>> -> memref<79x128xi32, #tpu.memory_space<hbm>>
      tpu.enqueue_dma source(%dma_start3A_30 : memref<79x128xi32, #tpu.memory_space<hbm>>) target(%arg13 : memref<79x128xi32, #tpu.memory_space<vmem>>) target_semaphore(%run_scoped3A : memref<!tpu.dma_semaphore, #tpu.memory_space<semaphore_mem>>)
      %dma_wait3A = arith.constant 0 : i32
      %dma_wait3A_31 = arith.constant 0 : i32
      %dma_wait3A_32 = tpu.memref_slice %arg7[%add3A, %dma_wait3A, %dma_wait3A_31] : memref<32x79x128xi32, #tpu.memory_space<hbm>> -> memref<1x79x128xi32, #tpu.memory_space<hbm>>
      %dma_wait3A_33 = tpu.memref_squeeze %dma_wait3A_32 : memref<1x79x128xi32, #tpu.memory_space<hbm>> -> memref<79x128xi32, #tpu.memory_space<hbm>>
      %dma_wait3A_34 = arith.constant 0 : i32
      %dma_wait3A_35 = arith.constant 0 : i32
      %dma_wait3A_36 = tpu.memref_slice %arg7[%add3A, %dma_wait3A_34, %dma_wait3A_35] : memref<32x79x128xi32, #tpu.memory_space<hbm>> -> memref<1x79x128xi32, #tpu.memory_space<hbm>>
      %dma_wait3A_37 = tpu.memref_squeeze %dma_wait3A_36 : memref<1x79x128xi32, #tpu.memory_space<hbm>> -> memref<79x128xi32, #tpu.memory_space<hbm>>
      tpu.wait_dma2 semaphore(%run_scoped3A : memref<!tpu.dma_semaphore, #tpu.memory_space<semaphore_mem>>) src(%dma_wait3A_37 : memref<79x128xi32, #tpu.memory_space<hbm>>) dst(%arg13 : memref<79x128xi32, #tpu.memory_space<vmem>>)
      tpu.yield
    }) : () -> ()
    %mul3A_1 = arith.constant 640 : i32
    %mul3A_2 = arith.muli %arg1, %mul3A_1 : i32
    %mul3A_3 = arith.constant 640 : i32
    %mul3A_4 = arith.muli %arg1, %mul3A_3 : i32
    "tpu.region"() ({
      %run_scoped3A = tpu.sem_alloc : memref<!tpu.dma_semaphore, #tpu.memory_space<semaphore_mem>>
      %dma_start3A = arith.constant 0 : i32
      %dma_start3A_24 = tpu.memref_slice %arg19[%mul3A_4, %dma_start3A] : memref<10240x128xf32, #tpu.memory_space<vmem_shared>> -> memref<640x128xf32, #tpu.memory_space<vmem_shared>>
      %dma_start3A_25 = arith.constant 0 : i32
      %dma_start3A_26 = tpu.memref_slice %arg8[%mul3A_2, %dma_start3A_25] : memref<10240x128xf32, #tpu.memory_space<hbm>> -> memref<640x128xf32, #tpu.memory_space<hbm>>
      tpu.enqueue_dma source(%dma_start3A_26 : memref<640x128xf32, #tpu.memory_space<hbm>>) target(%dma_start3A_24 : memref<640x128xf32, #tpu.memory_space<vmem_shared>>) target_semaphore(%run_scoped3A : memref<!tpu.dma_semaphore, #tpu.memory_space<semaphore_mem>>)
      %dma_wait3A = arith.constant 0 : i32
      %dma_wait3A_27 = tpu.memref_slice %arg19[%mul3A_4, %dma_wait3A] : memref<10240x128xf32, #tpu.memory_space<vmem_shared>> -> memref<640x128xf32, #tpu.memory_space<vmem_shared>>
      %dma_wait3A_28 = arith.constant 0 : i32
      %dma_wait3A_29 = tpu.memref_slice %arg8[%mul3A_2, %dma_wait3A_28] : memref<10240x128xf32, #tpu.memory_space<hbm>> -> memref<640x128xf32, #tpu.memory_space<hbm>>
      tpu.wait_dma2 semaphore(%run_scoped3A : memref<!tpu.dma_semaphore, #tpu.memory_space<semaphore_mem>>) src(%dma_wait3A_29 : memref<640x128xf32, #tpu.memory_space<hbm>>) dst(%dma_wait3A_27 : memref<640x128xf32, #tpu.memory_space<vmem_shared>>)
      tpu.yield
    }) : () -> ()
    %mul3A_5 = arith.constant 640 : i32
    %mul3A_6 = arith.muli %arg1, %mul3A_5 : i32
    %mul3A_7 = arith.constant 640 : i32
    %mul3A_8 = arith.muli %arg1, %mul3A_7 : i32
    "tpu.region"() ({
      %run_scoped3A = tpu.sem_alloc : memref<!tpu.dma_semaphore, #tpu.memory_space<semaphore_mem>>
      %dma_start3A = tpu.memref_slice %arg20[%mul3A_8] : memref<10240xf32, #tpu.memory_space<vmem_shared>> -> memref<640xf32, #tpu.memory_space<vmem_shared>>
      %dma_start3A_24 = tpu.memref_slice %arg9[%mul3A_6] : memref<10240xf32, #tpu.memory_space<hbm>> -> memref<640xf32, #tpu.memory_space<hbm>>
      tpu.enqueue_dma source(%dma_start3A_24 : memref<640xf32, #tpu.memory_space<hbm>>) target(%dma_start3A : memref<640xf32, #tpu.memory_space<vmem_shared>>) target_semaphore(%run_scoped3A : memref<!tpu.dma_semaphore, #tpu.memory_space<semaphore_mem>>)
      %dma_wait3A = tpu.memref_slice %arg20[%mul3A_8] : memref<10240xf32, #tpu.memory_space<vmem_shared>> -> memref<640xf32, #tpu.memory_space<vmem_shared>>
      %dma_wait3A_25 = tpu.memref_slice %arg9[%mul3A_6] : memref<10240xf32, #tpu.memory_space<hbm>> -> memref<640xf32, #tpu.memory_space<hbm>>
      tpu.wait_dma2 semaphore(%run_scoped3A : memref<!tpu.dma_semaphore, #tpu.memory_space<semaphore_mem>>) src(%dma_wait3A_25 : memref<640xf32, #tpu.memory_space<hbm>>) dst(%dma_wait3A : memref<640xf32, #tpu.memory_space<vmem_shared>>)
      tpu.yield
    }) : () -> ()
    %barrier3A = arith.constant 0 : index
    tpu.barrier barrier_id(%barrier3A)
    %get3A = arith.constant 0 : index
    %get3A_9 = tpu.vector_load %arg16[%get3A] {strides = array<i32>} : memref<16xf32, #tpu.memory_space<vmem>>, vector<16xf32>,
    %scan3A = arith.constant 0 : i32
    %scan3A_10 = arith.constant 0 : i32
    %scan3A_11 = arith.constant 79 : i32
    %scan3A_12 = arith.addi %scan3A_10, %scan3A_11 : i32
    %scan3A_13 = arith.constant 1 : i32
    scf.for %scan3A_24 = %scan3A_10 to %scan3A_12 step %scan3A_13  : i32 {
      %dma_start3A = arith.constant 0 : i32
      %dma_start3A_25 = tpu.memref_slice %arg12[%scan3A_24, %dma_start3A] : memref<79x128xi32, #tpu.memory_space<vmem>> -> memref<1x128xi32, #tpu.memory_space<vmem>>
      %dma_start3A_26 = tpu.memref_squeeze %dma_start3A_25 : memref<1x128xi32, #tpu.memory_space<vmem>> -> memref<128xi32, #tpu.memory_space<vmem>>
      %dma_start3A_27 = arith.constant 0 : i32
      %dma_start3A_28 = tpu.memref_slice %arg3[%dma_start3A_27] : memref<10016xf32, #tpu.memory_space<hbm>> -> memref<10016xf32, #tpu.memory_space<hbm>>
      tpu.enqueue_indirect_dma source(%dma_start3A_28 : memref<10016xf32, #tpu.memory_space<hbm>>) target(%arg14 : memref<128xf32, #tpu.memory_space<vmem>>) offsets(%dma_start3A_26 : memref<128xi32, #tpu.memory_space<vmem>>) semaphore(%arg21 : memref<!tpu.dma_semaphore, #tpu.memory_space<semaphore_mem>>)
      %dma_start3A_29 = arith.constant 0 : i32
      %dma_start3A_30 = tpu.memref_slice %arg13[%scan3A_24, %dma_start3A_29] : memref<79x128xi32, #tpu.memory_space<vmem>> -> memref<1x128xi32, #tpu.memory_space<vmem>>
      %dma_start3A_31 = tpu.memref_squeeze %dma_start3A_30 : memref<1x128xi32, #tpu.memory_space<vmem>> -> memref<128xi32, #tpu.memory_space<vmem>>
      %dma_start3A_32 = arith.constant 0 : i32
      %dma_start3A_33 = tpu.memref_slice %arg4[%dma_start3A_32] : memref<10016xf32, #tpu.memory_space<hbm>> -> memref<10016xf32, #tpu.memory_space<hbm>>
      tpu.enqueue_indirect_dma source(%dma_start3A_33 : memref<10016xf32, #tpu.memory_space<hbm>>) target(%arg15 : memref<128xf32, #tpu.memory_space<vmem>>) offsets(%dma_start3A_31 : memref<128xi32, #tpu.memory_space<vmem>>) semaphore(%arg21 : memref<!tpu.dma_semaphore, #tpu.memory_space<semaphore_mem>>)
      %dma_start3A_34 = arith.constant 0 : i32
      %dma_start3A_35 = tpu.memref_slice %arg12[%scan3A_24, %dma_start3A_34] : memref<79x128xi32, #tpu.memory_space<vmem>> -> memref<1x128xi32, #tpu.memory_space<vmem>>
      %dma_start3A_36 = tpu.memref_squeeze %dma_start3A_35 : memref<1x128xi32, #tpu.memory_space<vmem>> -> memref<128xi32, #tpu.memory_space<vmem>>
      %dma_start3A_37 = arith.constant 0 : i32
      %dma_start3A_38 = arith.constant 0 : i32
      %dma_start3A_39 = tpu.memref_slice %arg2[%dma_start3A_37, %dma_start3A_38] : memref<10000x128xf32, #tpu.memory_space<hbm>> -> memref<10000x128xf32, #tpu.memory_space<hbm>>
      tpu.enqueue_indirect_dma source(%dma_start3A_39 : memref<10000x128xf32, #tpu.memory_space<hbm>>) target(%arg18 : memref<128x128xf32, #tpu.memory_space<vmem>>) offsets(%dma_start3A_36 : memref<128xi32, #tpu.memory_space<vmem>>) semaphore(%arg22 : memref<!tpu.dma_semaphore, #tpu.memory_space<semaphore_mem>>)
      %dma_wait3A = arith.constant 0 : i32
      %dma_wait3A_40 = tpu.memref_slice %arg12[%scan3A_24, %dma_wait3A] : memref<79x128xi32, #tpu.memory_space<vmem>> -> memref<1x128xi32, #tpu.memory_space<vmem>>
      %dma_wait3A_41 = tpu.memref_squeeze %dma_wait3A_40 : memref<1x128xi32, #tpu.memory_space<vmem>> -> memref<128xi32, #tpu.memory_space<vmem>>
      %dma_wait3A_42 = arith.constant 0 : i32
      %dma_wait3A_43 = tpu.memref_slice %arg3[%dma_wait3A_42] : memref<10016xf32, #tpu.memory_space<hbm>> -> memref<10016xf32, #tpu.memory_space<hbm>>
      tpu.wait_indirect_dma semaphore(%arg21 : memref<!tpu.dma_semaphore, #tpu.memory_space<semaphore_mem>>) src(%dma_wait3A_43 : memref<10016xf32, #tpu.memory_space<hbm>>) dst(%arg14 : memref<128xf32, #tpu.memory_space<vmem>>)
      %dma_wait3A_44 = arith.constant 0 : i32
      %dma_wait3A_45 = tpu.memref_slice %arg13[%scan3A_24, %dma_wait3A_44] : memref<79x128xi32, #tpu.memory_space<vmem>> -> memref<1x128xi32, #tpu.memory_space<vmem>>
      %dma_wait3A_46 = tpu.memref_squeeze %dma_wait3A_45 : memref<1x128xi32, #tpu.memory_space<vmem>> -> memref<128xi32, #tpu.memory_space<vmem>>
      %dma_wait3A_47 = arith.constant 0 : i32
      %dma_wait3A_48 = tpu.memref_slice %arg4[%dma_wait3A_47] : memref<10016xf32, #tpu.memory_space<hbm>> -> memref<10016xf32, #tpu.memory_space<hbm>>
      tpu.wait_indirect_dma semaphore(%arg21 : memref<!tpu.dma_semaphore, #tpu.memory_space<semaphore_mem>>) src(%dma_wait3A_48 : memref<10016xf32, #tpu.memory_space<hbm>>) dst(%arg15 : memref<128xf32, #tpu.memory_space<vmem>>)
      %get3A_49 = arith.constant 0 : index
      %get3A_50 = tpu.vector_load %arg14[%get3A_49] {strides = array<i32>} : memref<128xf32, #tpu.memory_space<vmem>>, vector<16xf32>,
      %get3A_51 = arith.constant 0 : index
      %get3A_52 = tpu.vector_load %arg15[%get3A_51] {strides = array<i32>} : memref<128xf32, #tpu.memory_space<vmem>>, vector<16xf32>,
      %add3A_53 = arith.addf %get3A_50, %get3A_52 : vector<16xf32>
      %ge3A = arith.constant 0.000000e+00 : f32
      %ge3A_54 = vector.broadcast %ge3A : f32 to vector<16xf32>
      %ge3A_55 = arith.cmpf oge, %add3A_53, %ge3A_54 : vector<16xf32>
      %mul3A_56 = arith.constant 2.000000e-01 : f32
      %mul3A_57 = vector.broadcast %mul3A_56 : f32 to vector<16xf32>
      %mul3A_58 = arith.mulf %mul3A_57, %add3A_53 : vector<16xf32>
      %select_n3A = arith.select %ge3A_55, %add3A_53, %mul3A_58 : vector<16xi1>, vector<16xf32>
      %sub3A = arith.subf %select_n3A, %get3A_9 : vector<16xf32>
      %exp3A = math.exp %sub3A : vector<16xf32>
      %swap3A = arith.constant 0 : index
      %swap3A_59 = tpu.vector_load %arg17[%swap3A] {strides = array<i32>} : memref<128xf32, #tpu.memory_space<vmem>>, vector<16xf32>,
      tpu.vector_store %arg17[%swap3A], %exp3A {strides = array<i32>} : memref<128xf32, #tpu.memory_space<vmem>>, vector<16xf32>,
      %get3A_60 = arith.constant 16 : index
      %get3A_61 = tpu.vector_load %arg14[%get3A_60] {strides = array<i32>} : memref<128xf32, #tpu.memory_space<vmem>>, vector<16xf32>,
      %get3A_62 = arith.constant 16 : index
      %get3A_63 = tpu.vector_load %arg15[%get3A_62] {strides = array<i32>} : memref<128xf32, #tpu.memory_space<vmem>>, vector<16xf32>,
      %add3A_64 = arith.addf %get3A_61, %get3A_63 : vector<16xf32>
      %ge3A_65 = arith.constant 0.000000e+00 : f32
      %ge3A_66 = vector.broadcast %ge3A_65 : f32 to vector<16xf32>
      %ge3A_67 = arith.cmpf oge, %add3A_64, %ge3A_66 : vector<16xf32>
      %mul3A_68 = arith.constant 2.000000e-01 : f32
      %mul3A_69 = vector.broadcast %mul3A_68 : f32 to vector<16xf32>
      %mul3A_70 = arith.mulf %mul3A_69, %add3A_64 : vector<16xf32>
      %select_n3A_71 = arith.select %ge3A_67, %add3A_64, %mul3A_70 : vector<16xi1>, vector<16xf32>
      %sub3A_72 = arith.subf %select_n3A_71, %get3A_9 : vector<16xf32>
      %exp3A_73 = math.exp %sub3A_72 : vector<16xf32>
      %swap3A_74 = arith.constant 16 : index
      %swap3A_75 = tpu.vector_load %arg17[%swap3A_74] {strides = array<i32>} : memref<128xf32, #tpu.memory_space<vmem>>, vector<16xf32>,
      tpu.vector_store %arg17[%swap3A_74], %exp3A_73 {strides = array<i32>} : memref<128xf32, #tpu.memory_space<vmem>>, vector<16xf32>,
      %get3A_76 = arith.constant 32 : index
      %get3A_77 = tpu.vector_load %arg14[%get3A_76] {strides = array<i32>} : memref<128xf32, #tpu.memory_space<vmem>>, vector<16xf32>,
      %get3A_78 = arith.constant 32 : index
      %get3A_79 = tpu.vector_load %arg15[%get3A_78] {strides = array<i32>} : memref<128xf32, #tpu.memory_space<vmem>>, vector<16xf32>,
      %add3A_80 = arith.addf %get3A_77, %get3A_79 : vector<16xf32>
      %ge3A_81 = arith.constant 0.000000e+00 : f32
      %ge3A_82 = vector.broadcast %ge3A_81 : f32 to vector<16xf32>
      %ge3A_83 = arith.cmpf oge, %add3A_80, %ge3A_82 : vector<16xf32>
      %mul3A_84 = arith.constant 2.000000e-01 : f32
      %mul3A_85 = vector.broadcast %mul3A_84 : f32 to vector<16xf32>
      %mul3A_86 = arith.mulf %mul3A_85, %add3A_80 : vector<16xf32>
      %select_n3A_87 = arith.select %ge3A_83, %add3A_80, %mul3A_86 : vector<16xi1>, vector<16xf32>
      %sub3A_88 = arith.subf %select_n3A_87, %get3A_9 : vector<16xf32>
      %exp3A_89 = math.exp %sub3A_88 : vector<16xf32>
      %swap3A_90 = arith.constant 32 : index
      %swap3A_91 = tpu.vector_load %arg17[%swap3A_90] {strides = array<i32>} : memref<128xf32, #tpu.memory_space<vmem>>, vector<16xf32>,
      tpu.vector_store %arg17[%swap3A_90], %exp3A_89 {strides = array<i32>} : memref<128xf32, #tpu.memory_space<vmem>>, vector<16xf32>,
      %get3A_92 = arith.constant 48 : index
      %get3A_93 = tpu.vector_load %arg14[%get3A_92] {strides = array<i32>} : memref<128xf32, #tpu.memory_space<vmem>>, vector<16xf32>,
      %get3A_94 = arith.constant 48 : index
      %get3A_95 = tpu.vector_load %arg15[%get3A_94] {strides = array<i32>} : memref<128xf32, #tpu.memory_space<vmem>>, vector<16xf32>,
      %add3A_96 = arith.addf %get3A_93, %get3A_95 : vector<16xf32>
      %ge3A_97 = arith.constant 0.000000e+00 : f32
      %ge3A_98 = vector.broadcast %ge3A_97 : f32 to vector<16xf32>
      %ge3A_99 = arith.cmpf oge, %add3A_96, %ge3A_98 : vector<16xf32>
      %mul3A_100 = arith.constant 2.000000e-01 : f32
      %mul3A_101 = vector.broadcast %mul3A_100 : f32 to vector<16xf32>
      %mul3A_102 = arith.mulf %mul3A_101, %add3A_96 : vector<16xf32>
      %select_n3A_103 = arith.select %ge3A_99, %add3A_96, %mul3A_102 : vector<16xi1>, vector<16xf32>
      %sub3A_104 = arith.subf %select_n3A_103, %get3A_9 : vector<16xf32>
      %exp3A_105 = math.exp %sub3A_104 : vector<16xf32>
      %swap3A_106 = arith.constant 48 : index
      %swap3A_107 = tpu.vector_load %arg17[%swap3A_106] {strides = array<i32>} : memref<128xf32, #tpu.memory_space<vmem>>, vector<16xf32>,
      tpu.vector_store %arg17[%swap3A_106], %exp3A_105 {strides = array<i32>} : memref<128xf32, #tpu.memory_space<vmem>>, vector<16xf32>,
      %get3A_108 = arith.constant 64 : index
      %get3A_109 = tpu.vector_load %arg14[%get3A_108] {strides = array<i32>} : memref<128xf32, #tpu.memory_space<vmem>>, vector<16xf32>,
      %get3A_110 = arith.constant 64 : index
      %get3A_111 = tpu.vector_load %arg15[%get3A_110] {strides = array<i32>} : memref<128xf32, #tpu.memory_space<vmem>>, vector<16xf32>,
      %add3A_112 = arith.addf %get3A_109, %get3A_111 : vector<16xf32>
      %ge3A_113 = arith.constant 0.000000e+00 : f32
      %ge3A_114 = vector.broadcast %ge3A_113 : f32 to vector<16xf32>
      %ge3A_115 = arith.cmpf oge, %add3A_112, %ge3A_114 : vector<16xf32>
      %mul3A_116 = arith.constant 2.000000e-01 : f32
      %mul3A_117 = vector.broadcast %mul3A_116 : f32 to vector<16xf32>
      %mul3A_118 = arith.mulf %mul3A_117, %add3A_112 : vector<16xf32>
      %select_n3A_119 = arith.select %ge3A_115, %add3A_112, %mul3A_118 : vector<16xi1>, vector<16xf32>
      %sub3A_120 = arith.subf %select_n3A_119, %get3A_9 : vector<16xf32>
      %exp3A_121 = math.exp %sub3A_120 : vector<16xf32>
      %swap3A_122 = arith.constant 64 : index
      %swap3A_123 = tpu.vector_load %arg17[%swap3A_122] {strides = array<i32>} : memref<128xf32, #tpu.memory_space<vmem>>, vector<16xf32>,
      tpu.vector_store %arg17[%swap3A_122], %exp3A_121 {strides = array<i32>} : memref<128xf32, #tpu.memory_space<vmem>>, vector<16xf32>,
      %get3A_124 = arith.constant 80 : index
      %get3A_125 = tpu.vector_load %arg14[%get3A_124] {strides = array<i32>} : memref<128xf32, #tpu.memory_space<vmem>>, vector<16xf32>,
      %get3A_126 = arith.constant 80 : index
      %get3A_127 = tpu.vector_load %arg15[%get3A_126] {strides = array<i32>} : memref<128xf32, #tpu.memory_space<vmem>>, vector<16xf32>,
      %add3A_128 = arith.addf %get3A_125, %get3A_127 : vector<16xf32>
      %ge3A_129 = arith.constant 0.000000e+00 : f32
      %ge3A_130 = vector.broadcast %ge3A_129 : f32 to vector<16xf32>
      %ge3A_131 = arith.cmpf oge, %add3A_128, %ge3A_130 : vector<16xf32>
      %mul3A_132 = arith.constant 2.000000e-01 : f32
      %mul3A_133 = vector.broadcast %mul3A_132 : f32 to vector<16xf32>
      %mul3A_134 = arith.mulf %mul3A_133, %add3A_128 : vector<16xf32>
      %select_n3A_135 = arith.select %ge3A_131, %add3A_128, %mul3A_134 : vector<16xi1>, vector<16xf32>
      %sub3A_136 = arith.subf %select_n3A_135, %get3A_9 : vector<16xf32>
      %exp3A_137 = math.exp %sub3A_136 : vector<16xf32>
      %swap3A_138 = arith.constant 80 : index
      %swap3A_139 = tpu.vector_load %arg17[%swap3A_138] {strides = array<i32>} : memref<128xf32, #tpu.memory_space<vmem>>, vector<16xf32>,
      tpu.vector_store %arg17[%swap3A_138], %exp3A_137 {strides = array<i32>} : memref<128xf32, #tpu.memory_space<vmem>>, vector<16xf32>,
      %get3A_140 = arith.constant 96 : index
      %get3A_141 = tpu.vector_load %arg14[%get3A_140] {strides = array<i32>} : memref<128xf32, #tpu.memory_space<vmem>>, vector<16xf32>,
      %get3A_142 = arith.constant 96 : index
      %get3A_143 = tpu.vector_load %arg15[%get3A_142] {strides = array<i32>} : memref<128xf32, #tpu.memory_space<vmem>>, vector<16xf32>,
      %add3A_144 = arith.addf %get3A_141, %get3A_143 : vector<16xf32>
      %ge3A_145 = arith.constant 0.000000e+00 : f32
      %ge3A_146 = vector.broadcast %ge3A_145 : f32 to vector<16xf32>
      %ge3A_147 = arith.cmpf oge, %add3A_144, %ge3A_146 : vector<16xf32>
      %mul3A_148 = arith.constant 2.000000e-01 : f32
      %mul3A_149 = vector.broadcast %mul3A_148 : f32 to vector<16xf32>
      %mul3A_150 = arith.mulf %mul3A_149, %add3A_144 : vector<16xf32>
      %select_n3A_151 = arith.select %ge3A_147, %add3A_144, %mul3A_150 : vector<16xi1>, vector<16xf32>
      %sub3A_152 = arith.subf %select_n3A_151, %get3A_9 : vector<16xf32>
      %exp3A_153 = math.exp %sub3A_152 : vector<16xf32>
      %swap3A_154 = arith.constant 96 : index
      %swap3A_155 = tpu.vector_load %arg17[%swap3A_154] {strides = array<i32>} : memref<128xf32, #tpu.memory_space<vmem>>, vector<16xf32>,
      tpu.vector_store %arg17[%swap3A_154], %exp3A_153 {strides = array<i32>} : memref<128xf32, #tpu.memory_space<vmem>>, vector<16xf32>,
      %get3A_156 = arith.constant 112 : index
      %get3A_157 = tpu.vector_load %arg14[%get3A_156] {strides = array<i32>} : memref<128xf32, #tpu.memory_space<vmem>>, vector<16xf32>,
      %get3A_158 = arith.constant 112 : index
      %get3A_159 = tpu.vector_load %arg15[%get3A_158] {strides = array<i32>} : memref<128xf32, #tpu.memory_space<vmem>>, vector<16xf32>,
      %add3A_160 = arith.addf %get3A_157, %get3A_159 : vector<16xf32>
      %ge3A_161 = arith.constant 0.000000e+00 : f32
      %ge3A_162 = vector.broadcast %ge3A_161 : f32 to vector<16xf32>
      %ge3A_163 = arith.cmpf oge, %add3A_160, %ge3A_162 : vector<16xf32>
      %mul3A_164 = arith.constant 2.000000e-01 : f32
      %mul3A_165 = vector.broadcast %mul3A_164 : f32 to vector<16xf32>
      %mul3A_166 = arith.mulf %mul3A_165, %add3A_160 : vector<16xf32>
      %select_n3A_167 = arith.select %ge3A_163, %add3A_160, %mul3A_166 : vector<16xi1>, vector<16xf32>
      %sub3A_168 = arith.subf %select_n3A_167, %get3A_9 : vector<16xf32>
      %exp3A_169 = math.exp %sub3A_168 : vector<16xf32>
      %swap3A_170 = arith.constant 112 : index
      %swap3A_171 = tpu.vector_load %arg17[%swap3A_170] {strides = array<i32>} : memref<128xf32, #tpu.memory_space<vmem>>, vector<16xf32>,
      tpu.vector_store %arg17[%swap3A_170], %exp3A_169 {strides = array<i32>} : memref<128xf32, #tpu.memory_space<vmem>>, vector<16xf32>,
      %dma_wait3A_172 = arith.constant 0 : i32
      %dma_wait3A_173 = tpu.memref_slice %arg12[%scan3A_24, %dma_wait3A_172] : memref<79x128xi32, #tpu.memory_space<vmem>> -> memref<1x128xi32, #tpu.memory_space<vmem>>
      %dma_wait3A_174 = tpu.memref_squeeze %dma_wait3A_173 : memref<1x128xi32, #tpu.memory_space<vmem>> -> memref<128xi32, #tpu.memory_space<vmem>>
      %dma_wait3A_175 = arith.constant 0 : i32
      %dma_wait3A_176 = arith.constant 0 : i32
      %dma_wait3A_177 = tpu.memref_slice %arg2[%dma_wait3A_175, %dma_wait3A_176] : memref<10000x128xf32, #tpu.memory_space<hbm>> -> memref<10000x128xf32, #tpu.memory_space<hbm>>
      tpu.wait_indirect_dma semaphore(%arg22 : memref<!tpu.dma_semaphore, #tpu.memory_space<semaphore_mem>>) src(%dma_wait3A_177 : memref<10000x128xf32, #tpu.memory_space<hbm>>) dst(%arg18 : memref<128x128xf32, #tpu.memory_space<vmem>>)
      %scan3A_178 = arith.constant 0 : i32
      %scan3A_179 = arith.constant 0 : i32
      %scan3A_180 = arith.constant 128 : i32
      %scan3A_181 = arith.addi %scan3A_179, %scan3A_180 : i32
      %scan3A_182 = arith.constant 1 : i32
      scf.for %scan3A_184 = %scan3A_179 to %scan3A_181 step %scan3A_182  : i32 {
        %broadcast_in_dim3A = vector.broadcast %scan3A_184 : i32 to vector<16xi32>
        %gather3A = tpu.vector_load_idx %arg17[%broadcast_in_dim3A] : memref<128xf32, #tpu.memory_space<vmem>>[vector<16xi32>], vector<16xf32>,
        %get3A_185 = arith.index_cast %scan3A_184 : i32 to index
        %get3A_186 = arith.constant 0 : index
        %get3A_187 = tpu.vector_load %arg18[%get3A_185, %get3A_186] {strides = array<i32>} : memref<128x128xf32, #tpu.memory_space<vmem>>, vector<16xf32>,
        %mul3A_188 = arith.mulf %get3A_187, %gather3A : vector<16xf32>
        %swap3A_189 = arith.index_cast %scan3A_184 : i32 to index
        %swap3A_190 = arith.constant 0 : index
        %swap3A_191 = tpu.vector_load %arg18[%swap3A_189, %swap3A_190] {strides = array<i32>} : memref<128x128xf32, #tpu.memory_space<vmem>>, vector<16xf32>,
        tpu.vector_store %arg18[%swap3A_189, %swap3A_190], %mul3A_188 {strides = array<i32>} : memref<128x128xf32, #tpu.memory_space<vmem>>, vector<16xf32>,
        %get3A_192 = arith.index_cast %scan3A_184 : i32 to index
        %get3A_193 = arith.constant 16 : index
        %get3A_194 = tpu.vector_load %arg18[%get3A_192, %get3A_193] {strides = array<i32>} : memref<128x128xf32, #tpu.memory_space<vmem>>, vector<16xf32>,
        %mul3A_195 = arith.mulf %get3A_194, %gather3A : vector<16xf32>
        %swap3A_196 = arith.index_cast %scan3A_184 : i32 to index
        %swap3A_197 = arith.constant 16 : index
        %swap3A_198 = tpu.vector_load %arg18[%swap3A_196, %swap3A_197] {strides = array<i32>} : memref<128x128xf32, #tpu.memory_space<vmem>>, vector<16xf32>,
        tpu.vector_store %arg18[%swap3A_196, %swap3A_197], %mul3A_195 {strides = array<i32>} : memref<128x128xf32, #tpu.memory_space<vmem>>, vector<16xf32>,
        %get3A_199 = arith.index_cast %scan3A_184 : i32 to index
        %get3A_200 = arith.constant 32 : index
        %get3A_201 = tpu.vector_load %arg18[%get3A_199, %get3A_200] {strides = array<i32>} : memref<128x128xf32, #tpu.memory_space<vmem>>, vector<16xf32>,
        %mul3A_202 = arith.mulf %get3A_201, %gather3A : vector<16xf32>
        %swap3A_203 = arith.index_cast %scan3A_184 : i32 to index
        %swap3A_204 = arith.constant 32 : index
        %swap3A_205 = tpu.vector_load %arg18[%swap3A_203, %swap3A_204] {strides = array<i32>} : memref<128x128xf32, #tpu.memory_space<vmem>>, vector<16xf32>,
        tpu.vector_store %arg18[%swap3A_203, %swap3A_204], %mul3A_202 {strides = array<i32>} : memref<128x128xf32, #tpu.memory_space<vmem>>, vector<16xf32>,
        %get3A_206 = arith.index_cast %scan3A_184 : i32 to index
        %get3A_207 = arith.constant 48 : index
        %get3A_208 = tpu.vector_load %arg18[%get3A_206, %get3A_207] {strides = array<i32>} : memref<128x128xf32, #tpu.memory_space<vmem>>, vector<16xf32>,
        %mul3A_209 = arith.mulf %get3A_208, %gather3A : vector<16xf32>
        %swap3A_210 = arith.index_cast %scan3A_184 : i32 to index
        %swap3A_211 = arith.constant 48 : index
        %swap3A_212 = tpu.vector_load %arg18[%swap3A_210, %swap3A_211] {strides = array<i32>} : memref<128x128xf32, #tpu.memory_space<vmem>>, vector<16xf32>,
        tpu.vector_store %arg18[%swap3A_210, %swap3A_211], %mul3A_209 {strides = array<i32>} : memref<128x128xf32, #tpu.memory_space<vmem>>, vector<16xf32>,
        %get3A_213 = arith.index_cast %scan3A_184 : i32 to index
        %get3A_214 = arith.constant 64 : index
        %get3A_215 = tpu.vector_load %arg18[%get3A_213, %get3A_214] {strides = array<i32>} : memref<128x128xf32, #tpu.memory_space<vmem>>, vector<16xf32>,
        %mul3A_216 = arith.mulf %get3A_215, %gather3A : vector<16xf32>
        %swap3A_217 = arith.index_cast %scan3A_184 : i32 to index
        %swap3A_218 = arith.constant 64 : index
        %swap3A_219 = tpu.vector_load %arg18[%swap3A_217, %swap3A_218] {strides = array<i32>} : memref<128x128xf32, #tpu.memory_space<vmem>>, vector<16xf32>,
        tpu.vector_store %arg18[%swap3A_217, %swap3A_218], %mul3A_216 {strides = array<i32>} : memref<128x128xf32, #tpu.memory_space<vmem>>, vector<16xf32>,
        %get3A_220 = arith.index_cast %scan3A_184 : i32 to index
        %get3A_221 = arith.constant 80 : index
        %get3A_222 = tpu.vector_load %arg18[%get3A_220, %get3A_221] {strides = array<i32>} : memref<128x128xf32, #tpu.memory_space<vmem>>, vector<16xf32>,
        %mul3A_223 = arith.mulf %get3A_222, %gather3A : vector<16xf32>
        %swap3A_224 = arith.index_cast %scan3A_184 : i32 to index
        %swap3A_225 = arith.constant 80 : index
        %swap3A_226 = tpu.vector_load %arg18[%swap3A_224, %swap3A_225] {strides = array<i32>} : memref<128x128xf32, #tpu.memory_space<vmem>>, vector<16xf32>,
        tpu.vector_store %arg18[%swap3A_224, %swap3A_225], %mul3A_223 {strides = array<i32>} : memref<128x128xf32, #tpu.memory_space<vmem>>, vector<16xf32>,
        %get3A_227 = arith.index_cast %scan3A_184 : i32 to index
        %get3A_228 = arith.constant 96 : index
        %get3A_229 = tpu.vector_load %arg18[%get3A_227, %get3A_228] {strides = array<i32>} : memref<128x128xf32, #tpu.memory_space<vmem>>, vector<16xf32>,
        %mul3A_230 = arith.mulf %get3A_229, %gather3A : vector<16xf32>
        %swap3A_231 = arith.index_cast %scan3A_184 : i32 to index
        %swap3A_232 = arith.constant 96 : index
        %swap3A_233 = tpu.vector_load %arg18[%swap3A_231, %swap3A_232] {strides = array<i32>} : memref<128x128xf32, #tpu.memory_space<vmem>>, vector<16xf32>,
        tpu.vector_store %arg18[%swap3A_231, %swap3A_232], %mul3A_230 {strides = array<i32>} : memref<128x128xf32, #tpu.memory_space<vmem>>, vector<16xf32>,
        %get3A_234 = arith.index_cast %scan3A_184 : i32 to index
        %get3A_235 = arith.constant 112 : index
        %get3A_236 = tpu.vector_load %arg18[%get3A_234, %get3A_235] {strides = array<i32>} : memref<128x128xf32, #tpu.memory_space<vmem>>, vector<16xf32>,
        %mul3A_237 = arith.mulf %get3A_236, %gather3A : vector<16xf32>
        %swap3A_238 = arith.index_cast %scan3A_184 : i32 to index
        %swap3A_239 = arith.constant 112 : index
        %swap3A_240 = tpu.vector_load %arg18[%swap3A_238, %swap3A_239] {strides = array<i32>} : memref<128x128xf32, #tpu.memory_space<vmem>>, vector<16xf32>,
        tpu.vector_store %arg18[%swap3A_238, %swap3A_239], %mul3A_237 {strides = array<i32>} : memref<128x128xf32, #tpu.memory_space<vmem>>, vector<16xf32>,
      }
      %scan3A_183 = arith.constant 128 : i32
      "tpu.region"() ({
        %run_scoped3A = tpu.sem_alloc : memref<!tpu.dma_semaphore, #tpu.memory_space<semaphore_mem>>
        %dma_start3A_184 = arith.constant 0 : i32
        %dma_start3A_185 = tpu.memref_slice %arg13[%scan3A_24, %dma_start3A_184] : memref<79x128xi32, #tpu.memory_space<vmem>> -> memref<1x128xi32, #tpu.memory_space<vmem>>
        %dma_start3A_186 = tpu.memref_squeeze %dma_start3A_185 : memref<1x128xi32, #tpu.memory_space<vmem>> -> memref<128xi32, #tpu.memory_space<vmem>>
        %dma_start3A_187 = arith.constant 0 : i32
        %dma_start3A_188 = arith.constant 0 : i32
        %dma_start3A_189 = tpu.memref_slice %arg19[%dma_start3A_187, %dma_start3A_188] : memref<10240x128xf32, #tpu.memory_space<vmem_shared>> -> memref<10240x128xf32, #tpu.memory_space<vmem_shared>>
        tpu.enqueue_indirect_dma source(%arg18 : memref<128x128xf32, #tpu.memory_space<vmem>>) target(%dma_start3A_189 : memref<10240x128xf32, #tpu.memory_space<vmem_shared>>) offsets(%dma_start3A_186 : memref<128xi32, #tpu.memory_space<vmem>>) semaphore(%run_scoped3A : memref<!tpu.dma_semaphore, #tpu.memory_space<semaphore_mem>>) {add = true}
        %dma_wait3A_190 = arith.constant 0 : i32
        %dma_wait3A_191 = tpu.memref_slice %arg13[%scan3A_24, %dma_wait3A_190] : memref<79x128xi32, #tpu.memory_space<vmem>> -> memref<1x128xi32, #tpu.memory_space<vmem>>
        %dma_wait3A_192 = tpu.memref_squeeze %dma_wait3A_191 : memref<1x128xi32, #tpu.memory_space<vmem>> -> memref<128xi32, #tpu.memory_space<vmem>>
        %dma_wait3A_193 = arith.constant 0 : i32
        %dma_wait3A_194 = arith.constant 0 : i32
        %dma_wait3A_195 = tpu.memref_slice %arg19[%dma_wait3A_193, %dma_wait3A_194] : memref<10240x128xf32, #tpu.memory_space<vmem_shared>> -> memref<10240x128xf32, #tpu.memory_space<vmem_shared>>
        tpu.wait_indirect_dma semaphore(%run_scoped3A : memref<!tpu.dma_semaphore, #tpu.memory_space<semaphore_mem>>) src(%arg18 : memref<128x128xf32, #tpu.memory_space<vmem>>) dst(%dma_wait3A_195 : memref<10240x128xf32, #tpu.memory_space<vmem_shared>>)
        tpu.yield
      }) : () -> ()
      "tpu.region"() ({
        %run_scoped3A = tpu.sem_alloc : memref<!tpu.dma_semaphore, #tpu.memory_space<semaphore_mem>>
        %dma_start3A_184 = arith.constant 0 : i32
        %dma_start3A_185 = tpu.memref_slice %arg13[%scan3A_24, %dma_start3A_184] : memref<79x128xi32, #tpu.memory_space<vmem>> -> memref<1x128xi32, #tpu.memory_space<vmem>>
        %dma_start3A_186 = tpu.memref_squeeze %dma_start3A_185 : memref<1x128xi32, #tpu.memory_space<vmem>> -> memref<128xi32, #tpu.memory_space<vmem>>
        %dma_start3A_187 = arith.constant 0 : i32
        %dma_start3A_188 = tpu.memref_slice %arg20[%dma_start3A_187] : memref<10240xf32, #tpu.memory_space<vmem_shared>> -> memref<10240xf32, #tpu.memory_space<vmem_shared>>
        tpu.enqueue_indirect_dma source(%arg17 : memref<128xf32, #tpu.memory_space<vmem>>) target(%dma_start3A_188 : memref<10240xf32, #tpu.memory_space<vmem_shared>>) offsets(%dma_start3A_186 : memref<128xi32, #tpu.memory_space<vmem>>) semaphore(%run_scoped3A : memref<!tpu.dma_semaphore, #tpu.memory_space<semaphore_mem>>) {add = true}
        %dma_wait3A_189 = arith.constant 0 : i32
        %dma_wait3A_190 = tpu.memref_slice %arg13[%scan3A_24, %dma_wait3A_189] : memref<79x128xi32, #tpu.memory_space<vmem>> -> memref<1x128xi32, #tpu.memory_space<vmem>>
        %dma_wait3A_191 = tpu.memref_squeeze %dma_wait3A_190 : memref<1x128xi32, #tpu.memory_space<vmem>> -> memref<128xi32, #tpu.memory_space<vmem>>
        %dma_wait3A_192 = arith.constant 0 : i32
        %dma_wait3A_193 = tpu.memref_slice %arg20[%dma_wait3A_192] : memref<10240xf32, #tpu.memory_space<vmem_shared>> -> memref<10240xf32, #tpu.memory_space<vmem_shared>>
        tpu.wait_indirect_dma semaphore(%run_scoped3A : memref<!tpu.dma_semaphore, #tpu.memory_space<semaphore_mem>>) src(%arg17 : memref<128xf32, #tpu.memory_space<vmem>>) dst(%dma_wait3A_193 : memref<10240xf32, #tpu.memory_space<vmem_shared>>)
        tpu.yield
      }) : () -> ()
    }
    %scan3A_14 = arith.constant 79 : i32
    %barrier3A_15 = arith.constant 0 : index
    tpu.barrier barrier_id(%barrier3A_15)
    %mul3A_16 = arith.constant 640 : i32
    %mul3A_17 = arith.muli %arg1, %mul3A_16 : i32
    %mul3A_18 = arith.constant 640 : i32
    %mul3A_19 = arith.muli %arg1, %mul3A_18 : i32
    "tpu.region"() ({
      %run_scoped3A = tpu.sem_alloc : memref<!tpu.dma_semaphore, #tpu.memory_space<semaphore_mem>>
      %dma_start3A = arith.constant 0 : i32
      %dma_start3A_24 = arith.constant 0 : i32
      %dma_start3A_25 = tpu.memref_slice %arg10[%arg0, %dma_start3A, %dma_start3A_24] : memref<2x10240x128xf32, #tpu.memory_space<hbm>> -> memref<1x10240x128xf32, #tpu.memory_space<hbm>>
      %dma_start3A_26 = tpu.memref_squeeze %dma_start3A_25 : memref<1x10240x128xf32, #tpu.memory_space<hbm>> -> memref<10240x128xf32, #tpu.memory_space<hbm>>
      %dma_start3A_27 = arith.constant 0 : i32
      %dma_start3A_28 = tpu.memref_slice %dma_start3A_26[%mul3A_19, %dma_start3A_27] : memref<10240x128xf32, #tpu.memory_space<hbm>> -> memref<640x128xf32, #tpu.memory_space<hbm>>
      %dma_start3A_29 = arith.constant 0 : i32
      %dma_start3A_30 = tpu.memref_slice %arg19[%mul3A_17, %dma_start3A_29] : memref<10240x128xf32, #tpu.memory_space<vmem_shared>> -> memref<640x128xf32, #tpu.memory_space<vmem_shared>>
      tpu.enqueue_dma source(%dma_start3A_30 : memref<640x128xf32, #tpu.memory_space<vmem_shared>>) target(%dma_start3A_28 : memref<640x128xf32, #tpu.memory_space<hbm>>) target_semaphore(%run_scoped3A : memref<!tpu.dma_semaphore, #tpu.memory_space<semaphore_mem>>)
      %dma_wait3A = arith.constant 0 : i32
      %dma_wait3A_31 = arith.constant 0 : i32
      %dma_wait3A_32 = tpu.memref_slice %arg10[%arg0, %dma_wait3A, %dma_wait3A_31] : memref<2x10240x128xf32, #tpu.memory_space<hbm>> -> memref<1x10240x128xf32, #tpu.memory_space<hbm>>
      %dma_wait3A_33 = tpu.memref_squeeze %dma_wait3A_32 : memref<1x10240x128xf32, #tpu.memory_space<hbm>> -> memref<10240x128xf32, #tpu.memory_space<hbm>>
      %dma_wait3A_34 = arith.constant 0 : i32
      %dma_wait3A_35 = tpu.memref_slice %dma_wait3A_33[%mul3A_19, %dma_wait3A_34] : memref<10240x128xf32, #tpu.memory_space<hbm>> -> memref<640x128xf32, #tpu.memory_space<hbm>>
      %dma_wait3A_36 = arith.constant 0 : i32
      %dma_wait3A_37 = tpu.memref_slice %arg19[%mul3A_17, %dma_wait3A_36] : memref<10240x128xf32, #tpu.memory_space<vmem_shared>> -> memref<640x128xf32, #tpu.memory_space<vmem_shared>>
      tpu.wait_dma2 semaphore(%run_scoped3A : memref<!tpu.dma_semaphore, #tpu.memory_space<semaphore_mem>>) src(%dma_wait3A_37 : memref<640x128xf32, #tpu.memory_space<vmem_shared>>) dst(%dma_wait3A_35 : memref<640x128xf32, #tpu.memory_space<hbm>>)
      tpu.yield
    }) : () -> ()
    %mul3A_20 = arith.constant 640 : i32
    %mul3A_21 = arith.muli %arg1, %mul3A_20 : i32
    %mul3A_22 = arith.constant 640 : i32
    %mul3A_23 = arith.muli %arg1, %mul3A_22 : i32
    "tpu.region"() ({
      %run_scoped3A = tpu.sem_alloc : memref<!tpu.dma_semaphore, #tpu.memory_space<semaphore_mem>>
      %dma_start3A = arith.constant 0 : i32
      %dma_start3A_24 = tpu.memref_slice %arg11[%arg0, %dma_start3A] : memref<2x10240xf32, #tpu.memory_space<hbm>> -> memref<1x10240xf32, #tpu.memory_space<hbm>>
      %dma_start3A_25 = tpu.memref_squeeze %dma_start3A_24 : memref<1x10240xf32, #tpu.memory_space<hbm>> -> memref<10240xf32, #tpu.memory_space<hbm>>
      %dma_start3A_26 = tpu.memref_slice %dma_start3A_25[%mul3A_23] : memref<10240xf32, #tpu.memory_space<hbm>> -> memref<640xf32, #tpu.memory_space<hbm>>
      %dma_start3A_27 = tpu.memref_slice %arg20[%mul3A_21] : memref<10240xf32, #tpu.memory_space<vmem_shared>> -> memref<640xf32, #tpu.memory_space<vmem_shared>>
      tpu.enqueue_dma source(%dma_start3A_27 : memref<640xf32, #tpu.memory_space<vmem_shared>>) target(%dma_start3A_26 : memref<640xf32, #tpu.memory_space<hbm>>) target_semaphore(%run_scoped3A : memref<!tpu.dma_semaphore, #tpu.memory_space<semaphore_mem>>)
      %dma_wait3A = arith.constant 0 : i32
      %dma_wait3A_28 = tpu.memref_slice %arg11[%arg0, %dma_wait3A] : memref<2x10240xf32, #tpu.memory_space<hbm>> -> memref<1x10240xf32, #tpu.memory_space<hbm>>
      %dma_wait3A_29 = tpu.memref_squeeze %dma_wait3A_28 : memref<1x10240xf32, #tpu.memory_space<hbm>> -> memref<10240xf32, #tpu.memory_space<hbm>>
      %dma_wait3A_30 = tpu.memref_slice %dma_wait3A_29[%mul3A_23] : memref<10240xf32, #tpu.memory_space<hbm>> -> memref<640xf32, #tpu.memory_space<hbm>>
      %dma_wait3A_31 = tpu.memref_slice %arg20[%mul3A_21] : memref<10240xf32, #tpu.memory_space<vmem_shared>> -> memref<640xf32, #tpu.memory_space<vmem_shared>>
      tpu.wait_dma2 semaphore(%run_scoped3A : memref<!tpu.dma_semaphore, #tpu.memory_space<semaphore_mem>>) src(%dma_wait3A_31 : memref<640xf32, #tpu.memory_space<vmem_shared>>) dst(%dma_wait3A_30 : memref<640xf32, #tpu.memory_space<hbm>>)
      tpu.yield
    }) : () -> ()
    return
  }
}

#map = affine_map<(d0, d1) -> (0, 0)>
#map1 = affine_map<(d0, d1) -> (0)>
#map2 = affine_map<(d0, d1) -> (0, 0, 0)>
module attributes {stable_mosaic.version = 14 : i64} {
  func.func @_sc_body(%arg0: i32, %arg1: i32, %arg2: memref<10000x128xf32, #tpu.memory_space<hbm>>, %arg3: memref<10016xf32, #tpu.memory_space<hbm>>, %arg4: memref<10016xf32, #tpu.memory_space<hbm>>, %arg5: memref<128xf32, #tpu.memory_space<hbm>>, %arg6: memref<32x79x128xi32, #tpu.memory_space<hbm>>, %arg7: memref<32x79x128xi32, #tpu.memory_space<hbm>>, %arg8: memref<10240x128xf32, #tpu.memory_space<hbm>>, %arg9: memref<10240xf32, #tpu.memory_space<hbm>>, %arg10: memref<2x10240x128xf32, #tpu.memory_space<hbm>>, %arg11: memref<2x10240xf32, #tpu.memory_space<hbm>>, %arg12: memref<79x128xi32, #tpu.memory_space<vmem>>, %arg13: memref<79x128xi32, #tpu.memory_space<vmem>>, %arg14: memref<128xf32, #tpu.memory_space<vmem>>, %arg15: memref<128xf32, #tpu.memory_space<vmem>>, %arg16: memref<16xf32, #tpu.memory_space<vmem>>, %arg17: memref<128xf32, #tpu.memory_space<vmem>>, %arg18: memref<128x128xf32, #tpu.memory_space<vmem>>, %arg19: memref<10240x128xf32, #tpu.memory_space<vmem_shared>>, %arg20: memref<10240xf32, #tpu.memory_space<vmem_shared>>, %arg21: memref<!tpu.dma_semaphore, #tpu.memory_space<semaphore_mem>>, %arg22: memref<!tpu.dma_semaphore, #tpu.memory_space<semaphore_mem>>) attributes {dimension_semantics = [#tpu.dimension_semantics<core_parallel>, #tpu.dimension_semantics<subcore_parallel>], iteration_bounds = array<i64: 2, 16>, scalar_prefetch = 0 : i64, scratch_operands = 11 : i64, tpu.core_type = #tpu.core_type<sc_vector_subcore>, window_params = [{transform_indices = #map}, {transform_indices = #map1}, {transform_indices = #map1}, {transform_indices = #map1}, {transform_indices = #map2}, {transform_indices = #map2}, {transform_indices = #map}, {transform_indices = #map1}, {transform_indices = #map2}, {transform_indices = #map}]} {
    %mul3A = arith.constant 16 : i32
    %mul3A_0 = arith.muli %arg0, %mul3A : i32
    %add3A = arith.addi %mul3A_0, %arg1 : i32
    "tpu.region"() ({
      %run_scoped3A = tpu.sem_alloc : memref<!tpu.dma_semaphore, #tpu.memory_space<semaphore_mem>>
      %dma_start3A = arith.constant 0 : i32
      %dma_start3A_24 = tpu.memref_slice %arg5[%dma_start3A] : memref<128xf32, #tpu.memory_space<hbm>> -> memref<16xf32, #tpu.memory_space<hbm>>
      %dma_start3A_25 = arith.constant 0 : i32
      %dma_start3A_26 = tpu.memref_slice %arg5[%dma_start3A_25] : memref<128xf32, #tpu.memory_space<hbm>> -> memref<16xf32, #tpu.memory_space<hbm>>
      tpu.enqueue_dma source(%dma_start3A_26 : memref<16xf32, #tpu.memory_space<hbm>>) target(%arg16 : memref<16xf32, #tpu.memory_space<vmem>>) target_semaphore(%run_scoped3A : memref<!tpu.dma_semaphore, #tpu.memory_space<semaphore_mem>>)
      %dma_wait3A = arith.constant 0 : i32
      %dma_wait3A_27 = tpu.memref_slice %arg5[%dma_wait3A] : memref<128xf32, #tpu.memory_space<hbm>> -> memref<16xf32, #tpu.memory_space<hbm>>
      %dma_wait3A_28 = arith.constant 0 : i32
      %dma_wait3A_29 = tpu.memref_slice %arg5[%dma_wait3A_28] : memref<128xf32, #tpu.memory_space<hbm>> -> memref<16xf32, #tpu.memory_space<hbm>>
      tpu.wait_dma2 semaphore(%run_scoped3A : memref<!tpu.dma_semaphore, #tpu.memory_space<semaphore_mem>>) src(%dma_wait3A_29 : memref<16xf32, #tpu.memory_space<hbm>>) dst(%arg16 : memref<16xf32, #tpu.memory_space<vmem>>)
      tpu.yield
    }) : () -> ()
    "tpu.region"() ({
      %run_scoped3A = tpu.sem_alloc : memref<!tpu.dma_semaphore, #tpu.memory_space<semaphore_mem>>
      %dma_start3A = arith.constant 0 : i32
      %dma_start3A_24 = arith.constant 0 : i32
      %dma_start3A_25 = tpu.memref_slice %arg6[%add3A, %dma_start3A, %dma_start3A_24] : memref<32x79x128xi32, #tpu.memory_space<hbm>> -> memref<1x79x128xi32, #tpu.memory_space<hbm>>
      %dma_start3A_26 = tpu.memref_squeeze %dma_start3A_25 : memref<1x79x128xi32, #tpu.memory_space<hbm>> -> memref<79x128xi32, #tpu.memory_space<hbm>>
      %dma_start3A_27 = arith.constant 0 : i32
      %dma_start3A_28 = arith.constant 0 : i32
      %dma_start3A_29 = tpu.memref_slice %arg6[%add3A, %dma_start3A_27, %dma_start3A_28] : memref<32x79x128xi32, #tpu.memory_space<hbm>> -> memref<1x79x128xi32, #tpu.memory_space<hbm>>
      %dma_start3A_30 = tpu.memref_squeeze %dma_start3A_29 : memref<1x79x128xi32, #tpu.memory_space<hbm>> -> memref<79x128xi32, #tpu.memory_space<hbm>>
      tpu.enqueue_dma source(%dma_start3A_30 : memref<79x128xi32, #tpu.memory_space<hbm>>) target(%arg12 : memref<79x128xi32, #tpu.memory_space<vmem>>) target_semaphore(%run_scoped3A : memref<!tpu.dma_semaphore, #tpu.memory_space<semaphore_mem>>)
      %dma_wait3A = arith.constant 0 : i32
      %dma_wait3A_31 = arith.constant 0 : i32
      %dma_wait3A_32 = tpu.memref_slice %arg6[%add3A, %dma_wait3A, %dma_wait3A_31] : memref<32x79x128xi32, #tpu.memory_space<hbm>> -> memref<1x79x128xi32, #tpu.memory_space<hbm>>
      %dma_wait3A_33 = tpu.memref_squeeze %dma_wait3A_32 : memref<1x79x128xi32, #tpu.memory_space<hbm>> -> memref<79x128xi32, #tpu.memory_space<hbm>>
      %dma_wait3A_34 = arith.constant 0 : i32
      %dma_wait3A_35 = arith.constant 0 : i32
      %dma_wait3A_36 = tpu.memref_slice %arg6[%add3A, %dma_wait3A_34, %dma_wait3A_35] : memref<32x79x128xi32, #tpu.memory_space<hbm>> -> memref<1x79x128xi32, #tpu.memory_space<hbm>>
      %dma_wait3A_37 = tpu.memref_squeeze %dma_wait3A_36 : memref<1x79x128xi32, #tpu.memory_space<hbm>> -> memref<79x128xi32, #tpu.memory_space<hbm>>
      tpu.wait_dma2 semaphore(%run_scoped3A : memref<!tpu.dma_semaphore, #tpu.memory_space<semaphore_mem>>) src(%dma_wait3A_37 : memref<79x128xi32, #tpu.memory_space<hbm>>) dst(%arg12 : memref<79x128xi32, #tpu.memory_space<vmem>>)
      tpu.yield
    }) : () -> ()
    "tpu.region"() ({
      %run_scoped3A = tpu.sem_alloc : memref<!tpu.dma_semaphore, #tpu.memory_space<semaphore_mem>>
      %dma_start3A = arith.constant 0 : i32
      %dma_start3A_24 = arith.constant 0 : i32
      %dma_start3A_25 = tpu.memref_slice %arg7[%add3A, %dma_start3A, %dma_start3A_24] : memref<32x79x128xi32, #tpu.memory_space<hbm>> -> memref<1x79x128xi32, #tpu.memory_space<hbm>>
      %dma_start3A_26 = tpu.memref_squeeze %dma_start3A_25 : memref<1x79x128xi32, #tpu.memory_space<hbm>> -> memref<79x128xi32, #tpu.memory_space<hbm>>
      %dma_start3A_27 = arith.constant 0 : i32
      %dma_start3A_28 = arith.constant 0 : i32
      %dma_start3A_29 = tpu.memref_slice %arg7[%add3A, %dma_start3A_27, %dma_start3A_28] : memref<32x79x128xi32, #tpu.memory_space<hbm>> -> memref<1x79x128xi32, #tpu.memory_space<hbm>>
      %dma_start3A_30 = tpu.memref_squeeze %dma_start3A_29 : memref<1x79x128xi32, #tpu.memory_space<hbm>> -> memref<79x128xi32, #tpu.memory_space<hbm>>
      tpu.enqueue_dma source(%dma_start3A_30 : memref<79x128xi32, #tpu.memory_space<hbm>>) target(%arg13 : memref<79x128xi32, #tpu.memory_space<vmem>>) target_semaphore(%run_scoped3A : memref<!tpu.dma_semaphore, #tpu.memory_space<semaphore_mem>>)
      %dma_wait3A = arith.constant 0 : i32
      %dma_wait3A_31 = arith.constant 0 : i32
      %dma_wait3A_32 = tpu.memref_slice %arg7[%add3A, %dma_wait3A, %dma_wait3A_31] : memref<32x79x128xi32, #tpu.memory_space<hbm>> -> memref<1x79x128xi32, #tpu.memory_space<hbm>>
      %dma_wait3A_33 = tpu.memref_squeeze %dma_wait3A_32 : memref<1x79x128xi32, #tpu.memory_space<hbm>> -> memref<79x128xi32, #tpu.memory_space<hbm>>
      %dma_wait3A_34 = arith.constant 0 : i32
      %dma_wait3A_35 = arith.constant 0 : i32
      %dma_wait3A_36 = tpu.memref_slice %arg7[%add3A, %dma_wait3A_34, %dma_wait3A_35] : memref<32x79x128xi32, #tpu.memory_space<hbm>> -> memref<1x79x128xi32, #tpu.memory_space<hbm>>
      %dma_wait3A_37 = tpu.memref_squeeze %dma_wait3A_36 : memref<1x79x128xi32, #tpu.memory_space<hbm>> -> memref<79x128xi32, #tpu.memory_space<hbm>>
      tpu.wait_dma2 semaphore(%run_scoped3A : memref<!tpu.dma_semaphore, #tpu.memory_space<semaphore_mem>>) src(%dma_wait3A_37 : memref<79x128xi32, #tpu.memory_space<hbm>>) dst(%arg13 : memref<79x128xi32, #tpu.memory_space<vmem>>)
      tpu.yield
    }) : () -> ()
    %mul3A_1 = arith.constant 640 : i32
    %mul3A_2 = arith.muli %arg1, %mul3A_1 : i32
    %mul3A_3 = arith.constant 640 : i32
    %mul3A_4 = arith.muli %arg1, %mul3A_3 : i32
    "tpu.region"() ({
      %run_scoped3A = tpu.sem_alloc : memref<!tpu.dma_semaphore, #tpu.memory_space<semaphore_mem>>
      %dma_start3A = arith.constant 0 : i32
      %dma_start3A_24 = tpu.memref_slice %arg19[%mul3A_4, %dma_start3A] : memref<10240x128xf32, #tpu.memory_space<vmem_shared>> -> memref<640x128xf32, #tpu.memory_space<vmem_shared>>
      %dma_start3A_25 = arith.constant 0 : i32
      %dma_start3A_26 = tpu.memref_slice %arg8[%mul3A_2, %dma_start3A_25] : memref<10240x128xf32, #tpu.memory_space<hbm>> -> memref<640x128xf32, #tpu.memory_space<hbm>>
      tpu.enqueue_dma source(%dma_start3A_26 : memref<640x128xf32, #tpu.memory_space<hbm>>) target(%dma_start3A_24 : memref<640x128xf32, #tpu.memory_space<vmem_shared>>) target_semaphore(%run_scoped3A : memref<!tpu.dma_semaphore, #tpu.memory_space<semaphore_mem>>)
      %dma_wait3A = arith.constant 0 : i32
      %dma_wait3A_27 = tpu.memref_slice %arg19[%mul3A_4, %dma_wait3A] : memref<10240x128xf32, #tpu.memory_space<vmem_shared>> -> memref<640x128xf32, #tpu.memory_space<vmem_shared>>
      %dma_wait3A_28 = arith.constant 0 : i32
      %dma_wait3A_29 = tpu.memref_slice %arg8[%mul3A_2, %dma_wait3A_28] : memref<10240x128xf32, #tpu.memory_space<hbm>> -> memref<640x128xf32, #tpu.memory_space<hbm>>
      tpu.wait_dma2 semaphore(%run_scoped3A : memref<!tpu.dma_semaphore, #tpu.memory_space<semaphore_mem>>) src(%dma_wait3A_29 : memref<640x128xf32, #tpu.memory_space<hbm>>) dst(%dma_wait3A_27 : memref<640x128xf32, #tpu.memory_space<vmem_shared>>)
      tpu.yield
    }) : () -> ()
    %mul3A_5 = arith.constant 640 : i32
    %mul3A_6 = arith.muli %arg1, %mul3A_5 : i32
    %mul3A_7 = arith.constant 640 : i32
    %mul3A_8 = arith.muli %arg1, %mul3A_7 : i32
    "tpu.region"() ({
      %run_scoped3A = tpu.sem_alloc : memref<!tpu.dma_semaphore, #tpu.memory_space<semaphore_mem>>
      %dma_start3A = tpu.memref_slice %arg20[%mul3A_8] : memref<10240xf32, #tpu.memory_space<vmem_shared>> -> memref<640xf32, #tpu.memory_space<vmem_shared>>
      %dma_start3A_24 = tpu.memref_slice %arg9[%mul3A_6] : memref<10240xf32, #tpu.memory_space<hbm>> -> memref<640xf32, #tpu.memory_space<hbm>>
      tpu.enqueue_dma source(%dma_start3A_24 : memref<640xf32, #tpu.memory_space<hbm>>) target(%dma_start3A : memref<640xf32, #tpu.memory_space<vmem_shared>>) target_semaphore(%run_scoped3A : memref<!tpu.dma_semaphore, #tpu.memory_space<semaphore_mem>>)
      %dma_wait3A = tpu.memref_slice %arg20[%mul3A_8] : memref<10240xf32, #tpu.memory_space<vmem_shared>> -> memref<640xf32, #tpu.memory_space<vmem_shared>>
      %dma_wait3A_25 = tpu.memref_slice %arg9[%mul3A_6] : memref<10240xf32, #tpu.memory_space<hbm>> -> memref<640xf32, #tpu.memory_space<hbm>>
      tpu.wait_dma2 semaphore(%run_scoped3A : memref<!tpu.dma_semaphore, #tpu.memory_space<semaphore_mem>>) src(%dma_wait3A_25 : memref<640xf32, #tpu.memory_space<hbm>>) dst(%dma_wait3A : memref<640xf32, #tpu.memory_space<vmem_shared>>)
      tpu.yield
    }) : () -> ()
    %barrier3A = arith.constant 0 : index
    tpu.barrier barrier_id(%barrier3A)
    %get3A = arith.constant 0 : index
    %get3A_9 = tpu.vector_load %arg16[%get3A] {strides = array<i32>} : memref<16xf32, #tpu.memory_space<vmem>>, vector<16xf32>,
    %scan3A = arith.constant 0 : i32
    %scan3A_10 = arith.constant 0 : i32
    %scan3A_11 = arith.constant 79 : i32
    %scan3A_12 = arith.addi %scan3A_10, %scan3A_11 : i32
    %scan3A_13 = arith.constant 1 : i32
    scf.for %scan3A_24 = %scan3A_10 to %scan3A_12 step %scan3A_13  : i32 {
      %dma_start3A = arith.constant 0 : i32
      %dma_start3A_25 = tpu.memref_slice %arg12[%scan3A_24, %dma_start3A] : memref<79x128xi32, #tpu.memory_space<vmem>> -> memref<1x128xi32, #tpu.memory_space<vmem>>
      %dma_start3A_26 = tpu.memref_squeeze %dma_start3A_25 : memref<1x128xi32, #tpu.memory_space<vmem>> -> memref<128xi32, #tpu.memory_space<vmem>>
      %dma_start3A_27 = arith.constant 0 : i32
      %dma_start3A_28 = tpu.memref_slice %arg3[%dma_start3A_27] : memref<10016xf32, #tpu.memory_space<hbm>> -> memref<10016xf32, #tpu.memory_space<hbm>>
      tpu.enqueue_indirect_dma source(%dma_start3A_28 : memref<10016xf32, #tpu.memory_space<hbm>>) target(%arg14 : memref<128xf32, #tpu.memory_space<vmem>>) offsets(%dma_start3A_26 : memref<128xi32, #tpu.memory_space<vmem>>) semaphore(%arg21 : memref<!tpu.dma_semaphore, #tpu.memory_space<semaphore_mem>>)
      %dma_start3A_29 = arith.constant 0 : i32
      %dma_start3A_30 = tpu.memref_slice %arg13[%scan3A_24, %dma_start3A_29] : memref<79x128xi32, #tpu.memory_space<vmem>> -> memref<1x128xi32, #tpu.memory_space<vmem>>
      %dma_start3A_31 = tpu.memref_squeeze %dma_start3A_30 : memref<1x128xi32, #tpu.memory_space<vmem>> -> memref<128xi32, #tpu.memory_space<vmem>>
      %dma_start3A_32 = arith.constant 0 : i32
      %dma_start3A_33 = tpu.memref_slice %arg4[%dma_start3A_32] : memref<10016xf32, #tpu.memory_space<hbm>> -> memref<10016xf32, #tpu.memory_space<hbm>>
      tpu.enqueue_indirect_dma source(%dma_start3A_33 : memref<10016xf32, #tpu.memory_space<hbm>>) target(%arg15 : memref<128xf32, #tpu.memory_space<vmem>>) offsets(%dma_start3A_31 : memref<128xi32, #tpu.memory_space<vmem>>) semaphore(%arg21 : memref<!tpu.dma_semaphore, #tpu.memory_space<semaphore_mem>>)
      %dma_start3A_34 = arith.constant 0 : i32
      %dma_start3A_35 = tpu.memref_slice %arg12[%scan3A_24, %dma_start3A_34] : memref<79x128xi32, #tpu.memory_space<vmem>> -> memref<1x128xi32, #tpu.memory_space<vmem>>
      %dma_start3A_36 = tpu.memref_squeeze %dma_start3A_35 : memref<1x128xi32, #tpu.memory_space<vmem>> -> memref<128xi32, #tpu.memory_space<vmem>>
      %dma_start3A_37 = arith.constant 0 : i32
      %dma_start3A_38 = arith.constant 0 : i32
      %dma_start3A_39 = tpu.memref_slice %arg2[%dma_start3A_37, %dma_start3A_38] : memref<10000x128xf32, #tpu.memory_space<hbm>> -> memref<10000x128xf32, #tpu.memory_space<hbm>>
      tpu.enqueue_indirect_dma source(%dma_start3A_39 : memref<10000x128xf32, #tpu.memory_space<hbm>>) target(%arg18 : memref<128x128xf32, #tpu.memory_space<vmem>>) offsets(%dma_start3A_36 : memref<128xi32, #tpu.memory_space<vmem>>) semaphore(%arg22 : memref<!tpu.dma_semaphore, #tpu.memory_space<semaphore_mem>>)
      %dma_wait3A = arith.constant 0 : i32
      %dma_wait3A_40 = tpu.memref_slice %arg12[%scan3A_24, %dma_wait3A] : memref<79x128xi32, #tpu.memory_space<vmem>> -> memref<1x128xi32, #tpu.memory_space<vmem>>
      %dma_wait3A_41 = tpu.memref_squeeze %dma_wait3A_40 : memref<1x128xi32, #tpu.memory_space<vmem>> -> memref<128xi32, #tpu.memory_space<vmem>>
      %dma_wait3A_42 = arith.constant 0 : i32
      %dma_wait3A_43 = tpu.memref_slice %arg3[%dma_wait3A_42] : memref<10016xf32, #tpu.memory_space<hbm>> -> memref<10016xf32, #tpu.memory_space<hbm>>
      tpu.wait_indirect_dma semaphore(%arg21 : memref<!tpu.dma_semaphore, #tpu.memory_space<semaphore_mem>>) src(%dma_wait3A_43 : memref<10016xf32, #tpu.memory_space<hbm>>) dst(%arg14 : memref<128xf32, #tpu.memory_space<vmem>>)
      %dma_wait3A_44 = arith.constant 0 : i32
      %dma_wait3A_45 = tpu.memref_slice %arg13[%scan3A_24, %dma_wait3A_44] : memref<79x128xi32, #tpu.memory_space<vmem>> -> memref<1x128xi32, #tpu.memory_space<vmem>>
      %dma_wait3A_46 = tpu.memref_squeeze %dma_wait3A_45 : memref<1x128xi32, #tpu.memory_space<vmem>> -> memref<128xi32, #tpu.memory_space<vmem>>
      %dma_wait3A_47 = arith.constant 0 : i32
      %dma_wait3A_48 = tpu.memref_slice %arg4[%dma_wait3A_47] : memref<10016xf32, #tpu.memory_space<hbm>> -> memref<10016xf32, #tpu.memory_space<hbm>>
      tpu.wait_indirect_dma semaphore(%arg21 : memref<!tpu.dma_semaphore, #tpu.memory_space<semaphore_mem>>) src(%dma_wait3A_48 : memref<10016xf32, #tpu.memory_space<hbm>>) dst(%arg15 : memref<128xf32, #tpu.memory_space<vmem>>)
      %get3A_49 = arith.constant 0 : index
      %get3A_50 = tpu.vector_load %arg14[%get3A_49] {strides = array<i32>} : memref<128xf32, #tpu.memory_space<vmem>>, vector<16xf32>,
      %get3A_51 = arith.constant 0 : index
      %get3A_52 = tpu.vector_load %arg15[%get3A_51] {strides = array<i32>} : memref<128xf32, #tpu.memory_space<vmem>>, vector<16xf32>,
      %add3A_53 = arith.addf %get3A_50, %get3A_52 : vector<16xf32>
      %ge3A = arith.constant 0.000000e+00 : f32
      %ge3A_54 = vector.broadcast %ge3A : f32 to vector<16xf32>
      %ge3A_55 = arith.cmpf oge, %add3A_53, %ge3A_54 : vector<16xf32>
      %mul3A_56 = arith.constant 2.000000e-01 : f32
      %mul3A_57 = vector.broadcast %mul3A_56 : f32 to vector<16xf32>
      %mul3A_58 = arith.mulf %mul3A_57, %add3A_53 : vector<16xf32>
      %select_n3A = arith.select %ge3A_55, %add3A_53, %mul3A_58 : vector<16xi1>, vector<16xf32>
      %sub3A = arith.subf %select_n3A, %get3A_9 : vector<16xf32>
      %exp3A = math.exp %sub3A : vector<16xf32>
      %swap3A = arith.constant 0 : index
      %swap3A_59 = tpu.vector_load %arg17[%swap3A] {strides = array<i32>} : memref<128xf32, #tpu.memory_space<vmem>>, vector<16xf32>,
      tpu.vector_store %arg17[%swap3A], %exp3A {strides = array<i32>} : memref<128xf32, #tpu.memory_space<vmem>>, vector<16xf32>,
      %get3A_60 = arith.constant 16 : index
      %get3A_61 = tpu.vector_load %arg14[%get3A_60] {strides = array<i32>} : memref<128xf32, #tpu.memory_space<vmem>>, vector<16xf32>,
      %get3A_62 = arith.constant 16 : index
      %get3A_63 = tpu.vector_load %arg15[%get3A_62] {strides = array<i32>} : memref<128xf32, #tpu.memory_space<vmem>>, vector<16xf32>,
      %add3A_64 = arith.addf %get3A_61, %get3A_63 : vector<16xf32>
      %ge3A_65 = arith.constant 0.000000e+00 : f32
      %ge3A_66 = vector.broadcast %ge3A_65 : f32 to vector<16xf32>
      %ge3A_67 = arith.cmpf oge, %add3A_64, %ge3A_66 : vector<16xf32>
      %mul3A_68 = arith.constant 2.000000e-01 : f32
      %mul3A_69 = vector.broadcast %mul3A_68 : f32 to vector<16xf32>
      %mul3A_70 = arith.mulf %mul3A_69, %add3A_64 : vector<16xf32>
      %select_n3A_71 = arith.select %ge3A_67, %add3A_64, %mul3A_70 : vector<16xi1>, vector<16xf32>
      %sub3A_72 = arith.subf %select_n3A_71, %get3A_9 : vector<16xf32>
      %exp3A_73 = math.exp %sub3A_72 : vector<16xf32>
      %swap3A_74 = arith.constant 16 : index
      %swap3A_75 = tpu.vector_load %arg17[%swap3A_74] {strides = array<i32>} : memref<128xf32, #tpu.memory_space<vmem>>, vector<16xf32>,
      tpu.vector_store %arg17[%swap3A_74], %exp3A_73 {strides = array<i32>} : memref<128xf32, #tpu.memory_space<vmem>>, vector<16xf32>,
      %get3A_76 = arith.constant 32 : index
      %get3A_77 = tpu.vector_load %arg14[%get3A_76] {strides = array<i32>} : memref<128xf32, #tpu.memory_space<vmem>>, vector<16xf32>,
      %get3A_78 = arith.constant 32 : index
      %get3A_79 = tpu.vector_load %arg15[%get3A_78] {strides = array<i32>} : memref<128xf32, #tpu.memory_space<vmem>>, vector<16xf32>,
      %add3A_80 = arith.addf %get3A_77, %get3A_79 : vector<16xf32>
      %ge3A_81 = arith.constant 0.000000e+00 : f32
      %ge3A_82 = vector.broadcast %ge3A_81 : f32 to vector<16xf32>
      %ge3A_83 = arith.cmpf oge, %add3A_80, %ge3A_82 : vector<16xf32>
      %mul3A_84 = arith.constant 2.000000e-01 : f32
      %mul3A_85 = vector.broadcast %mul3A_84 : f32 to vector<16xf32>
      %mul3A_86 = arith.mulf %mul3A_85, %add3A_80 : vector<16xf32>
      %select_n3A_87 = arith.select %ge3A_83, %add3A_80, %mul3A_86 : vector<16xi1>, vector<16xf32>
      %sub3A_88 = arith.subf %select_n3A_87, %get3A_9 : vector<16xf32>
      %exp3A_89 = math.exp %sub3A_88 : vector<16xf32>
      %swap3A_90 = arith.constant 32 : index
      %swap3A_91 = tpu.vector_load %arg17[%swap3A_90] {strides = array<i32>} : memref<128xf32, #tpu.memory_space<vmem>>, vector<16xf32>,
      tpu.vector_store %arg17[%swap3A_90], %exp3A_89 {strides = array<i32>} : memref<128xf32, #tpu.memory_space<vmem>>, vector<16xf32>,
      %get3A_92 = arith.constant 48 : index
      %get3A_93 = tpu.vector_load %arg14[%get3A_92] {strides = array<i32>} : memref<128xf32, #tpu.memory_space<vmem>>, vector<16xf32>,
      %get3A_94 = arith.constant 48 : index
      %get3A_95 = tpu.vector_load %arg15[%get3A_94] {strides = array<i32>} : memref<128xf32, #tpu.memory_space<vmem>>, vector<16xf32>,
      %add3A_96 = arith.addf %get3A_93, %get3A_95 : vector<16xf32>
      %ge3A_97 = arith.constant 0.000000e+00 : f32
      %ge3A_98 = vector.broadcast %ge3A_97 : f32 to vector<16xf32>
      %ge3A_99 = arith.cmpf oge, %add3A_96, %ge3A_98 : vector<16xf32>
      %mul3A_100 = arith.constant 2.000000e-01 : f32
      %mul3A_101 = vector.broadcast %mul3A_100 : f32 to vector<16xf32>
      %mul3A_102 = arith.mulf %mul3A_101, %add3A_96 : vector<16xf32>
      %select_n3A_103 = arith.select %ge3A_99, %add3A_96, %mul3A_102 : vector<16xi1>, vector<16xf32>
      %sub3A_104 = arith.subf %select_n3A_103, %get3A_9 : vector<16xf32>
      %exp3A_105 = math.exp %sub3A_104 : vector<16xf32>
      %swap3A_106 = arith.constant 48 : index
      %swap3A_107 = tpu.vector_load %arg17[%swap3A_106] {strides = array<i32>} : memref<128xf32, #tpu.memory_space<vmem>>, vector<16xf32>,
      tpu.vector_store %arg17[%swap3A_106], %exp3A_105 {strides = array<i32>} : memref<128xf32, #tpu.memory_space<vmem>>, vector<16xf32>,
      %get3A_108 = arith.constant 64 : index
      %get3A_109 = tpu.vector_load %arg14[%get3A_108] {strides = array<i32>} : memref<128xf32, #tpu.memory_space<vmem>>, vector<16xf32>,
      %get3A_110 = arith.constant 64 : index
      %get3A_111 = tpu.vector_load %arg15[%get3A_110] {strides = array<i32>} : memref<128xf32, #tpu.memory_space<vmem>>, vector<16xf32>,
      %add3A_112 = arith.addf %get3A_109, %get3A_111 : vector<16xf32>
      %ge3A_113 = arith.constant 0.000000e+00 : f32
      %ge3A_114 = vector.broadcast %ge3A_113 : f32 to vector<16xf32>
      %ge3A_115 = arith.cmpf oge, %add3A_112, %ge3A_114 : vector<16xf32>
      %mul3A_116 = arith.constant 2.000000e-01 : f32
      %mul3A_117 = vector.broadcast %mul3A_116 : f32 to vector<16xf32>
      %mul3A_118 = arith.mulf %mul3A_117, %add3A_112 : vector<16xf32>
      %select_n3A_119 = arith.select %ge3A_115, %add3A_112, %mul3A_118 : vector<16xi1>, vector<16xf32>
      %sub3A_120 = arith.subf %select_n3A_119, %get3A_9 : vector<16xf32>
      %exp3A_121 = math.exp %sub3A_120 : vector<16xf32>
      %swap3A_122 = arith.constant 64 : index
      %swap3A_123 = tpu.vector_load %arg17[%swap3A_122] {strides = array<i32>} : memref<128xf32, #tpu.memory_space<vmem>>, vector<16xf32>,
      tpu.vector_store %arg17[%swap3A_122], %exp3A_121 {strides = array<i32>} : memref<128xf32, #tpu.memory_space<vmem>>, vector<16xf32>,
      %get3A_124 = arith.constant 80 : index
      %get3A_125 = tpu.vector_load %arg14[%get3A_124] {strides = array<i32>} : memref<128xf32, #tpu.memory_space<vmem>>, vector<16xf32>,
      %get3A_126 = arith.constant 80 : index
      %get3A_127 = tpu.vector_load %arg15[%get3A_126] {strides = array<i32>} : memref<128xf32, #tpu.memory_space<vmem>>, vector<16xf32>,
      %add3A_128 = arith.addf %get3A_125, %get3A_127 : vector<16xf32>
      %ge3A_129 = arith.constant 0.000000e+00 : f32
      %ge3A_130 = vector.broadcast %ge3A_129 : f32 to vector<16xf32>
      %ge3A_131 = arith.cmpf oge, %add3A_128, %ge3A_130 : vector<16xf32>
      %mul3A_132 = arith.constant 2.000000e-01 : f32
      %mul3A_133 = vector.broadcast %mul3A_132 : f32 to vector<16xf32>
      %mul3A_134 = arith.mulf %mul3A_133, %add3A_128 : vector<16xf32>
      %select_n3A_135 = arith.select %ge3A_131, %add3A_128, %mul3A_134 : vector<16xi1>, vector<16xf32>
      %sub3A_136 = arith.subf %select_n3A_135, %get3A_9 : vector<16xf32>
      %exp3A_137 = math.exp %sub3A_136 : vector<16xf32>
      %swap3A_138 = arith.constant 80 : index
      %swap3A_139 = tpu.vector_load %arg17[%swap3A_138] {strides = array<i32>} : memref<128xf32, #tpu.memory_space<vmem>>, vector<16xf32>,
      tpu.vector_store %arg17[%swap3A_138], %exp3A_137 {strides = array<i32>} : memref<128xf32, #tpu.memory_space<vmem>>, vector<16xf32>,
      %get3A_140 = arith.constant 96 : index
      %get3A_141 = tpu.vector_load %arg14[%get3A_140] {strides = array<i32>} : memref<128xf32, #tpu.memory_space<vmem>>, vector<16xf32>,
      %get3A_142 = arith.constant 96 : index
      %get3A_143 = tpu.vector_load %arg15[%get3A_142] {strides = array<i32>} : memref<128xf32, #tpu.memory_space<vmem>>, vector<16xf32>,
      %add3A_144 = arith.addf %get3A_141, %get3A_143 : vector<16xf32>
      %ge3A_145 = arith.constant 0.000000e+00 : f32
      %ge3A_146 = vector.broadcast %ge3A_145 : f32 to vector<16xf32>
      %ge3A_147 = arith.cmpf oge, %add3A_144, %ge3A_146 : vector<16xf32>
      %mul3A_148 = arith.constant 2.000000e-01 : f32
      %mul3A_149 = vector.broadcast %mul3A_148 : f32 to vector<16xf32>
      %mul3A_150 = arith.mulf %mul3A_149, %add3A_144 : vector<16xf32>
      %select_n3A_151 = arith.select %ge3A_147, %add3A_144, %mul3A_150 : vector<16xi1>, vector<16xf32>
      %sub3A_152 = arith.subf %select_n3A_151, %get3A_9 : vector<16xf32>
      %exp3A_153 = math.exp %sub3A_152 : vector<16xf32>
      %swap3A_154 = arith.constant 96 : index
      %swap3A_155 = tpu.vector_load %arg17[%swap3A_154] {strides = array<i32>} : memref<128xf32, #tpu.memory_space<vmem>>, vector<16xf32>,
      tpu.vector_store %arg17[%swap3A_154], %exp3A_153 {strides = array<i32>} : memref<128xf32, #tpu.memory_space<vmem>>, vector<16xf32>,
      %get3A_156 = arith.constant 112 : index
      %get3A_157 = tpu.vector_load %arg14[%get3A_156] {strides = array<i32>} : memref<128xf32, #tpu.memory_space<vmem>>, vector<16xf32>,
      %get3A_158 = arith.constant 112 : index
      %get3A_159 = tpu.vector_load %arg15[%get3A_158] {strides = array<i32>} : memref<128xf32, #tpu.memory_space<vmem>>, vector<16xf32>,
      %add3A_160 = arith.addf %get3A_157, %get3A_159 : vector<16xf32>
      %ge3A_161 = arith.constant 0.000000e+00 : f32
      %ge3A_162 = vector.broadcast %ge3A_161 : f32 to vector<16xf32>
      %ge3A_163 = arith.cmpf oge, %add3A_160, %ge3A_162 : vector<16xf32>
      %mul3A_164 = arith.constant 2.000000e-01 : f32
      %mul3A_165 = vector.broadcast %mul3A_164 : f32 to vector<16xf32>
      %mul3A_166 = arith.mulf %mul3A_165, %add3A_160 : vector<16xf32>
      %select_n3A_167 = arith.select %ge3A_163, %add3A_160, %mul3A_166 : vector<16xi1>, vector<16xf32>
      %sub3A_168 = arith.subf %select_n3A_167, %get3A_9 : vector<16xf32>
      %exp3A_169 = math.exp %sub3A_168 : vector<16xf32>
      %swap3A_170 = arith.constant 112 : index
      %swap3A_171 = tpu.vector_load %arg17[%swap3A_170] {strides = array<i32>} : memref<128xf32, #tpu.memory_space<vmem>>, vector<16xf32>,
      tpu.vector_store %arg17[%swap3A_170], %exp3A_169 {strides = array<i32>} : memref<128xf32, #tpu.memory_space<vmem>>, vector<16xf32>,
      %dma_wait3A_172 = arith.constant 0 : i32
      %dma_wait3A_173 = tpu.memref_slice %arg12[%scan3A_24, %dma_wait3A_172] : memref<79x128xi32, #tpu.memory_space<vmem>> -> memref<1x128xi32, #tpu.memory_space<vmem>>
      %dma_wait3A_174 = tpu.memref_squeeze %dma_wait3A_173 : memref<1x128xi32, #tpu.memory_space<vmem>> -> memref<128xi32, #tpu.memory_space<vmem>>
      %dma_wait3A_175 = arith.constant 0 : i32
      %dma_wait3A_176 = arith.constant 0 : i32
      %dma_wait3A_177 = tpu.memref_slice %arg2[%dma_wait3A_175, %dma_wait3A_176] : memref<10000x128xf32, #tpu.memory_space<hbm>> -> memref<10000x128xf32, #tpu.memory_space<hbm>>
      tpu.wait_indirect_dma semaphore(%arg22 : memref<!tpu.dma_semaphore, #tpu.memory_space<semaphore_mem>>) src(%dma_wait3A_177 : memref<10000x128xf32, #tpu.memory_space<hbm>>) dst(%arg18 : memref<128x128xf32, #tpu.memory_space<vmem>>)
      %scan3A_178 = arith.constant 0 : i32
      %scan3A_179 = arith.constant 0 : i32
      %scan3A_180 = arith.constant 128 : i32
      %scan3A_181 = arith.addi %scan3A_179, %scan3A_180 : i32
      %scan3A_182 = arith.constant 1 : i32
      scf.for %scan3A_184 = %scan3A_179 to %scan3A_181 step %scan3A_182  : i32 {
        %broadcast_in_dim3A = vector.broadcast %scan3A_184 : i32 to vector<16xi32>
        %gather3A = tpu.vector_load_idx %arg17[%broadcast_in_dim3A] : memref<128xf32, #tpu.memory_space<vmem>>[vector<16xi32>], vector<16xf32>,
        %get3A_185 = arith.index_cast %scan3A_184 : i32 to index
        %get3A_186 = arith.constant 0 : index
        %get3A_187 = tpu.vector_load %arg18[%get3A_185, %get3A_186] {strides = array<i32>} : memref<128x128xf32, #tpu.memory_space<vmem>>, vector<16xf32>,
        %mul3A_188 = arith.mulf %get3A_187, %gather3A : vector<16xf32>
        %swap3A_189 = arith.index_cast %scan3A_184 : i32 to index
        %swap3A_190 = arith.constant 0 : index
        %swap3A_191 = tpu.vector_load %arg18[%swap3A_189, %swap3A_190] {strides = array<i32>} : memref<128x128xf32, #tpu.memory_space<vmem>>, vector<16xf32>,
        tpu.vector_store %arg18[%swap3A_189, %swap3A_190], %mul3A_188 {strides = array<i32>} : memref<128x128xf32, #tpu.memory_space<vmem>>, vector<16xf32>,
        %get3A_192 = arith.index_cast %scan3A_184 : i32 to index
        %get3A_193 = arith.constant 16 : index
        %get3A_194 = tpu.vector_load %arg18[%get3A_192, %get3A_193] {strides = array<i32>} : memref<128x128xf32, #tpu.memory_space<vmem>>, vector<16xf32>,
        %mul3A_195 = arith.mulf %get3A_194, %gather3A : vector<16xf32>
        %swap3A_196 = arith.index_cast %scan3A_184 : i32 to index
        %swap3A_197 = arith.constant 16 : index
        %swap3A_198 = tpu.vector_load %arg18[%swap3A_196, %swap3A_197] {strides = array<i32>} : memref<128x128xf32, #tpu.memory_space<vmem>>, vector<16xf32>,
        tpu.vector_store %arg18[%swap3A_196, %swap3A_197], %mul3A_195 {strides = array<i32>} : memref<128x128xf32, #tpu.memory_space<vmem>>, vector<16xf32>,
        %get3A_199 = arith.index_cast %scan3A_184 : i32 to index
        %get3A_200 = arith.constant 32 : index
        %get3A_201 = tpu.vector_load %arg18[%get3A_199, %get3A_200] {strides = array<i32>} : memref<128x128xf32, #tpu.memory_space<vmem>>, vector<16xf32>,
        %mul3A_202 = arith.mulf %get3A_201, %gather3A : vector<16xf32>
        %swap3A_203 = arith.index_cast %scan3A_184 : i32 to index
        %swap3A_204 = arith.constant 32 : index
        %swap3A_205 = tpu.vector_load %arg18[%swap3A_203, %swap3A_204] {strides = array<i32>} : memref<128x128xf32, #tpu.memory_space<vmem>>, vector<16xf32>,
        tpu.vector_store %arg18[%swap3A_203, %swap3A_204], %mul3A_202 {strides = array<i32>} : memref<128x128xf32, #tpu.memory_space<vmem>>, vector<16xf32>,
        %get3A_206 = arith.index_cast %scan3A_184 : i32 to index
        %get3A_207 = arith.constant 48 : index
        %get3A_208 = tpu.vector_load %arg18[%get3A_206, %get3A_207] {strides = array<i32>} : memref<128x128xf32, #tpu.memory_space<vmem>>, vector<16xf32>,
        %mul3A_209 = arith.mulf %get3A_208, %gather3A : vector<16xf32>
        %swap3A_210 = arith.index_cast %scan3A_184 : i32 to index
        %swap3A_211 = arith.constant 48 : index
        %swap3A_212 = tpu.vector_load %arg18[%swap3A_210, %swap3A_211] {strides = array<i32>} : memref<128x128xf32, #tpu.memory_space<vmem>>, vector<16xf32>,
        tpu.vector_store %arg18[%swap3A_210, %swap3A_211], %mul3A_209 {strides = array<i32>} : memref<128x128xf32, #tpu.memory_space<vmem>>, vector<16xf32>,
        %get3A_213 = arith.index_cast %scan3A_184 : i32 to index
        %get3A_214 = arith.constant 64 : index
        %get3A_215 = tpu.vector_load %arg18[%get3A_213, %get3A_214] {strides = array<i32>} : memref<128x128xf32, #tpu.memory_space<vmem>>, vector<16xf32>,
        %mul3A_216 = arith.mulf %get3A_215, %gather3A : vector<16xf32>
        %swap3A_217 = arith.index_cast %scan3A_184 : i32 to index
        %swap3A_218 = arith.constant 64 : index
        %swap3A_219 = tpu.vector_load %arg18[%swap3A_217, %swap3A_218] {strides = array<i32>} : memref<128x128xf32, #tpu.memory_space<vmem>>, vector<16xf32>,
        tpu.vector_store %arg18[%swap3A_217, %swap3A_218], %mul3A_216 {strides = array<i32>} : memref<128x128xf32, #tpu.memory_space<vmem>>, vector<16xf32>,
        %get3A_220 = arith.index_cast %scan3A_184 : i32 to index
        %get3A_221 = arith.constant 80 : index
        %get3A_222 = tpu.vector_load %arg18[%get3A_220, %get3A_221] {strides = array<i32>} : memref<128x128xf32, #tpu.memory_space<vmem>>, vector<16xf32>,
        %mul3A_223 = arith.mulf %get3A_222, %gather3A : vector<16xf32>
        %swap3A_224 = arith.index_cast %scan3A_184 : i32 to index
        %swap3A_225 = arith.constant 80 : index
        %swap3A_226 = tpu.vector_load %arg18[%swap3A_224, %swap3A_225] {strides = array<i32>} : memref<128x128xf32, #tpu.memory_space<vmem>>, vector<16xf32>,
        tpu.vector_store %arg18[%swap3A_224, %swap3A_225], %mul3A_223 {strides = array<i32>} : memref<128x128xf32, #tpu.memory_space<vmem>>, vector<16xf32>,
        %get3A_227 = arith.index_cast %scan3A_184 : i32 to index
        %get3A_228 = arith.constant 96 : index
        %get3A_229 = tpu.vector_load %arg18[%get3A_227, %get3A_228] {strides = array<i32>} : memref<128x128xf32, #tpu.memory_space<vmem>>, vector<16xf32>,
        %mul3A_230 = arith.mulf %get3A_229, %gather3A : vector<16xf32>
        %swap3A_231 = arith.index_cast %scan3A_184 : i32 to index
        %swap3A_232 = arith.constant 96 : index
        %swap3A_233 = tpu.vector_load %arg18[%swap3A_231, %swap3A_232] {strides = array<i32>} : memref<128x128xf32, #tpu.memory_space<vmem>>, vector<16xf32>,
        tpu.vector_store %arg18[%swap3A_231, %swap3A_232], %mul3A_230 {strides = array<i32>} : memref<128x128xf32, #tpu.memory_space<vmem>>, vector<16xf32>,
        %get3A_234 = arith.index_cast %scan3A_184 : i32 to index
        %get3A_235 = arith.constant 112 : index
        %get3A_236 = tpu.vector_load %arg18[%get3A_234, %get3A_235] {strides = array<i32>} : memref<128x128xf32, #tpu.memory_space<vmem>>, vector<16xf32>,
        %mul3A_237 = arith.mulf %get3A_236, %gather3A : vector<16xf32>
        %swap3A_238 = arith.index_cast %scan3A_184 : i32 to index
        %swap3A_239 = arith.constant 112 : index
        %swap3A_240 = tpu.vector_load %arg18[%swap3A_238, %swap3A_239] {strides = array<i32>} : memref<128x128xf32, #tpu.memory_space<vmem>>, vector<16xf32>,
        tpu.vector_store %arg18[%swap3A_238, %swap3A_239], %mul3A_237 {strides = array<i32>} : memref<128x128xf32, #tpu.memory_space<vmem>>, vector<16xf32>,
      }
      %scan3A_183 = arith.constant 128 : i32
      "tpu.region"() ({
        %run_scoped3A = tpu.sem_alloc : memref<!tpu.dma_semaphore, #tpu.memory_space<semaphore_mem>>
        %dma_start3A_184 = arith.constant 0 : i32
        %dma_start3A_185 = tpu.memref_slice %arg13[%scan3A_24, %dma_start3A_184] : memref<79x128xi32, #tpu.memory_space<vmem>> -> memref<1x128xi32, #tpu.memory_space<vmem>>
        %dma_start3A_186 = tpu.memref_squeeze %dma_start3A_185 : memref<1x128xi32, #tpu.memory_space<vmem>> -> memref<128xi32, #tpu.memory_space<vmem>>
        %dma_start3A_187 = arith.constant 0 : i32
        %dma_start3A_188 = arith.constant 0 : i32
        %dma_start3A_189 = tpu.memref_slice %arg19[%dma_start3A_187, %dma_start3A_188] : memref<10240x128xf32, #tpu.memory_space<vmem_shared>> -> memref<10240x128xf32, #tpu.memory_space<vmem_shared>>
        tpu.enqueue_indirect_dma source(%arg18 : memref<128x128xf32, #tpu.memory_space<vmem>>) target(%dma_start3A_189 : memref<10240x128xf32, #tpu.memory_space<vmem_shared>>) offsets(%dma_start3A_186 : memref<128xi32, #tpu.memory_space<vmem>>) semaphore(%run_scoped3A : memref<!tpu.dma_semaphore, #tpu.memory_space<semaphore_mem>>) {add = true}
        %dma_wait3A_190 = arith.constant 0 : i32
        %dma_wait3A_191 = tpu.memref_slice %arg13[%scan3A_24, %dma_wait3A_190] : memref<79x128xi32, #tpu.memory_space<vmem>> -> memref<1x128xi32, #tpu.memory_space<vmem>>
        %dma_wait3A_192 = tpu.memref_squeeze %dma_wait3A_191 : memref<1x128xi32, #tpu.memory_space<vmem>> -> memref<128xi32, #tpu.memory_space<vmem>>
        %dma_wait3A_193 = arith.constant 0 : i32
        %dma_wait3A_194 = arith.constant 0 : i32
        %dma_wait3A_195 = tpu.memref_slice %arg19[%dma_wait3A_193, %dma_wait3A_194] : memref<10240x128xf32, #tpu.memory_space<vmem_shared>> -> memref<10240x128xf32, #tpu.memory_space<vmem_shared>>
        tpu.wait_indirect_dma semaphore(%run_scoped3A : memref<!tpu.dma_semaphore, #tpu.memory_space<semaphore_mem>>) src(%arg18 : memref<128x128xf32, #tpu.memory_space<vmem>>) dst(%dma_wait3A_195 : memref<10240x128xf32, #tpu.memory_space<vmem_shared>>)
        tpu.yield
      }) : () -> ()
      "tpu.region"() ({
        %run_scoped3A = tpu.sem_alloc : memref<!tpu.dma_semaphore, #tpu.memory_space<semaphore_mem>>
        %dma_start3A_184 = arith.constant 0 : i32
        %dma_start3A_185 = tpu.memref_slice %arg13[%scan3A_24, %dma_start3A_184] : memref<79x128xi32, #tpu.memory_space<vmem>> -> memref<1x128xi32, #tpu.memory_space<vmem>>
        %dma_start3A_186 = tpu.memref_squeeze %dma_start3A_185 : memref<1x128xi32, #tpu.memory_space<vmem>> -> memref<128xi32, #tpu.memory_space<vmem>>
        %dma_start3A_187 = arith.constant 0 : i32
        %dma_start3A_188 = tpu.memref_slice %arg20[%dma_start3A_187] : memref<10240xf32, #tpu.memory_space<vmem_shared>> -> memref<10240xf32, #tpu.memory_space<vmem_shared>>
        tpu.enqueue_indirect_dma source(%arg17 : memref<128xf32, #tpu.memory_space<vmem>>) target(%dma_start3A_188 : memref<10240xf32, #tpu.memory_space<vmem_shared>>) offsets(%dma_start3A_186 : memref<128xi32, #tpu.memory_space<vmem>>) semaphore(%run_scoped3A : memref<!tpu.dma_semaphore, #tpu.memory_space<semaphore_mem>>) {add = true}
        %dma_wait3A_189 = arith.constant 0 : i32
        %dma_wait3A_190 = tpu.memref_slice %arg13[%scan3A_24, %dma_wait3A_189] : memref<79x128xi32, #tpu.memory_space<vmem>> -> memref<1x128xi32, #tpu.memory_space<vmem>>
        %dma_wait3A_191 = tpu.memref_squeeze %dma_wait3A_190 : memref<1x128xi32, #tpu.memory_space<vmem>> -> memref<128xi32, #tpu.memory_space<vmem>>
        %dma_wait3A_192 = arith.constant 0 : i32
        %dma_wait3A_193 = tpu.memref_slice %arg20[%dma_wait3A_192] : memref<10240xf32, #tpu.memory_space<vmem_shared>> -> memref<10240xf32, #tpu.memory_space<vmem_shared>>
        tpu.wait_indirect_dma semaphore(%run_scoped3A : memref<!tpu.dma_semaphore, #tpu.memory_space<semaphore_mem>>) src(%arg17 : memref<128xf32, #tpu.memory_space<vmem>>) dst(%dma_wait3A_193 : memref<10240xf32, #tpu.memory_space<vmem_shared>>)
        tpu.yield
      }) : () -> ()
    }
    %scan3A_14 = arith.constant 79 : i32
    %barrier3A_15 = arith.constant 0 : index
    tpu.barrier barrier_id(%barrier3A_15)
    %mul3A_16 = arith.constant 640 : i32
    %mul3A_17 = arith.muli %arg1, %mul3A_16 : i32
    %mul3A_18 = arith.constant 640 : i32
    %mul3A_19 = arith.muli %arg1, %mul3A_18 : i32
    "tpu.region"() ({
      %run_scoped3A = tpu.sem_alloc : memref<!tpu.dma_semaphore, #tpu.memory_space<semaphore_mem>>
      %dma_start3A = arith.constant 0 : i32
      %dma_start3A_24 = arith.constant 0 : i32
      %dma_start3A_25 = tpu.memref_slice %arg10[%arg0, %dma_start3A, %dma_start3A_24] : memref<2x10240x128xf32, #tpu.memory_space<hbm>> -> memref<1x10240x128xf32, #tpu.memory_space<hbm>>
      %dma_start3A_26 = tpu.memref_squeeze %dma_start3A_25 : memref<1x10240x128xf32, #tpu.memory_space<hbm>> -> memref<10240x128xf32, #tpu.memory_space<hbm>>
      %dma_start3A_27 = arith.constant 0 : i32
      %dma_start3A_28 = tpu.memref_slice %dma_start3A_26[%mul3A_19, %dma_start3A_27] : memref<10240x128xf32, #tpu.memory_space<hbm>> -> memref<640x128xf32, #tpu.memory_space<hbm>>
      %dma_start3A_29 = arith.constant 0 : i32
      %dma_start3A_30 = tpu.memref_slice %arg19[%mul3A_17, %dma_start3A_29] : memref<10240x128xf32, #tpu.memory_space<vmem_shared>> -> memref<640x128xf32, #tpu.memory_space<vmem_shared>>
      tpu.enqueue_dma source(%dma_start3A_30 : memref<640x128xf32, #tpu.memory_space<vmem_shared>>) target(%dma_start3A_28 : memref<640x128xf32, #tpu.memory_space<hbm>>) target_semaphore(%run_scoped3A : memref<!tpu.dma_semaphore, #tpu.memory_space<semaphore_mem>>)
      %dma_wait3A = arith.constant 0 : i32
      %dma_wait3A_31 = arith.constant 0 : i32
      %dma_wait3A_32 = tpu.memref_slice %arg10[%arg0, %dma_wait3A, %dma_wait3A_31] : memref<2x10240x128xf32, #tpu.memory_space<hbm>> -> memref<1x10240x128xf32, #tpu.memory_space<hbm>>
      %dma_wait3A_33 = tpu.memref_squeeze %dma_wait3A_32 : memref<1x10240x128xf32, #tpu.memory_space<hbm>> -> memref<10240x128xf32, #tpu.memory_space<hbm>>
      %dma_wait3A_34 = arith.constant 0 : i32
      %dma_wait3A_35 = tpu.memref_slice %dma_wait3A_33[%mul3A_19, %dma_wait3A_34] : memref<10240x128xf32, #tpu.memory_space<hbm>> -> memref<640x128xf32, #tpu.memory_space<hbm>>
      %dma_wait3A_36 = arith.constant 0 : i32
      %dma_wait3A_37 = tpu.memref_slice %arg19[%mul3A_17, %dma_wait3A_36] : memref<10240x128xf32, #tpu.memory_space<vmem_shared>> -> memref<640x128xf32, #tpu.memory_space<vmem_shared>>
      tpu.wait_dma2 semaphore(%run_scoped3A : memref<!tpu.dma_semaphore, #tpu.memory_space<semaphore_mem>>) src(%dma_wait3A_37 : memref<640x128xf32, #tpu.memory_space<vmem_shared>>) dst(%dma_wait3A_35 : memref<640x128xf32, #tpu.memory_space<hbm>>)
      tpu.yield
    }) : () -> ()
    %mul3A_20 = arith.constant 640 : i32
    %mul3A_21 = arith.muli %arg1, %mul3A_20 : i32
    %mul3A_22 = arith.constant 640 : i32
    %mul3A_23 = arith.muli %arg1, %mul3A_22 : i32
    "tpu.region"() ({
      %run_scoped3A = tpu.sem_alloc : memref<!tpu.dma_semaphore, #tpu.memory_space<semaphore_mem>>
      %dma_start3A = arith.constant 0 : i32
      %dma_start3A_24 = tpu.memref_slice %arg11[%arg0, %dma_start3A] : memref<2x10240xf32, #tpu.memory_space<hbm>> -> memref<1x10240xf32, #tpu.memory_space<hbm>>
      %dma_start3A_25 = tpu.memref_squeeze %dma_start3A_24 : memref<1x10240xf32, #tpu.memory_space<hbm>> -> memref<10240xf32, #tpu.memory_space<hbm>>
      %dma_start3A_26 = tpu.memref_slice %dma_start3A_25[%mul3A_23] : memref<10240xf32, #tpu.memory_space<hbm>> -> memref<640xf32, #tpu.memory_space<hbm>>
      %dma_start3A_27 = tpu.memref_slice %arg20[%mul3A_21] : memref<10240xf32, #tpu.memory_space<vmem_shared>> -> memref<640xf32, #tpu.memory_space<vmem_shared>>
      tpu.enqueue_dma source(%dma_start3A_27 : memref<640xf32, #tpu.memory_space<vmem_shared>>) target(%dma_start3A_26 : memref<640xf32, #tpu.memory_space<hbm>>) target_semaphore(%run_scoped3A : memref<!tpu.dma_semaphore, #tpu.memory_space<semaphore_mem>>)
      %dma_wait3A = arith.constant 0 : i32
      %dma_wait3A_28 = tpu.memref_slice %arg11[%arg0, %dma_wait3A] : memref<2x10240xf32, #tpu.memory_space<hbm>> -> memref<1x10240xf32, #tpu.memory_space<hbm>>
      %dma_wait3A_29 = tpu.memref_squeeze %dma_wait3A_28 : memref<1x10240xf32, #tpu.memory_space<hbm>> -> memref<10240xf32, #tpu.memory_space<hbm>>
      %dma_wait3A_30 = tpu.memref_slice %dma_wait3A_29[%mul3A_23] : memref<10240xf32, #tpu.memory_space<hbm>> -> memref<640xf32, #tpu.memory_space<hbm>>
      %dma_wait3A_31 = tpu.memref_slice %arg20[%mul3A_21] : memref<10240xf32, #tpu.memory_space<vmem_shared>> -> memref<640xf32, #tpu.memory_space<vmem_shared>>
      tpu.wait_dma2 semaphore(%run_scoped3A : memref<!tpu.dma_semaphore, #tpu.memory_space<semaphore_mem>>) src(%dma_wait3A_31 : memref<640xf32, #tpu.memory_space<vmem_shared>>) dst(%dma_wait3A_30 : memref<640xf32, #tpu.memory_space<hbm>>)
      tpu.yield
    }) : () -> ()
    return
  }
}

#map = affine_map<(d0, d1) -> (0, 0)>
#map1 = affine_map<(d0, d1) -> (0)>
#map2 = affine_map<(d0, d1) -> (0, 0, 0)>
module attributes {stable_mosaic.version = 14 : i64} {
  func.func @_sc_body(%arg0: i32, %arg1: i32, %arg2: memref<10000x128xf32, #tpu.memory_space<hbm>>, %arg3: memref<10016xf32, #tpu.memory_space<hbm>>, %arg4: memref<10016xf32, #tpu.memory_space<hbm>>, %arg5: memref<128xf32, #tpu.memory_space<hbm>>, %arg6: memref<32x79x128xi32, #tpu.memory_space<hbm>>, %arg7: memref<32x79x128xi32, #tpu.memory_space<hbm>>, %arg8: memref<10240x128xf32, #tpu.memory_space<hbm>>, %arg9: memref<10240xf32, #tpu.memory_space<hbm>>, %arg10: memref<2x10240x128xf32, #tpu.memory_space<hbm>>, %arg11: memref<2x10240xf32, #tpu.memory_space<hbm>>, %arg12: memref<79x128xi32, #tpu.memory_space<vmem>>, %arg13: memref<79x128xi32, #tpu.memory_space<vmem>>, %arg14: memref<128xf32, #tpu.memory_space<vmem>>, %arg15: memref<128xf32, #tpu.memory_space<vmem>>, %arg16: memref<16xf32, #tpu.memory_space<vmem>>, %arg17: memref<128xf32, #tpu.memory_space<vmem>>, %arg18: memref<128x128xf32, #tpu.memory_space<vmem>>, %arg19: memref<10240x128xf32, #tpu.memory_space<vmem_shared>>, %arg20: memref<10240xf32, #tpu.memory_space<vmem_shared>>, %arg21: memref<!tpu.dma_semaphore, #tpu.memory_space<semaphore_mem>>, %arg22: memref<!tpu.dma_semaphore, #tpu.memory_space<semaphore_mem>>) attributes {dimension_semantics = [#tpu.dimension_semantics<core_parallel>, #tpu.dimension_semantics<subcore_parallel>], iteration_bounds = array<i64: 2, 16>, scalar_prefetch = 0 : i64, scratch_operands = 11 : i64, tpu.core_type = #tpu.core_type<sc_vector_subcore>, window_params = [{transform_indices = #map}, {transform_indices = #map1}, {transform_indices = #map1}, {transform_indices = #map1}, {transform_indices = #map2}, {transform_indices = #map2}, {transform_indices = #map}, {transform_indices = #map1}, {transform_indices = #map2}, {transform_indices = #map}]} {
    %mul3A = arith.constant 16 : i32
    %mul3A_0 = arith.muli %arg0, %mul3A : i32
    %add3A = arith.addi %mul3A_0, %arg1 : i32
    "tpu.region"() ({
      %run_scoped3A = tpu.sem_alloc : memref<!tpu.dma_semaphore, #tpu.memory_space<semaphore_mem>>
      %dma_start3A = arith.constant 0 : i32
      %dma_start3A_24 = tpu.memref_slice %arg5[%dma_start3A] : memref<128xf32, #tpu.memory_space<hbm>> -> memref<16xf32, #tpu.memory_space<hbm>>
      %dma_start3A_25 = arith.constant 0 : i32
      %dma_start3A_26 = tpu.memref_slice %arg5[%dma_start3A_25] : memref<128xf32, #tpu.memory_space<hbm>> -> memref<16xf32, #tpu.memory_space<hbm>>
      tpu.enqueue_dma source(%dma_start3A_26 : memref<16xf32, #tpu.memory_space<hbm>>) target(%arg16 : memref<16xf32, #tpu.memory_space<vmem>>) target_semaphore(%run_scoped3A : memref<!tpu.dma_semaphore, #tpu.memory_space<semaphore_mem>>)
      %dma_wait3A = arith.constant 0 : i32
      %dma_wait3A_27 = tpu.memref_slice %arg5[%dma_wait3A] : memref<128xf32, #tpu.memory_space<hbm>> -> memref<16xf32, #tpu.memory_space<hbm>>
      %dma_wait3A_28 = arith.constant 0 : i32
      %dma_wait3A_29 = tpu.memref_slice %arg5[%dma_wait3A_28] : memref<128xf32, #tpu.memory_space<hbm>> -> memref<16xf32, #tpu.memory_space<hbm>>
      tpu.wait_dma2 semaphore(%run_scoped3A : memref<!tpu.dma_semaphore, #tpu.memory_space<semaphore_mem>>) src(%dma_wait3A_29 : memref<16xf32, #tpu.memory_space<hbm>>) dst(%arg16 : memref<16xf32, #tpu.memory_space<vmem>>)
      tpu.yield
    }) : () -> ()
    "tpu.region"() ({
      %run_scoped3A = tpu.sem_alloc : memref<!tpu.dma_semaphore, #tpu.memory_space<semaphore_mem>>
      %dma_start3A = arith.constant 0 : i32
      %dma_start3A_24 = arith.constant 0 : i32
      %dma_start3A_25 = tpu.memref_slice %arg6[%add3A, %dma_start3A, %dma_start3A_24] : memref<32x79x128xi32, #tpu.memory_space<hbm>> -> memref<1x79x128xi32, #tpu.memory_space<hbm>>
      %dma_start3A_26 = tpu.memref_squeeze %dma_start3A_25 : memref<1x79x128xi32, #tpu.memory_space<hbm>> -> memref<79x128xi32, #tpu.memory_space<hbm>>
      %dma_start3A_27 = arith.constant 0 : i32
      %dma_start3A_28 = arith.constant 0 : i32
      %dma_start3A_29 = tpu.memref_slice %arg6[%add3A, %dma_start3A_27, %dma_start3A_28] : memref<32x79x128xi32, #tpu.memory_space<hbm>> -> memref<1x79x128xi32, #tpu.memory_space<hbm>>
      %dma_start3A_30 = tpu.memref_squeeze %dma_start3A_29 : memref<1x79x128xi32, #tpu.memory_space<hbm>> -> memref<79x128xi32, #tpu.memory_space<hbm>>
      tpu.enqueue_dma source(%dma_start3A_30 : memref<79x128xi32, #tpu.memory_space<hbm>>) target(%arg12 : memref<79x128xi32, #tpu.memory_space<vmem>>) target_semaphore(%run_scoped3A : memref<!tpu.dma_semaphore, #tpu.memory_space<semaphore_mem>>)
      %dma_wait3A = arith.constant 0 : i32
      %dma_wait3A_31 = arith.constant 0 : i32
      %dma_wait3A_32 = tpu.memref_slice %arg6[%add3A, %dma_wait3A, %dma_wait3A_31] : memref<32x79x128xi32, #tpu.memory_space<hbm>> -> memref<1x79x128xi32, #tpu.memory_space<hbm>>
      %dma_wait3A_33 = tpu.memref_squeeze %dma_wait3A_32 : memref<1x79x128xi32, #tpu.memory_space<hbm>> -> memref<79x128xi32, #tpu.memory_space<hbm>>
      %dma_wait3A_34 = arith.constant 0 : i32
      %dma_wait3A_35 = arith.constant 0 : i32
      %dma_wait3A_36 = tpu.memref_slice %arg6[%add3A, %dma_wait3A_34, %dma_wait3A_35] : memref<32x79x128xi32, #tpu.memory_space<hbm>> -> memref<1x79x128xi32, #tpu.memory_space<hbm>>
      %dma_wait3A_37 = tpu.memref_squeeze %dma_wait3A_36 : memref<1x79x128xi32, #tpu.memory_space<hbm>> -> memref<79x128xi32, #tpu.memory_space<hbm>>
      tpu.wait_dma2 semaphore(%run_scoped3A : memref<!tpu.dma_semaphore, #tpu.memory_space<semaphore_mem>>) src(%dma_wait3A_37 : memref<79x128xi32, #tpu.memory_space<hbm>>) dst(%arg12 : memref<79x128xi32, #tpu.memory_space<vmem>>)
      tpu.yield
    }) : () -> ()
    "tpu.region"() ({
      %run_scoped3A = tpu.sem_alloc : memref<!tpu.dma_semaphore, #tpu.memory_space<semaphore_mem>>
      %dma_start3A = arith.constant 0 : i32
      %dma_start3A_24 = arith.constant 0 : i32
      %dma_start3A_25 = tpu.memref_slice %arg7[%add3A, %dma_start3A, %dma_start3A_24] : memref<32x79x128xi32, #tpu.memory_space<hbm>> -> memref<1x79x128xi32, #tpu.memory_space<hbm>>
      %dma_start3A_26 = tpu.memref_squeeze %dma_start3A_25 : memref<1x79x128xi32, #tpu.memory_space<hbm>> -> memref<79x128xi32, #tpu.memory_space<hbm>>
      %dma_start3A_27 = arith.constant 0 : i32
      %dma_start3A_28 = arith.constant 0 : i32
      %dma_start3A_29 = tpu.memref_slice %arg7[%add3A, %dma_start3A_27, %dma_start3A_28] : memref<32x79x128xi32, #tpu.memory_space<hbm>> -> memref<1x79x128xi32, #tpu.memory_space<hbm>>
      %dma_start3A_30 = tpu.memref_squeeze %dma_start3A_29 : memref<1x79x128xi32, #tpu.memory_space<hbm>> -> memref<79x128xi32, #tpu.memory_space<hbm>>
      tpu.enqueue_dma source(%dma_start3A_30 : memref<79x128xi32, #tpu.memory_space<hbm>>) target(%arg13 : memref<79x128xi32, #tpu.memory_space<vmem>>) target_semaphore(%run_scoped3A : memref<!tpu.dma_semaphore, #tpu.memory_space<semaphore_mem>>)
      %dma_wait3A = arith.constant 0 : i32
      %dma_wait3A_31 = arith.constant 0 : i32
      %dma_wait3A_32 = tpu.memref_slice %arg7[%add3A, %dma_wait3A, %dma_wait3A_31] : memref<32x79x128xi32, #tpu.memory_space<hbm>> -> memref<1x79x128xi32, #tpu.memory_space<hbm>>
      %dma_wait3A_33 = tpu.memref_squeeze %dma_wait3A_32 : memref<1x79x128xi32, #tpu.memory_space<hbm>> -> memref<79x128xi32, #tpu.memory_space<hbm>>
      %dma_wait3A_34 = arith.constant 0 : i32
      %dma_wait3A_35 = arith.constant 0 : i32
      %dma_wait3A_36 = tpu.memref_slice %arg7[%add3A, %dma_wait3A_34, %dma_wait3A_35] : memref<32x79x128xi32, #tpu.memory_space<hbm>> -> memref<1x79x128xi32, #tpu.memory_space<hbm>>
      %dma_wait3A_37 = tpu.memref_squeeze %dma_wait3A_36 : memref<1x79x128xi32, #tpu.memory_space<hbm>> -> memref<79x128xi32, #tpu.memory_space<hbm>>
      tpu.wait_dma2 semaphore(%run_scoped3A : memref<!tpu.dma_semaphore, #tpu.memory_space<semaphore_mem>>) src(%dma_wait3A_37 : memref<79x128xi32, #tpu.memory_space<hbm>>) dst(%arg13 : memref<79x128xi32, #tpu.memory_space<vmem>>)
      tpu.yield
    }) : () -> ()
    %mul3A_1 = arith.constant 640 : i32
    %mul3A_2 = arith.muli %arg1, %mul3A_1 : i32
    %mul3A_3 = arith.constant 640 : i32
    %mul3A_4 = arith.muli %arg1, %mul3A_3 : i32
    "tpu.region"() ({
      %run_scoped3A = tpu.sem_alloc : memref<!tpu.dma_semaphore, #tpu.memory_space<semaphore_mem>>
      %dma_start3A = arith.constant 0 : i32
      %dma_start3A_24 = tpu.memref_slice %arg19[%mul3A_4, %dma_start3A] : memref<10240x128xf32, #tpu.memory_space<vmem_shared>> -> memref<640x128xf32, #tpu.memory_space<vmem_shared>>
      %dma_start3A_25 = arith.constant 0 : i32
      %dma_start3A_26 = tpu.memref_slice %arg8[%mul3A_2, %dma_start3A_25] : memref<10240x128xf32, #tpu.memory_space<hbm>> -> memref<640x128xf32, #tpu.memory_space<hbm>>
      tpu.enqueue_dma source(%dma_start3A_26 : memref<640x128xf32, #tpu.memory_space<hbm>>) target(%dma_start3A_24 : memref<640x128xf32, #tpu.memory_space<vmem_shared>>) target_semaphore(%run_scoped3A : memref<!tpu.dma_semaphore, #tpu.memory_space<semaphore_mem>>)
      %dma_wait3A = arith.constant 0 : i32
      %dma_wait3A_27 = tpu.memref_slice %arg19[%mul3A_4, %dma_wait3A] : memref<10240x128xf32, #tpu.memory_space<vmem_shared>> -> memref<640x128xf32, #tpu.memory_space<vmem_shared>>
      %dma_wait3A_28 = arith.constant 0 : i32
      %dma_wait3A_29 = tpu.memref_slice %arg8[%mul3A_2, %dma_wait3A_28] : memref<10240x128xf32, #tpu.memory_space<hbm>> -> memref<640x128xf32, #tpu.memory_space<hbm>>
      tpu.wait_dma2 semaphore(%run_scoped3A : memref<!tpu.dma_semaphore, #tpu.memory_space<semaphore_mem>>) src(%dma_wait3A_29 : memref<640x128xf32, #tpu.memory_space<hbm>>) dst(%dma_wait3A_27 : memref<640x128xf32, #tpu.memory_space<vmem_shared>>)
      tpu.yield
    }) : () -> ()
    %mul3A_5 = arith.constant 640 : i32
    %mul3A_6 = arith.muli %arg1, %mul3A_5 : i32
    %mul3A_7 = arith.constant 640 : i32
    %mul3A_8 = arith.muli %arg1, %mul3A_7 : i32
    "tpu.region"() ({
      %run_scoped3A = tpu.sem_alloc : memref<!tpu.dma_semaphore, #tpu.memory_space<semaphore_mem>>
      %dma_start3A = tpu.memref_slice %arg20[%mul3A_8] : memref<10240xf32, #tpu.memory_space<vmem_shared>> -> memref<640xf32, #tpu.memory_space<vmem_shared>>
      %dma_start3A_24 = tpu.memref_slice %arg9[%mul3A_6] : memref<10240xf32, #tpu.memory_space<hbm>> -> memref<640xf32, #tpu.memory_space<hbm>>
      tpu.enqueue_dma source(%dma_start3A_24 : memref<640xf32, #tpu.memory_space<hbm>>) target(%dma_start3A : memref<640xf32, #tpu.memory_space<vmem_shared>>) target_semaphore(%run_scoped3A : memref<!tpu.dma_semaphore, #tpu.memory_space<semaphore_mem>>)
      %dma_wait3A = tpu.memref_slice %arg20[%mul3A_8] : memref<10240xf32, #tpu.memory_space<vmem_shared>> -> memref<640xf32, #tpu.memory_space<vmem_shared>>
      %dma_wait3A_25 = tpu.memref_slice %arg9[%mul3A_6] : memref<10240xf32, #tpu.memory_space<hbm>> -> memref<640xf32, #tpu.memory_space<hbm>>
      tpu.wait_dma2 semaphore(%run_scoped3A : memref<!tpu.dma_semaphore, #tpu.memory_space<semaphore_mem>>) src(%dma_wait3A_25 : memref<640xf32, #tpu.memory_space<hbm>>) dst(%dma_wait3A : memref<640xf32, #tpu.memory_space<vmem_shared>>)
      tpu.yield
    }) : () -> ()
    %barrier3A = arith.constant 0 : index
    tpu.barrier barrier_id(%barrier3A)
    %get3A = arith.constant 0 : index
    %get3A_9 = tpu.vector_load %arg16[%get3A] {strides = array<i32>} : memref<16xf32, #tpu.memory_space<vmem>>, vector<16xf32>,
    %scan3A = arith.constant 0 : i32
    %scan3A_10 = arith.constant 0 : i32
    %scan3A_11 = arith.constant 79 : i32
    %scan3A_12 = arith.addi %scan3A_10, %scan3A_11 : i32
    %scan3A_13 = arith.constant 1 : i32
    scf.for %scan3A_24 = %scan3A_10 to %scan3A_12 step %scan3A_13  : i32 {
      %dma_start3A = arith.constant 0 : i32
      %dma_start3A_25 = tpu.memref_slice %arg12[%scan3A_24, %dma_start3A] : memref<79x128xi32, #tpu.memory_space<vmem>> -> memref<1x128xi32, #tpu.memory_space<vmem>>
      %dma_start3A_26 = tpu.memref_squeeze %dma_start3A_25 : memref<1x128xi32, #tpu.memory_space<vmem>> -> memref<128xi32, #tpu.memory_space<vmem>>
      %dma_start3A_27 = arith.constant 0 : i32
      %dma_start3A_28 = tpu.memref_slice %arg3[%dma_start3A_27] : memref<10016xf32, #tpu.memory_space<hbm>> -> memref<10016xf32, #tpu.memory_space<hbm>>
      tpu.enqueue_indirect_dma source(%dma_start3A_28 : memref<10016xf32, #tpu.memory_space<hbm>>) target(%arg14 : memref<128xf32, #tpu.memory_space<vmem>>) offsets(%dma_start3A_26 : memref<128xi32, #tpu.memory_space<vmem>>) semaphore(%arg21 : memref<!tpu.dma_semaphore, #tpu.memory_space<semaphore_mem>>)
      %dma_start3A_29 = arith.constant 0 : i32
      %dma_start3A_30 = tpu.memref_slice %arg13[%scan3A_24, %dma_start3A_29] : memref<79x128xi32, #tpu.memory_space<vmem>> -> memref<1x128xi32, #tpu.memory_space<vmem>>
      %dma_start3A_31 = tpu.memref_squeeze %dma_start3A_30 : memref<1x128xi32, #tpu.memory_space<vmem>> -> memref<128xi32, #tpu.memory_space<vmem>>
      %dma_start3A_32 = arith.constant 0 : i32
      %dma_start3A_33 = tpu.memref_slice %arg4[%dma_start3A_32] : memref<10016xf32, #tpu.memory_space<hbm>> -> memref<10016xf32, #tpu.memory_space<hbm>>
      tpu.enqueue_indirect_dma source(%dma_start3A_33 : memref<10016xf32, #tpu.memory_space<hbm>>) target(%arg15 : memref<128xf32, #tpu.memory_space<vmem>>) offsets(%dma_start3A_31 : memref<128xi32, #tpu.memory_space<vmem>>) semaphore(%arg21 : memref<!tpu.dma_semaphore, #tpu.memory_space<semaphore_mem>>)
      %dma_start3A_34 = arith.constant 0 : i32
      %dma_start3A_35 = tpu.memref_slice %arg12[%scan3A_24, %dma_start3A_34] : memref<79x128xi32, #tpu.memory_space<vmem>> -> memref<1x128xi32, #tpu.memory_space<vmem>>
      %dma_start3A_36 = tpu.memref_squeeze %dma_start3A_35 : memref<1x128xi32, #tpu.memory_space<vmem>> -> memref<128xi32, #tpu.memory_space<vmem>>
      %dma_start3A_37 = arith.constant 0 : i32
      %dma_start3A_38 = arith.constant 0 : i32
      %dma_start3A_39 = tpu.memref_slice %arg2[%dma_start3A_37, %dma_start3A_38] : memref<10000x128xf32, #tpu.memory_space<hbm>> -> memref<10000x128xf32, #tpu.memory_space<hbm>>
      tpu.enqueue_indirect_dma source(%dma_start3A_39 : memref<10000x128xf32, #tpu.memory_space<hbm>>) target(%arg18 : memref<128x128xf32, #tpu.memory_space<vmem>>) offsets(%dma_start3A_36 : memref<128xi32, #tpu.memory_space<vmem>>) semaphore(%arg22 : memref<!tpu.dma_semaphore, #tpu.memory_space<semaphore_mem>>)
      %dma_wait3A = arith.constant 0 : i32
      %dma_wait3A_40 = tpu.memref_slice %arg12[%scan3A_24, %dma_wait3A] : memref<79x128xi32, #tpu.memory_space<vmem>> -> memref<1x128xi32, #tpu.memory_space<vmem>>
      %dma_wait3A_41 = tpu.memref_squeeze %dma_wait3A_40 : memref<1x128xi32, #tpu.memory_space<vmem>> -> memref<128xi32, #tpu.memory_space<vmem>>
      %dma_wait3A_42 = arith.constant 0 : i32
      %dma_wait3A_43 = tpu.memref_slice %arg3[%dma_wait3A_42] : memref<10016xf32, #tpu.memory_space<hbm>> -> memref<10016xf32, #tpu.memory_space<hbm>>
      tpu.wait_indirect_dma semaphore(%arg21 : memref<!tpu.dma_semaphore, #tpu.memory_space<semaphore_mem>>) src(%dma_wait3A_43 : memref<10016xf32, #tpu.memory_space<hbm>>) dst(%arg14 : memref<128xf32, #tpu.memory_space<vmem>>)
      %dma_wait3A_44 = arith.constant 0 : i32
      %dma_wait3A_45 = tpu.memref_slice %arg13[%scan3A_24, %dma_wait3A_44] : memref<79x128xi32, #tpu.memory_space<vmem>> -> memref<1x128xi32, #tpu.memory_space<vmem>>
      %dma_wait3A_46 = tpu.memref_squeeze %dma_wait3A_45 : memref<1x128xi32, #tpu.memory_space<vmem>> -> memref<128xi32, #tpu.memory_space<vmem>>
      %dma_wait3A_47 = arith.constant 0 : i32
      %dma_wait3A_48 = tpu.memref_slice %arg4[%dma_wait3A_47] : memref<10016xf32, #tpu.memory_space<hbm>> -> memref<10016xf32, #tpu.memory_space<hbm>>
      tpu.wait_indirect_dma semaphore(%arg21 : memref<!tpu.dma_semaphore, #tpu.memory_space<semaphore_mem>>) src(%dma_wait3A_48 : memref<10016xf32, #tpu.memory_space<hbm>>) dst(%arg15 : memref<128xf32, #tpu.memory_space<vmem>>)
      %get3A_49 = arith.constant 0 : index
      %get3A_50 = tpu.vector_load %arg14[%get3A_49] {strides = array<i32>} : memref<128xf32, #tpu.memory_space<vmem>>, vector<16xf32>,
      %get3A_51 = arith.constant 0 : index
      %get3A_52 = tpu.vector_load %arg15[%get3A_51] {strides = array<i32>} : memref<128xf32, #tpu.memory_space<vmem>>, vector<16xf32>,
      %add3A_53 = arith.addf %get3A_50, %get3A_52 : vector<16xf32>
      %ge3A = arith.constant 0.000000e+00 : f32
      %ge3A_54 = vector.broadcast %ge3A : f32 to vector<16xf32>
      %ge3A_55 = arith.cmpf oge, %add3A_53, %ge3A_54 : vector<16xf32>
      %mul3A_56 = arith.constant 2.000000e-01 : f32
      %mul3A_57 = vector.broadcast %mul3A_56 : f32 to vector<16xf32>
      %mul3A_58 = arith.mulf %mul3A_57, %add3A_53 : vector<16xf32>
      %select_n3A = arith.select %ge3A_55, %add3A_53, %mul3A_58 : vector<16xi1>, vector<16xf32>
      %sub3A = arith.subf %select_n3A, %get3A_9 : vector<16xf32>
      %exp3A = math.exp %sub3A : vector<16xf32>
      %swap3A = arith.constant 0 : index
      %swap3A_59 = tpu.vector_load %arg17[%swap3A] {strides = array<i32>} : memref<128xf32, #tpu.memory_space<vmem>>, vector<16xf32>,
      tpu.vector_store %arg17[%swap3A], %exp3A {strides = array<i32>} : memref<128xf32, #tpu.memory_space<vmem>>, vector<16xf32>,
      %get3A_60 = arith.constant 16 : index
      %get3A_61 = tpu.vector_load %arg14[%get3A_60] {strides = array<i32>} : memref<128xf32, #tpu.memory_space<vmem>>, vector<16xf32>,
      %get3A_62 = arith.constant 16 : index
      %get3A_63 = tpu.vector_load %arg15[%get3A_62] {strides = array<i32>} : memref<128xf32, #tpu.memory_space<vmem>>, vector<16xf32>,
      %add3A_64 = arith.addf %get3A_61, %get3A_63 : vector<16xf32>
      %ge3A_65 = arith.constant 0.000000e+00 : f32
      %ge3A_66 = vector.broadcast %ge3A_65 : f32 to vector<16xf32>
      %ge3A_67 = arith.cmpf oge, %add3A_64, %ge3A_66 : vector<16xf32>
      %mul3A_68 = arith.constant 2.000000e-01 : f32
      %mul3A_69 = vector.broadcast %mul3A_68 : f32 to vector<16xf32>
      %mul3A_70 = arith.mulf %mul3A_69, %add3A_64 : vector<16xf32>
      %select_n3A_71 = arith.select %ge3A_67, %add3A_64, %mul3A_70 : vector<16xi1>, vector<16xf32>
      %sub3A_72 = arith.subf %select_n3A_71, %get3A_9 : vector<16xf32>
      %exp3A_73 = math.exp %sub3A_72 : vector<16xf32>
      %swap3A_74 = arith.constant 16 : index
      %swap3A_75 = tpu.vector_load %arg17[%swap3A_74] {strides = array<i32>} : memref<128xf32, #tpu.memory_space<vmem>>, vector<16xf32>,
      tpu.vector_store %arg17[%swap3A_74], %exp3A_73 {strides = array<i32>} : memref<128xf32, #tpu.memory_space<vmem>>, vector<16xf32>,
      %get3A_76 = arith.constant 32 : index
      %get3A_77 = tpu.vector_load %arg14[%get3A_76] {strides = array<i32>} : memref<128xf32, #tpu.memory_space<vmem>>, vector<16xf32>,
      %get3A_78 = arith.constant 32 : index
      %get3A_79 = tpu.vector_load %arg15[%get3A_78] {strides = array<i32>} : memref<128xf32, #tpu.memory_space<vmem>>, vector<16xf32>,
      %add3A_80 = arith.addf %get3A_77, %get3A_79 : vector<16xf32>
      %ge3A_81 = arith.constant 0.000000e+00 : f32
      %ge3A_82 = vector.broadcast %ge3A_81 : f32 to vector<16xf32>
      %ge3A_83 = arith.cmpf oge, %add3A_80, %ge3A_82 : vector<16xf32>
      %mul3A_84 = arith.constant 2.000000e-01 : f32
      %mul3A_85 = vector.broadcast %mul3A_84 : f32 to vector<16xf32>
      %mul3A_86 = arith.mulf %mul3A_85, %add3A_80 : vector<16xf32>
      %select_n3A_87 = arith.select %ge3A_83, %add3A_80, %mul3A_86 : vector<16xi1>, vector<16xf32>
      %sub3A_88 = arith.subf %select_n3A_87, %get3A_9 : vector<16xf32>
      %exp3A_89 = math.exp %sub3A_88 : vector<16xf32>
      %swap3A_90 = arith.constant 32 : index
      %swap3A_91 = tpu.vector_load %arg17[%swap3A_90] {strides = array<i32>} : memref<128xf32, #tpu.memory_space<vmem>>, vector<16xf32>,
      tpu.vector_store %arg17[%swap3A_90], %exp3A_89 {strides = array<i32>} : memref<128xf32, #tpu.memory_space<vmem>>, vector<16xf32>,
      %get3A_92 = arith.constant 48 : index
      %get3A_93 = tpu.vector_load %arg14[%get3A_92] {strides = array<i32>} : memref<128xf32, #tpu.memory_space<vmem>>, vector<16xf32>,
      %get3A_94 = arith.constant 48 : index
      %get3A_95 = tpu.vector_load %arg15[%get3A_94] {strides = array<i32>} : memref<128xf32, #tpu.memory_space<vmem>>, vector<16xf32>,
      %add3A_96 = arith.addf %get3A_93, %get3A_95 : vector<16xf32>
      %ge3A_97 = arith.constant 0.000000e+00 : f32
      %ge3A_98 = vector.broadcast %ge3A_97 : f32 to vector<16xf32>
      %ge3A_99 = arith.cmpf oge, %add3A_96, %ge3A_98 : vector<16xf32>
      %mul3A_100 = arith.constant 2.000000e-01 : f32
      %mul3A_101 = vector.broadcast %mul3A_100 : f32 to vector<16xf32>
      %mul3A_102 = arith.mulf %mul3A_101, %add3A_96 : vector<16xf32>
      %select_n3A_103 = arith.select %ge3A_99, %add3A_96, %mul3A_102 : vector<16xi1>, vector<16xf32>
      %sub3A_104 = arith.subf %select_n3A_103, %get3A_9 : vector<16xf32>
      %exp3A_105 = math.exp %sub3A_104 : vector<16xf32>
      %swap3A_106 = arith.constant 48 : index
      %swap3A_107 = tpu.vector_load %arg17[%swap3A_106] {strides = array<i32>} : memref<128xf32, #tpu.memory_space<vmem>>, vector<16xf32>,
      tpu.vector_store %arg17[%swap3A_106], %exp3A_105 {strides = array<i32>} : memref<128xf32, #tpu.memory_space<vmem>>, vector<16xf32>,
      %get3A_108 = arith.constant 64 : index
      %get3A_109 = tpu.vector_load %arg14[%get3A_108] {strides = array<i32>} : memref<128xf32, #tpu.memory_space<vmem>>, vector<16xf32>,
      %get3A_110 = arith.constant 64 : index
      %get3A_111 = tpu.vector_load %arg15[%get3A_110] {strides = array<i32>} : memref<128xf32, #tpu.memory_space<vmem>>, vector<16xf32>,
      %add3A_112 = arith.addf %get3A_109, %get3A_111 : vector<16xf32>
      %ge3A_113 = arith.constant 0.000000e+00 : f32
      %ge3A_114 = vector.broadcast %ge3A_113 : f32 to vector<16xf32>
      %ge3A_115 = arith.cmpf oge, %add3A_112, %ge3A_114 : vector<16xf32>
      %mul3A_116 = arith.constant 2.000000e-01 : f32
      %mul3A_117 = vector.broadcast %mul3A_116 : f32 to vector<16xf32>
      %mul3A_118 = arith.mulf %mul3A_117, %add3A_112 : vector<16xf32>
      %select_n3A_119 = arith.select %ge3A_115, %add3A_112, %mul3A_118 : vector<16xi1>, vector<16xf32>
      %sub3A_120 = arith.subf %select_n3A_119, %get3A_9 : vector<16xf32>
      %exp3A_121 = math.exp %sub3A_120 : vector<16xf32>
      %swap3A_122 = arith.constant 64 : index
      %swap3A_123 = tpu.vector_load %arg17[%swap3A_122] {strides = array<i32>} : memref<128xf32, #tpu.memory_space<vmem>>, vector<16xf32>,
      tpu.vector_store %arg17[%swap3A_122], %exp3A_121 {strides = array<i32>} : memref<128xf32, #tpu.memory_space<vmem>>, vector<16xf32>,
      %get3A_124 = arith.constant 80 : index
      %get3A_125 = tpu.vector_load %arg14[%get3A_124] {strides = array<i32>} : memref<128xf32, #tpu.memory_space<vmem>>, vector<16xf32>,
      %get3A_126 = arith.constant 80 : index
      %get3A_127 = tpu.vector_load %arg15[%get3A_126] {strides = array<i32>} : memref<128xf32, #tpu.memory_space<vmem>>, vector<16xf32>,
      %add3A_128 = arith.addf %get3A_125, %get3A_127 : vector<16xf32>
      %ge3A_129 = arith.constant 0.000000e+00 : f32
      %ge3A_130 = vector.broadcast %ge3A_129 : f32 to vector<16xf32>
      %ge3A_131 = arith.cmpf oge, %add3A_128, %ge3A_130 : vector<16xf32>
      %mul3A_132 = arith.constant 2.000000e-01 : f32
      %mul3A_133 = vector.broadcast %mul3A_132 : f32 to vector<16xf32>
      %mul3A_134 = arith.mulf %mul3A_133, %add3A_128 : vector<16xf32>
      %select_n3A_135 = arith.select %ge3A_131, %add3A_128, %mul3A_134 : vector<16xi1>, vector<16xf32>
      %sub3A_136 = arith.subf %select_n3A_135, %get3A_9 : vector<16xf32>
      %exp3A_137 = math.exp %sub3A_136 : vector<16xf32>
      %swap3A_138 = arith.constant 80 : index
      %swap3A_139 = tpu.vector_load %arg17[%swap3A_138] {strides = array<i32>} : memref<128xf32, #tpu.memory_space<vmem>>, vector<16xf32>,
      tpu.vector_store %arg17[%swap3A_138], %exp3A_137 {strides = array<i32>} : memref<128xf32, #tpu.memory_space<vmem>>, vector<16xf32>,
      %get3A_140 = arith.constant 96 : index
      %get3A_141 = tpu.vector_load %arg14[%get3A_140] {strides = array<i32>} : memref<128xf32, #tpu.memory_space<vmem>>, vector<16xf32>,
      %get3A_142 = arith.constant 96 : index
      %get3A_143 = tpu.vector_load %arg15[%get3A_142] {strides = array<i32>} : memref<128xf32, #tpu.memory_space<vmem>>, vector<16xf32>,
      %add3A_144 = arith.addf %get3A_141, %get3A_143 : vector<16xf32>
      %ge3A_145 = arith.constant 0.000000e+00 : f32
      %ge3A_146 = vector.broadcast %ge3A_145 : f32 to vector<16xf32>
      %ge3A_147 = arith.cmpf oge, %add3A_144, %ge3A_146 : vector<16xf32>
      %mul3A_148 = arith.constant 2.000000e-01 : f32
      %mul3A_149 = vector.broadcast %mul3A_148 : f32 to vector<16xf32>
      %mul3A_150 = arith.mulf %mul3A_149, %add3A_144 : vector<16xf32>
      %select_n3A_151 = arith.select %ge3A_147, %add3A_144, %mul3A_150 : vector<16xi1>, vector<16xf32>
      %sub3A_152 = arith.subf %select_n3A_151, %get3A_9 : vector<16xf32>
      %exp3A_153 = math.exp %sub3A_152 : vector<16xf32>
      %swap3A_154 = arith.constant 96 : index
      %swap3A_155 = tpu.vector_load %arg17[%swap3A_154] {strides = array<i32>} : memref<128xf32, #tpu.memory_space<vmem>>, vector<16xf32>,
      tpu.vector_store %arg17[%swap3A_154], %exp3A_153 {strides = array<i32>} : memref<128xf32, #tpu.memory_space<vmem>>, vector<16xf32>,
      %get3A_156 = arith.constant 112 : index
      %get3A_157 = tpu.vector_load %arg14[%get3A_156] {strides = array<i32>} : memref<128xf32, #tpu.memory_space<vmem>>, vector<16xf32>,
      %get3A_158 = arith.constant 112 : index
      %get3A_159 = tpu.vector_load %arg15[%get3A_158] {strides = array<i32>} : memref<128xf32, #tpu.memory_space<vmem>>, vector<16xf32>,
      %add3A_160 = arith.addf %get3A_157, %get3A_159 : vector<16xf32>
      %ge3A_161 = arith.constant 0.000000e+00 : f32
      %ge3A_162 = vector.broadcast %ge3A_161 : f32 to vector<16xf32>
      %ge3A_163 = arith.cmpf oge, %add3A_160, %ge3A_162 : vector<16xf32>
      %mul3A_164 = arith.constant 2.000000e-01 : f32
      %mul3A_165 = vector.broadcast %mul3A_164 : f32 to vector<16xf32>
      %mul3A_166 = arith.mulf %mul3A_165, %add3A_160 : vector<16xf32>
      %select_n3A_167 = arith.select %ge3A_163, %add3A_160, %mul3A_166 : vector<16xi1>, vector<16xf32>
      %sub3A_168 = arith.subf %select_n3A_167, %get3A_9 : vector<16xf32>
      %exp3A_169 = math.exp %sub3A_168 : vector<16xf32>
      %swap3A_170 = arith.constant 112 : index
      %swap3A_171 = tpu.vector_load %arg17[%swap3A_170] {strides = array<i32>} : memref<128xf32, #tpu.memory_space<vmem>>, vector<16xf32>,
      tpu.vector_store %arg17[%swap3A_170], %exp3A_169 {strides = array<i32>} : memref<128xf32, #tpu.memory_space<vmem>>, vector<16xf32>,
      %dma_wait3A_172 = arith.constant 0 : i32
      %dma_wait3A_173 = tpu.memref_slice %arg12[%scan3A_24, %dma_wait3A_172] : memref<79x128xi32, #tpu.memory_space<vmem>> -> memref<1x128xi32, #tpu.memory_space<vmem>>
      %dma_wait3A_174 = tpu.memref_squeeze %dma_wait3A_173 : memref<1x128xi32, #tpu.memory_space<vmem>> -> memref<128xi32, #tpu.memory_space<vmem>>
      %dma_wait3A_175 = arith.constant 0 : i32
      %dma_wait3A_176 = arith.constant 0 : i32
      %dma_wait3A_177 = tpu.memref_slice %arg2[%dma_wait3A_175, %dma_wait3A_176] : memref<10000x128xf32, #tpu.memory_space<hbm>> -> memref<10000x128xf32, #tpu.memory_space<hbm>>
      tpu.wait_indirect_dma semaphore(%arg22 : memref<!tpu.dma_semaphore, #tpu.memory_space<semaphore_mem>>) src(%dma_wait3A_177 : memref<10000x128xf32, #tpu.memory_space<hbm>>) dst(%arg18 : memref<128x128xf32, #tpu.memory_space<vmem>>)
      %scan3A_178 = arith.constant 0 : i32
      %scan3A_179 = arith.constant 0 : i32
      %scan3A_180 = arith.constant 128 : i32
      %scan3A_181 = arith.addi %scan3A_179, %scan3A_180 : i32
      %scan3A_182 = arith.constant 1 : i32
      scf.for %scan3A_184 = %scan3A_179 to %scan3A_181 step %scan3A_182  : i32 {
        %broadcast_in_dim3A = vector.broadcast %scan3A_184 : i32 to vector<16xi32>
        %gather3A = tpu.vector_load_idx %arg17[%broadcast_in_dim3A] : memref<128xf32, #tpu.memory_space<vmem>>[vector<16xi32>], vector<16xf32>,
        %get3A_185 = arith.index_cast %scan3A_184 : i32 to index
        %get3A_186 = arith.constant 0 : index
        %get3A_187 = tpu.vector_load %arg18[%get3A_185, %get3A_186] {strides = array<i32>} : memref<128x128xf32, #tpu.memory_space<vmem>>, vector<16xf32>,
        %mul3A_188 = arith.mulf %get3A_187, %gather3A : vector<16xf32>
        %swap3A_189 = arith.index_cast %scan3A_184 : i32 to index
        %swap3A_190 = arith.constant 0 : index
        %swap3A_191 = tpu.vector_load %arg18[%swap3A_189, %swap3A_190] {strides = array<i32>} : memref<128x128xf32, #tpu.memory_space<vmem>>, vector<16xf32>,
        tpu.vector_store %arg18[%swap3A_189, %swap3A_190], %mul3A_188 {strides = array<i32>} : memref<128x128xf32, #tpu.memory_space<vmem>>, vector<16xf32>,
        %get3A_192 = arith.index_cast %scan3A_184 : i32 to index
        %get3A_193 = arith.constant 16 : index
        %get3A_194 = tpu.vector_load %arg18[%get3A_192, %get3A_193] {strides = array<i32>} : memref<128x128xf32, #tpu.memory_space<vmem>>, vector<16xf32>,
        %mul3A_195 = arith.mulf %get3A_194, %gather3A : vector<16xf32>
        %swap3A_196 = arith.index_cast %scan3A_184 : i32 to index
        %swap3A_197 = arith.constant 16 : index
        %swap3A_198 = tpu.vector_load %arg18[%swap3A_196, %swap3A_197] {strides = array<i32>} : memref<128x128xf32, #tpu.memory_space<vmem>>, vector<16xf32>,
        tpu.vector_store %arg18[%swap3A_196, %swap3A_197], %mul3A_195 {strides = array<i32>} : memref<128x128xf32, #tpu.memory_space<vmem>>, vector<16xf32>,
        %get3A_199 = arith.index_cast %scan3A_184 : i32 to index
        %get3A_200 = arith.constant 32 : index
        %get3A_201 = tpu.vector_load %arg18[%get3A_199, %get3A_200] {strides = array<i32>} : memref<128x128xf32, #tpu.memory_space<vmem>>, vector<16xf32>,
        %mul3A_202 = arith.mulf %get3A_201, %gather3A : vector<16xf32>
        %swap3A_203 = arith.index_cast %scan3A_184 : i32 to index
        %swap3A_204 = arith.constant 32 : index
        %swap3A_205 = tpu.vector_load %arg18[%swap3A_203, %swap3A_204] {strides = array<i32>} : memref<128x128xf32, #tpu.memory_space<vmem>>, vector<16xf32>,
        tpu.vector_store %arg18[%swap3A_203, %swap3A_204], %mul3A_202 {strides = array<i32>} : memref<128x128xf32, #tpu.memory_space<vmem>>, vector<16xf32>,
        %get3A_206 = arith.index_cast %scan3A_184 : i32 to index
        %get3A_207 = arith.constant 48 : index
        %get3A_208 = tpu.vector_load %arg18[%get3A_206, %get3A_207] {strides = array<i32>} : memref<128x128xf32, #tpu.memory_space<vmem>>, vector<16xf32>,
        %mul3A_209 = arith.mulf %get3A_208, %gather3A : vector<16xf32>
        %swap3A_210 = arith.index_cast %scan3A_184 : i32 to index
        %swap3A_211 = arith.constant 48 : index
        %swap3A_212 = tpu.vector_load %arg18[%swap3A_210, %swap3A_211] {strides = array<i32>} : memref<128x128xf32, #tpu.memory_space<vmem>>, vector<16xf32>,
        tpu.vector_store %arg18[%swap3A_210, %swap3A_211], %mul3A_209 {strides = array<i32>} : memref<128x128xf32, #tpu.memory_space<vmem>>, vector<16xf32>,
        %get3A_213 = arith.index_cast %scan3A_184 : i32 to index
        %get3A_214 = arith.constant 64 : index
        %get3A_215 = tpu.vector_load %arg18[%get3A_213, %get3A_214] {strides = array<i32>} : memref<128x128xf32, #tpu.memory_space<vmem>>, vector<16xf32>,
        %mul3A_216 = arith.mulf %get3A_215, %gather3A : vector<16xf32>
        %swap3A_217 = arith.index_cast %scan3A_184 : i32 to index
        %swap3A_218 = arith.constant 64 : index
        %swap3A_219 = tpu.vector_load %arg18[%swap3A_217, %swap3A_218] {strides = array<i32>} : memref<128x128xf32, #tpu.memory_space<vmem>>, vector<16xf32>,
        tpu.vector_store %arg18[%swap3A_217, %swap3A_218], %mul3A_216 {strides = array<i32>} : memref<128x128xf32, #tpu.memory_space<vmem>>, vector<16xf32>,
        %get3A_220 = arith.index_cast %scan3A_184 : i32 to index
        %get3A_221 = arith.constant 80 : index
        %get3A_222 = tpu.vector_load %arg18[%get3A_220, %get3A_221] {strides = array<i32>} : memref<128x128xf32, #tpu.memory_space<vmem>>, vector<16xf32>,
        %mul3A_223 = arith.mulf %get3A_222, %gather3A : vector<16xf32>
        %swap3A_224 = arith.index_cast %scan3A_184 : i32 to index
        %swap3A_225 = arith.constant 80 : index
        %swap3A_226 = tpu.vector_load %arg18[%swap3A_224, %swap3A_225] {strides = array<i32>} : memref<128x128xf32, #tpu.memory_space<vmem>>, vector<16xf32>,
        tpu.vector_store %arg18[%swap3A_224, %swap3A_225], %mul3A_223 {strides = array<i32>} : memref<128x128xf32, #tpu.memory_space<vmem>>, vector<16xf32>,
        %get3A_227 = arith.index_cast %scan3A_184 : i32 to index
        %get3A_228 = arith.constant 96 : index
        %get3A_229 = tpu.vector_load %arg18[%get3A_227, %get3A_228] {strides = array<i32>} : memref<128x128xf32, #tpu.memory_space<vmem>>, vector<16xf32>,
        %mul3A_230 = arith.mulf %get3A_229, %gather3A : vector<16xf32>
        %swap3A_231 = arith.index_cast %scan3A_184 : i32 to index
        %swap3A_232 = arith.constant 96 : index
        %swap3A_233 = tpu.vector_load %arg18[%swap3A_231, %swap3A_232] {strides = array<i32>} : memref<128x128xf32, #tpu.memory_space<vmem>>, vector<16xf32>,
        tpu.vector_store %arg18[%swap3A_231, %swap3A_232], %mul3A_230 {strides = array<i32>} : memref<128x128xf32, #tpu.memory_space<vmem>>, vector<16xf32>,
        %get3A_234 = arith.index_cast %scan3A_184 : i32 to index
        %get3A_235 = arith.constant 112 : index
        %get3A_236 = tpu.vector_load %arg18[%get3A_234, %get3A_235] {strides = array<i32>} : memref<128x128xf32, #tpu.memory_space<vmem>>, vector<16xf32>,
        %mul3A_237 = arith.mulf %get3A_236, %gather3A : vector<16xf32>
        %swap3A_238 = arith.index_cast %scan3A_184 : i32 to index
        %swap3A_239 = arith.constant 112 : index
        %swap3A_240 = tpu.vector_load %arg18[%swap3A_238, %swap3A_239] {strides = array<i32>} : memref<128x128xf32, #tpu.memory_space<vmem>>, vector<16xf32>,
        tpu.vector_store %arg18[%swap3A_238, %swap3A_239], %mul3A_237 {strides = array<i32>} : memref<128x128xf32, #tpu.memory_space<vmem>>, vector<16xf32>,
      }
      %scan3A_183 = arith.constant 128 : i32
      "tpu.region"() ({
        %run_scoped3A = tpu.sem_alloc : memref<!tpu.dma_semaphore, #tpu.memory_space<semaphore_mem>>
        %dma_start3A_184 = arith.constant 0 : i32
        %dma_start3A_185 = tpu.memref_slice %arg13[%scan3A_24, %dma_start3A_184] : memref<79x128xi32, #tpu.memory_space<vmem>> -> memref<1x128xi32, #tpu.memory_space<vmem>>
        %dma_start3A_186 = tpu.memref_squeeze %dma_start3A_185 : memref<1x128xi32, #tpu.memory_space<vmem>> -> memref<128xi32, #tpu.memory_space<vmem>>
        %dma_start3A_187 = arith.constant 0 : i32
        %dma_start3A_188 = arith.constant 0 : i32
        %dma_start3A_189 = tpu.memref_slice %arg19[%dma_start3A_187, %dma_start3A_188] : memref<10240x128xf32, #tpu.memory_space<vmem_shared>> -> memref<10240x128xf32, #tpu.memory_space<vmem_shared>>
        tpu.enqueue_indirect_dma source(%arg18 : memref<128x128xf32, #tpu.memory_space<vmem>>) target(%dma_start3A_189 : memref<10240x128xf32, #tpu.memory_space<vmem_shared>>) offsets(%dma_start3A_186 : memref<128xi32, #tpu.memory_space<vmem>>) semaphore(%run_scoped3A : memref<!tpu.dma_semaphore, #tpu.memory_space<semaphore_mem>>) {add = true}
        %dma_wait3A_190 = arith.constant 0 : i32
        %dma_wait3A_191 = tpu.memref_slice %arg13[%scan3A_24, %dma_wait3A_190] : memref<79x128xi32, #tpu.memory_space<vmem>> -> memref<1x128xi32, #tpu.memory_space<vmem>>
        %dma_wait3A_192 = tpu.memref_squeeze %dma_wait3A_191 : memref<1x128xi32, #tpu.memory_space<vmem>> -> memref<128xi32, #tpu.memory_space<vmem>>
        %dma_wait3A_193 = arith.constant 0 : i32
        %dma_wait3A_194 = arith.constant 0 : i32
        %dma_wait3A_195 = tpu.memref_slice %arg19[%dma_wait3A_193, %dma_wait3A_194] : memref<10240x128xf32, #tpu.memory_space<vmem_shared>> -> memref<10240x128xf32, #tpu.memory_space<vmem_shared>>
        tpu.wait_indirect_dma semaphore(%run_scoped3A : memref<!tpu.dma_semaphore, #tpu.memory_space<semaphore_mem>>) src(%arg18 : memref<128x128xf32, #tpu.memory_space<vmem>>) dst(%dma_wait3A_195 : memref<10240x128xf32, #tpu.memory_space<vmem_shared>>)
        tpu.yield
      }) : () -> ()
      "tpu.region"() ({
        %run_scoped3A = tpu.sem_alloc : memref<!tpu.dma_semaphore, #tpu.memory_space<semaphore_mem>>
        %dma_start3A_184 = arith.constant 0 : i32
        %dma_start3A_185 = tpu.memref_slice %arg13[%scan3A_24, %dma_start3A_184] : memref<79x128xi32, #tpu.memory_space<vmem>> -> memref<1x128xi32, #tpu.memory_space<vmem>>
        %dma_start3A_186 = tpu.memref_squeeze %dma_start3A_185 : memref<1x128xi32, #tpu.memory_space<vmem>> -> memref<128xi32, #tpu.memory_space<vmem>>
        %dma_start3A_187 = arith.constant 0 : i32
        %dma_start3A_188 = tpu.memref_slice %arg20[%dma_start3A_187] : memref<10240xf32, #tpu.memory_space<vmem_shared>> -> memref<10240xf32, #tpu.memory_space<vmem_shared>>
        tpu.enqueue_indirect_dma source(%arg17 : memref<128xf32, #tpu.memory_space<vmem>>) target(%dma_start3A_188 : memref<10240xf32, #tpu.memory_space<vmem_shared>>) offsets(%dma_start3A_186 : memref<128xi32, #tpu.memory_space<vmem>>) semaphore(%run_scoped3A : memref<!tpu.dma_semaphore, #tpu.memory_space<semaphore_mem>>) {add = true}
        %dma_wait3A_189 = arith.constant 0 : i32
        %dma_wait3A_190 = tpu.memref_slice %arg13[%scan3A_24, %dma_wait3A_189] : memref<79x128xi32, #tpu.memory_space<vmem>> -> memref<1x128xi32, #tpu.memory_space<vmem>>
        %dma_wait3A_191 = tpu.memref_squeeze %dma_wait3A_190 : memref<1x128xi32, #tpu.memory_space<vmem>> -> memref<128xi32, #tpu.memory_space<vmem>>
        %dma_wait3A_192 = arith.constant 0 : i32
        %dma_wait3A_193 = tpu.memref_slice %arg20[%dma_wait3A_192] : memref<10240xf32, #tpu.memory_space<vmem_shared>> -> memref<10240xf32, #tpu.memory_space<vmem_shared>>
        tpu.wait_indirect_dma semaphore(%run_scoped3A : memref<!tpu.dma_semaphore, #tpu.memory_space<semaphore_mem>>) src(%arg17 : memref<128xf32, #tpu.memory_space<vmem>>) dst(%dma_wait3A_193 : memref<10240xf32, #tpu.memory_space<vmem_shared>>)
        tpu.yield
      }) : () -> ()
    }
    %scan3A_14 = arith.constant 79 : i32
    %barrier3A_15 = arith.constant 0 : index
    tpu.barrier barrier_id(%barrier3A_15)
    %mul3A_16 = arith.constant 640 : i32
    %mul3A_17 = arith.muli %arg1, %mul3A_16 : i32
    %mul3A_18 = arith.constant 640 : i32
    %mul3A_19 = arith.muli %arg1, %mul3A_18 : i32
    "tpu.region"() ({
      %run_scoped3A = tpu.sem_alloc : memref<!tpu.dma_semaphore, #tpu.memory_space<semaphore_mem>>
      %dma_start3A = arith.constant 0 : i32
      %dma_start3A_24 = arith.constant 0 : i32
      %dma_start3A_25 = tpu.memref_slice %arg10[%arg0, %dma_start3A, %dma_start3A_24] : memref<2x10240x128xf32, #tpu.memory_space<hbm>> -> memref<1x10240x128xf32, #tpu.memory_space<hbm>>
      %dma_start3A_26 = tpu.memref_squeeze %dma_start3A_25 : memref<1x10240x128xf32, #tpu.memory_space<hbm>> -> memref<10240x128xf32, #tpu.memory_space<hbm>>
      %dma_start3A_27 = arith.constant 0 : i32
      %dma_start3A_28 = tpu.memref_slice %dma_start3A_26[%mul3A_19, %dma_start3A_27] : memref<10240x128xf32, #tpu.memory_space<hbm>> -> memref<640x128xf32, #tpu.memory_space<hbm>>
      %dma_start3A_29 = arith.constant 0 : i32
      %dma_start3A_30 = tpu.memref_slice %arg19[%mul3A_17, %dma_start3A_29] : memref<10240x128xf32, #tpu.memory_space<vmem_shared>> -> memref<640x128xf32, #tpu.memory_space<vmem_shared>>
      tpu.enqueue_dma source(%dma_start3A_30 : memref<640x128xf32, #tpu.memory_space<vmem_shared>>) target(%dma_start3A_28 : memref<640x128xf32, #tpu.memory_space<hbm>>) target_semaphore(%run_scoped3A : memref<!tpu.dma_semaphore, #tpu.memory_space<semaphore_mem>>)
      %dma_wait3A = arith.constant 0 : i32
      %dma_wait3A_31 = arith.constant 0 : i32
      %dma_wait3A_32 = tpu.memref_slice %arg10[%arg0, %dma_wait3A, %dma_wait3A_31] : memref<2x10240x128xf32, #tpu.memory_space<hbm>> -> memref<1x10240x128xf32, #tpu.memory_space<hbm>>
      %dma_wait3A_33 = tpu.memref_squeeze %dma_wait3A_32 : memref<1x10240x128xf32, #tpu.memory_space<hbm>> -> memref<10240x128xf32, #tpu.memory_space<hbm>>
      %dma_wait3A_34 = arith.constant 0 : i32
      %dma_wait3A_35 = tpu.memref_slice %dma_wait3A_33[%mul3A_19, %dma_wait3A_34] : memref<10240x128xf32, #tpu.memory_space<hbm>> -> memref<640x128xf32, #tpu.memory_space<hbm>>
      %dma_wait3A_36 = arith.constant 0 : i32
      %dma_wait3A_37 = tpu.memref_slice %arg19[%mul3A_17, %dma_wait3A_36] : memref<10240x128xf32, #tpu.memory_space<vmem_shared>> -> memref<640x128xf32, #tpu.memory_space<vmem_shared>>
      tpu.wait_dma2 semaphore(%run_scoped3A : memref<!tpu.dma_semaphore, #tpu.memory_space<semaphore_mem>>) src(%dma_wait3A_37 : memref<640x128xf32, #tpu.memory_space<vmem_shared>>) dst(%dma_wait3A_35 : memref<640x128xf32, #tpu.memory_space<hbm>>)
      tpu.yield
    }) : () -> ()
    %mul3A_20 = arith.constant 640 : i32
    %mul3A_21 = arith.muli %arg1, %mul3A_20 : i32
    %mul3A_22 = arith.constant 640 : i32
    %mul3A_23 = arith.muli %arg1, %mul3A_22 : i32
    "tpu.region"() ({
      %run_scoped3A = tpu.sem_alloc : memref<!tpu.dma_semaphore, #tpu.memory_space<semaphore_mem>>
      %dma_start3A = arith.constant 0 : i32
      %dma_start3A_24 = tpu.memref_slice %arg11[%arg0, %dma_start3A] : memref<2x10240xf32, #tpu.memory_space<hbm>> -> memref<1x10240xf32, #tpu.memory_space<hbm>>
      %dma_start3A_25 = tpu.memref_squeeze %dma_start3A_24 : memref<1x10240xf32, #tpu.memory_space<hbm>> -> memref<10240xf32, #tpu.memory_space<hbm>>
      %dma_start3A_26 = tpu.memref_slice %dma_start3A_25[%mul3A_23] : memref<10240xf32, #tpu.memory_space<hbm>> -> memref<640xf32, #tpu.memory_space<hbm>>
      %dma_start3A_27 = tpu.memref_slice %arg20[%mul3A_21] : memref<10240xf32, #tpu.memory_space<vmem_shared>> -> memref<640xf32, #tpu.memory_space<vmem_shared>>
      tpu.enqueue_dma source(%dma_start3A_27 : memref<640xf32, #tpu.memory_space<vmem_shared>>) target(%dma_start3A_26 : memref<640xf32, #tpu.memory_space<hbm>>) target_semaphore(%run_scoped3A : memref<!tpu.dma_semaphore, #tpu.memory_space<semaphore_mem>>)
      %dma_wait3A = arith.constant 0 : i32
      %dma_wait3A_28 = tpu.memref_slice %arg11[%arg0, %dma_wait3A] : memref<2x10240xf32, #tpu.memory_space<hbm>> -> memref<1x10240xf32, #tpu.memory_space<hbm>>
      %dma_wait3A_29 = tpu.memref_squeeze %dma_wait3A_28 : memref<1x10240xf32, #tpu.memory_space<hbm>> -> memref<10240xf32, #tpu.memory_space<hbm>>
      %dma_wait3A_30 = tpu.memref_slice %dma_wait3A_29[%mul3A_23] : memref<10240xf32, #tpu.memory_space<hbm>> -> memref<640xf32, #tpu.memory_space<hbm>>
      %dma_wait3A_31 = tpu.memref_slice %arg20[%mul3A_21] : memref<10240xf32, #tpu.memory_space<vmem_shared>> -> memref<640xf32, #tpu.memory_space<vmem_shared>>
      tpu.wait_dma2 semaphore(%run_scoped3A : memref<!tpu.dma_semaphore, #tpu.memory_space<semaphore_mem>>) src(%dma_wait3A_31 : memref<640xf32, #tpu.memory_space<vmem_shared>>) dst(%dma_wait3A_30 : memref<640xf32, #tpu.memory_space<hbm>>)
      tpu.yield
    }) : () -> ()
    return
  }
}

module attributes {stable_mosaic.version = 14 : i64} {
  func.func @_tc_first_body(%arg0: memref<10000x128xf32, #tpu.memory_space<vmem>>, %arg1: memref<128x128xf32, #tpu.memory_space<vmem>>, %arg2: memref<128xf32, #tpu.memory_space<vmem>>, %arg3: memref<128xf32, #tpu.memory_space<vmem>>, %arg4: memref<10000x128xf32, #tpu.memory_space<vmem>>, %arg5: memref<10016xf32, #tpu.memory_space<vmem>>, %arg6: memref<10016xf32, #tpu.memory_space<vmem>>, %arg7: memref<128xf32, #tpu.memory_space<vmem>>) attributes {dimension_semantics = [], scalar_prefetch = 0 : i64, scratch_operands = 0 : i64, tpu.core_type = #tpu.core_type<tc>} {
    %get3A = arith.constant 0 : index
    %get3A_0 = arith.constant 0 : index
    %get3A_1 = vector.load %arg0[%get3A, %get3A_0] : memref<10000x128xf32, #tpu.memory_space<vmem>>, vector<10000x128xf32>
    %get3A_2 = arith.constant 0 : index
    %get3A_3 = arith.constant 0 : index
    %get3A_4 = vector.load %arg1[%get3A_2, %get3A_3] : memref<128x128xf32, #tpu.memory_space<vmem>>, vector<128x128xf32>
    %dot_general3A = arith.constant dense<0.000000e+00> : vector<10000x128xf32>
    %dot_general3A_5 = tpu.matmul %get3A_1, %get3A_4, %dot_general3A {dimension_numbers = #tpu.dot_dimension_numbers<[1], [0], [0], [1], [0, 0, 1, 1], [], []>, transpose_lhs_hint = false} : vector<10000x128xf32>, vector<128x128xf32>, vector<10000x128xf32> -> vector<10000x128xf32>
    %swap3A = arith.constant 0 : index
    %swap3A_6 = arith.constant 0 : index
    %swap3A_7 = vector.load %arg4[%swap3A, %swap3A_6] : memref<10000x128xf32, #tpu.memory_space<vmem>>, vector<10000x128xf32>
    tpu.vector_store %arg4[%swap3A, %swap3A_6], %dot_general3A_5 {strides = array<i32>} : memref<10000x128xf32, #tpu.memory_space<vmem>>, vector<10000x128xf32>,
    %get3A_8 = arith.constant 0 : index
    %get3A_9 = vector.load %arg2[%get3A_8] : memref<128xf32, #tpu.memory_space<vmem>>, vector<128xf32>
    %dot_general3A_10 = arith.constant dense<0.000000e+00> : vector<10000xf32>
    %dot_general3A_11 = tpu.matmul %dot_general3A_5, %get3A_9, %dot_general3A_10 {dimension_numbers = #tpu.dot_dimension_numbers<[1], [0], [0], [], [0, 0], [], []>, transpose_lhs_hint = false} : vector<10000x128xf32>, vector<128xf32>, vector<10000xf32> -> vector<10000xf32>
    %get3A_12 = arith.constant 0 : index
    %get3A_13 = vector.load %arg3[%get3A_12] : memref<128xf32, #tpu.memory_space<vmem>>, vector<128xf32>
    %dot_general3A_14 = arith.constant dense<0.000000e+00> : vector<10000xf32>
    %dot_general3A_15 = tpu.matmul %dot_general3A_5, %get3A_13, %dot_general3A_14 {dimension_numbers = #tpu.dot_dimension_numbers<[1], [0], [0], [], [0, 0], [], []>, transpose_lhs_hint = false} : vector<10000x128xf32>, vector<128xf32>, vector<10000xf32> -> vector<10000xf32>
    %broadcast_in_dim3A = arith.constant 0.000000e+00 : f32
    %broadcast_in_dim3A_16 = vector.broadcast %broadcast_in_dim3A : f32 to vector<16xf32>
    %concatenate3A = tpu.concatenate %dot_general3A_11, %broadcast_in_dim3A_16 in 0 : vector<10000xf32>, vector<16xf32> -> vector<10016xf32>
    %swap3A_17 = arith.constant 0 : index
    %swap3A_18 = vector.load %arg5[%swap3A_17] : memref<10016xf32, #tpu.memory_space<vmem>>, vector<10016xf32>
    tpu.vector_store %arg5[%swap3A_17], %concatenate3A {strides = array<i32>} : memref<10016xf32, #tpu.memory_space<vmem>>, vector<10016xf32>,
    %concatenate3A_19 = tpu.concatenate %dot_general3A_15, %broadcast_in_dim3A_16 in 0 : vector<10000xf32>, vector<16xf32> -> vector<10016xf32>
    %swap3A_20 = arith.constant 0 : index
    %swap3A_21 = vector.load %arg6[%swap3A_20] : memref<10016xf32, #tpu.memory_space<vmem>>, vector<10016xf32>
    tpu.vector_store %arg6[%swap3A_20], %concatenate3A_19 {strides = array<i32>} : memref<10016xf32, #tpu.memory_space<vmem>>, vector<10016xf32>,
    %reduce_max3A = vector.shape_cast %dot_general3A_11 : vector<10000xf32> to vector<1x10000xf32>
    %reduce_max3A_22 = arith.constant dense<0xFF800000> : vector<1xf32>
    %reduce_max3A_23 = vector.multi_reduction <maximumf>, %reduce_max3A, %reduce_max3A_22 [1] : vector<1x10000xf32> to vector<1xf32>
    %reduce_max3A_24 = vector.shape_cast %reduce_max3A_23 : vector<1xf32> to vector<1x1xf32>
    %reduce_max3A_25 = vector.extract %reduce_max3A_24[0, 0] : f32 from vector<1x1xf32>
    %reduce_max3A_26 = vector.shape_cast %dot_general3A_15 : vector<10000xf32> to vector<1x10000xf32>
    %reduce_max3A_27 = arith.constant dense<0xFF800000> : vector<1xf32>
    %reduce_max3A_28 = vector.multi_reduction <maximumf>, %reduce_max3A_26, %reduce_max3A_27 [1] : vector<1x10000xf32> to vector<1xf32>
    %reduce_max3A_29 = vector.shape_cast %reduce_max3A_28 : vector<1xf32> to vector<1x1xf32>
    %reduce_max3A_30 = vector.extract %reduce_max3A_29[0, 0] : f32 from vector<1x1xf32>
    %add3A = arith.addf %reduce_max3A_25, %reduce_max3A_30 : f32
    %ge3A = arith.constant 0.000000e+00 : f32
    %ge3A_31 = arith.cmpf oge, %add3A, %ge3A : f32
    %mul3A = arith.constant 2.000000e-01 : f32
    %mul3A_32 = arith.mulf %mul3A, %add3A : f32
    %select_n3A = arith.select %ge3A_31, %add3A, %mul3A_32 : f32
    %broadcast_in_dim3A_33 = vector.broadcast %select_n3A : f32 to vector<128xf32>
    %swap3A_34 = arith.constant 0 : index
    %swap3A_35 = vector.load %arg7[%swap3A_34] : memref<128xf32, #tpu.memory_space<vmem>>, vector<128xf32>
    tpu.vector_store %arg7[%swap3A_34], %broadcast_in_dim3A_33 {strides = array<i32>} : memref<128xf32, #tpu.memory_space<vmem>>, vector<128xf32>,
    return
  }
}

module attributes {stable_mosaic.version = 14 : i64} {
  func.func @_tc_mid_body(%arg0: memref<2x10240x128xf32, #tpu.memory_space<vmem>>, %arg1: memref<2x10240xf32, #tpu.memory_space<vmem>>, %arg2: memref<128xf32, #tpu.memory_space<vmem>>, %arg3: memref<128x128xf32, #tpu.memory_space<vmem>>, %arg4: memref<128xf32, #tpu.memory_space<vmem>>, %arg5: memref<128xf32, #tpu.memory_space<vmem>>, %arg6: memref<10000x128xf32, #tpu.memory_space<vmem>>, %arg7: memref<10016xf32, #tpu.memory_space<vmem>>, %arg8: memref<10016xf32, #tpu.memory_space<vmem>>, %arg9: memref<128xf32, #tpu.memory_space<vmem>>) attributes {dimension_semantics = [], scalar_prefetch = 0 : i64, scratch_operands = 0 : i64, tpu.core_type = #tpu.core_type<tc>} {
    %get3A = arith.constant 0 : index
    %get3A_0 = arith.constant 0 : index
    %get3A_1 = arith.constant 0 : index
    %get3A_2 = vector.load %arg0[%get3A, %get3A_0, %get3A_1] : memref<2x10240x128xf32, #tpu.memory_space<vmem>>, vector<1x10000x128xf32>
    %get3A_3 = vector.shape_cast %get3A_2 : vector<1x10000x128xf32> to vector<10000x128xf32>
    %get3A_4 = arith.constant 1 : index
    %get3A_5 = arith.constant 0 : index
    %get3A_6 = arith.constant 0 : index
    %get3A_7 = vector.load %arg0[%get3A_4, %get3A_5, %get3A_6] : memref<2x10240x128xf32, #tpu.memory_space<vmem>>, vector<1x10000x128xf32>
    %get3A_8 = vector.shape_cast %get3A_7 : vector<1x10000x128xf32> to vector<10000x128xf32>
    %add3A = arith.addf %get3A_3, %get3A_8 : vector<10000x128xf32>
    %get3A_9 = arith.constant 0 : index
    %get3A_10 = arith.constant 0 : index
    %get3A_11 = vector.load %arg1[%get3A_9, %get3A_10] : memref<2x10240xf32, #tpu.memory_space<vmem>>, vector<1x10000xf32>
    %get3A_12 = vector.shape_cast %get3A_11 : vector<1x10000xf32> to vector<10000xf32>
    %get3A_13 = arith.constant 1 : index
    %get3A_14 = arith.constant 0 : index
    %get3A_15 = vector.load %arg1[%get3A_13, %get3A_14] : memref<2x10240xf32, #tpu.memory_space<vmem>>, vector<1x10000xf32>
    %get3A_16 = vector.shape_cast %get3A_15 : vector<1x10000xf32> to vector<10000xf32>
    %add3A_17 = arith.addf %get3A_12, %get3A_16 : vector<10000xf32>
    %add3A_18 = arith.constant 1.000000e-16 : f32
    %add3A_19 = vector.broadcast %add3A_18 : f32 to vector<10000xf32>
    %add3A_20 = arith.addf %add3A_17, %add3A_19 : vector<10000xf32>
    %broadcast_in_dim3A = vector.shape_cast %add3A_20 : vector<10000xf32> to vector<10000x1xf32>
    %div3A = vector.broadcast %broadcast_in_dim3A : vector<10000x1xf32> to vector<10000x128xf32>
    %div3A_21 = arith.divf %add3A, %div3A : vector<10000x128xf32>
    %get3A_22 = arith.constant 0 : index
    %get3A_23 = vector.load %arg2[%get3A_22] : memref<128xf32, #tpu.memory_space<vmem>>, vector<128xf32>
    %broadcast_in_dim3A_24 = vector.shape_cast %get3A_23 : vector<128xf32> to vector<1x128xf32>
    %add3A_25 = vector.broadcast %broadcast_in_dim3A_24 : vector<1x128xf32> to vector<10000x128xf32>
    %add3A_26 = arith.addf %div3A_21, %add3A_25 : vector<10000x128xf32>
    %max3A = arith.constant 0.000000e+00 : f32
    %max3A_27 = vector.broadcast %max3A : f32 to vector<10000x128xf32>
    %max3A_28 = arith.maximumf %add3A_26, %max3A_27 : vector<10000x128xf32>
    %get3A_29 = arith.constant 0 : index
    %get3A_30 = arith.constant 0 : index
    %get3A_31 = vector.load %arg3[%get3A_29, %get3A_30] : memref<128x128xf32, #tpu.memory_space<vmem>>, vector<128x128xf32>
    %dot_general3A = arith.constant dense<0.000000e+00> : vector<10000x128xf32>
    %dot_general3A_32 = tpu.matmul %max3A_28, %get3A_31, %dot_general3A {dimension_numbers = #tpu.dot_dimension_numbers<[1], [0], [0], [1], [0, 0, 1, 1], [], []>, transpose_lhs_hint = false} : vector<10000x128xf32>, vector<128x128xf32>, vector<10000x128xf32> -> vector<10000x128xf32>
    %swap3A = arith.constant 0 : index
    %swap3A_33 = arith.constant 0 : index
    %swap3A_34 = vector.load %arg6[%swap3A, %swap3A_33] : memref<10000x128xf32, #tpu.memory_space<vmem>>, vector<10000x128xf32>
    tpu.vector_store %arg6[%swap3A, %swap3A_33], %dot_general3A_32 {strides = array<i32>} : memref<10000x128xf32, #tpu.memory_space<vmem>>, vector<10000x128xf32>,
    %get3A_35 = arith.constant 0 : index
    %get3A_36 = vector.load %arg4[%get3A_35] : memref<128xf32, #tpu.memory_space<vmem>>, vector<128xf32>
    %dot_general3A_37 = arith.constant dense<0.000000e+00> : vector<10000xf32>
    %dot_general3A_38 = tpu.matmul %dot_general3A_32, %get3A_36, %dot_general3A_37 {dimension_numbers = #tpu.dot_dimension_numbers<[1], [0], [0], [], [0, 0], [], []>, transpose_lhs_hint = false} : vector<10000x128xf32>, vector<128xf32>, vector<10000xf32> -> vector<10000xf32>
    %get3A_39 = arith.constant 0 : index
    %get3A_40 = vector.load %arg5[%get3A_39] : memref<128xf32, #tpu.memory_space<vmem>>, vector<128xf32>
    %dot_general3A_41 = arith.constant dense<0.000000e+00> : vector<10000xf32>
    %dot_general3A_42 = tpu.matmul %dot_general3A_32, %get3A_40, %dot_general3A_41 {dimension_numbers = #tpu.dot_dimension_numbers<[1], [0], [0], [], [0, 0], [], []>, transpose_lhs_hint = false} : vector<10000x128xf32>, vector<128xf32>, vector<10000xf32> -> vector<10000xf32>
    %broadcast_in_dim3A_43 = arith.constant 0.000000e+00 : f32
    %broadcast_in_dim3A_44 = vector.broadcast %broadcast_in_dim3A_43 : f32 to vector<16xf32>
    %concatenate3A = tpu.concatenate %dot_general3A_38, %broadcast_in_dim3A_44 in 0 : vector<10000xf32>, vector<16xf32> -> vector<10016xf32>
    %swap3A_45 = arith.constant 0 : index
    %swap3A_46 = vector.load %arg7[%swap3A_45] : memref<10016xf32, #tpu.memory_space<vmem>>, vector<10016xf32>
    tpu.vector_store %arg7[%swap3A_45], %concatenate3A {strides = array<i32>} : memref<10016xf32, #tpu.memory_space<vmem>>, vector<10016xf32>,
    %concatenate3A_47 = tpu.concatenate %dot_general3A_42, %broadcast_in_dim3A_44 in 0 : vector<10000xf32>, vector<16xf32> -> vector<10016xf32>
    %swap3A_48 = arith.constant 0 : index
    %swap3A_49 = vector.load %arg8[%swap3A_48] : memref<10016xf32, #tpu.memory_space<vmem>>, vector<10016xf32>
    tpu.vector_store %arg8[%swap3A_48], %concatenate3A_47 {strides = array<i32>} : memref<10016xf32, #tpu.memory_space<vmem>>, vector<10016xf32>,
    %reduce_max3A = vector.shape_cast %dot_general3A_38 : vector<10000xf32> to vector<1x10000xf32>
    %reduce_max3A_50 = arith.constant dense<0xFF800000> : vector<1xf32>
    %reduce_max3A_51 = vector.multi_reduction <maximumf>, %reduce_max3A, %reduce_max3A_50 [1] : vector<1x10000xf32> to vector<1xf32>
    %reduce_max3A_52 = vector.shape_cast %reduce_max3A_51 : vector<1xf32> to vector<1x1xf32>
    %reduce_max3A_53 = vector.extract %reduce_max3A_52[0, 0] : f32 from vector<1x1xf32>
    %reduce_max3A_54 = vector.shape_cast %dot_general3A_42 : vector<10000xf32> to vector<1x10000xf32>
    %reduce_max3A_55 = arith.constant dense<0xFF800000> : vector<1xf32>
    %reduce_max3A_56 = vector.multi_reduction <maximumf>, %reduce_max3A_54, %reduce_max3A_55 [1] : vector<1x10000xf32> to vector<1xf32>
    %reduce_max3A_57 = vector.shape_cast %reduce_max3A_56 : vector<1xf32> to vector<1x1xf32>
    %reduce_max3A_58 = vector.extract %reduce_max3A_57[0, 0] : f32 from vector<1x1xf32>
    %add3A_59 = arith.addf %reduce_max3A_53, %reduce_max3A_58 : f32
    %ge3A = arith.constant 0.000000e+00 : f32
    %ge3A_60 = arith.cmpf oge, %add3A_59, %ge3A : f32
    %mul3A = arith.constant 2.000000e-01 : f32
    %mul3A_61 = arith.mulf %mul3A, %add3A_59 : f32
    %select_n3A = arith.select %ge3A_60, %add3A_59, %mul3A_61 : f32
    %broadcast_in_dim3A_62 = vector.broadcast %select_n3A : f32 to vector<128xf32>
    %swap3A_63 = arith.constant 0 : index
    %swap3A_64 = vector.load %arg9[%swap3A_63] : memref<128xf32, #tpu.memory_space<vmem>>, vector<128xf32>
    tpu.vector_store %arg9[%swap3A_63], %broadcast_in_dim3A_62 {strides = array<i32>} : memref<128xf32, #tpu.memory_space<vmem>>, vector<128xf32>,
    return
  }
}

module attributes {stable_mosaic.version = 14 : i64} {
  func.func @_tc_final_body(%arg0: memref<2x10240x128xf32, #tpu.memory_space<vmem>>, %arg1: memref<2x10240xf32, #tpu.memory_space<vmem>>, %arg2: memref<128xf32, #tpu.memory_space<vmem>>, %arg3: memref<10000xi32, #tpu.memory_space<vmem>>, %arg4: memref<128x128xf32, #tpu.memory_space<vmem>>, %arg5: memref<128xf32, #tpu.memory_space<vmem>>, %arg6: memref<64x128xf32, #tpu.memory_space<vmem>>) attributes {dimension_semantics = [], scalar_prefetch = 0 : i64, scratch_operands = 0 : i64, tpu.core_type = #tpu.core_type<tc>} {
    %get3A = arith.constant 0 : index
    %get3A_0 = arith.constant 0 : index
    %get3A_1 = arith.constant 0 : index
    %get3A_2 = vector.load %arg0[%get3A, %get3A_0, %get3A_1] : memref<2x10240x128xf32, #tpu.memory_space<vmem>>, vector<1x10000x128xf32>
    %get3A_3 = vector.shape_cast %get3A_2 : vector<1x10000x128xf32> to vector<10000x128xf32>
    %get3A_4 = arith.constant 1 : index
    %get3A_5 = arith.constant 0 : index
    %get3A_6 = arith.constant 0 : index
    %get3A_7 = vector.load %arg0[%get3A_4, %get3A_5, %get3A_6] : memref<2x10240x128xf32, #tpu.memory_space<vmem>>, vector<1x10000x128xf32>
    %get3A_8 = vector.shape_cast %get3A_7 : vector<1x10000x128xf32> to vector<10000x128xf32>
    %add3A = arith.addf %get3A_3, %get3A_8 : vector<10000x128xf32>
    %get3A_9 = arith.constant 0 : index
    %get3A_10 = arith.constant 0 : index
    %get3A_11 = vector.load %arg1[%get3A_9, %get3A_10] : memref<2x10240xf32, #tpu.memory_space<vmem>>, vector<1x10000xf32>
    %get3A_12 = vector.shape_cast %get3A_11 : vector<1x10000xf32> to vector<10000xf32>
    %get3A_13 = arith.constant 1 : index
    %get3A_14 = arith.constant 0 : index
    %get3A_15 = vector.load %arg1[%get3A_13, %get3A_14] : memref<2x10240xf32, #tpu.memory_space<vmem>>, vector<1x10000xf32>
    %get3A_16 = vector.shape_cast %get3A_15 : vector<1x10000xf32> to vector<10000xf32>
    %add3A_17 = arith.addf %get3A_12, %get3A_16 : vector<10000xf32>
    %add3A_18 = arith.constant 1.000000e-16 : f32
    %add3A_19 = vector.broadcast %add3A_18 : f32 to vector<10000xf32>
    %add3A_20 = arith.addf %add3A_17, %add3A_19 : vector<10000xf32>
    %broadcast_in_dim3A = vector.shape_cast %add3A_20 : vector<10000xf32> to vector<10000x1xf32>
    %div3A = vector.broadcast %broadcast_in_dim3A : vector<10000x1xf32> to vector<10000x128xf32>
    %div3A_21 = arith.divf %add3A, %div3A : vector<10000x128xf32>
    %iota3A = tpu.iota {dimensions = array<i32: 1>} : vector<10000x64xi32>
    %get3A_22 = arith.constant 0 : index
    %get3A_23 = vector.load %arg3[%get3A_22] : memref<10000xi32, #tpu.memory_space<vmem>>, vector<10000xi32>
    %broadcast_in_dim3A_24 = vector.shape_cast %get3A_23 : vector<10000xi32> to vector<10000x1xi32>
    %eq3A = vector.broadcast %broadcast_in_dim3A_24 : vector<10000x1xi32> to vector<10000x64xi32>
    %eq3A_25 = arith.cmpi eq, %eq3A, %iota3A : vector<10000x64xi32>
    %convert_element_type3A = arith.extui %eq3A_25 : vector<10000x64xi1> to vector<10000x64xi32>
    %convert_element_type3A_26 = arith.sitofp %convert_element_type3A : vector<10000x64xi32> to vector<10000x64xf32>
    %dot_general3A = arith.constant dense<0.000000e+00> : vector<64x128xf32>
    %dot_general3A_27 = tpu.matmul %convert_element_type3A_26, %div3A_21, %dot_general3A {dimension_numbers = #tpu.dot_dimension_numbers<[0], [0], [1], [1], [0, 1, 1, 1], [], []>, transpose_lhs_hint = false} : vector<10000x64xf32>, vector<10000x128xf32>, vector<64x128xf32> -> vector<64x128xf32>
    %reduce_sum3A = arith.constant dense<0.000000e+00> : vector<64xf32>
    %reduce_sum3A_28 = vector.multi_reduction <add>, %convert_element_type3A_26, %reduce_sum3A [0] : vector<10000x64xf32> to vector<64xf32>
    %max3A = arith.constant 1.000000e+00 : f32
    %max3A_29 = vector.broadcast %max3A : f32 to vector<64xf32>
    %max3A_30 = arith.maximumf %reduce_sum3A_28, %max3A_29 : vector<64xf32>
    %broadcast_in_dim3A_31 = vector.shape_cast %max3A_30 : vector<64xf32> to vector<64x1xf32>
    %div3A_32 = vector.broadcast %broadcast_in_dim3A_31 : vector<64x1xf32> to vector<64x128xf32>
    %div3A_33 = arith.divf %dot_general3A_27, %div3A_32 : vector<64x128xf32>
    %get3A_34 = arith.constant 0 : index
    %get3A_35 = vector.load %arg2[%get3A_34] : memref<128xf32, #tpu.memory_space<vmem>>, vector<128xf32>
    %broadcast_in_dim3A_36 = vector.shape_cast %get3A_35 : vector<128xf32> to vector<1x128xf32>
    %add3A_37 = vector.broadcast %broadcast_in_dim3A_36 : vector<1x128xf32> to vector<64x128xf32>
    %add3A_38 = arith.addf %div3A_33, %add3A_37 : vector<64x128xf32>
    %get3A_39 = arith.constant 0 : index
    %get3A_40 = arith.constant 0 : index
    %get3A_41 = vector.load %arg4[%get3A_39, %get3A_40] : memref<128x128xf32, #tpu.memory_space<vmem>>, vector<128x128xf32>
    %dot_general3A_42 = arith.constant dense<0.000000e+00> : vector<64x128xf32>
    %dot_general3A_43 = tpu.matmul %add3A_38, %get3A_41, %dot_general3A_42 {dimension_numbers = #tpu.dot_dimension_numbers<[1], [0], [0], [1], [0, 0, 1, 1], [], []>, transpose_lhs_hint = false} : vector<64x128xf32>, vector<128x128xf32>, vector<64x128xf32> -> vector<64x128xf32>
    %get3A_44 = arith.constant 0 : index
    %get3A_45 = vector.load %arg5[%get3A_44] : memref<128xf32, #tpu.memory_space<vmem>>, vector<128xf32>
    %broadcast_in_dim3A_46 = vector.shape_cast %get3A_45 : vector<128xf32> to vector<1x128xf32>
    %add3A_47 = vector.broadcast %broadcast_in_dim3A_46 : vector<1x128xf32> to vector<64x128xf32>
    %add3A_48 = arith.addf %dot_general3A_43, %add3A_47 : vector<64x128xf32>
    %swap3A = arith.constant 0 : index
    %swap3A_49 = arith.constant 0 : index
    %swap3A_50 = vector.load %arg6[%swap3A, %swap3A_49] : memref<64x128xf32, #tpu.memory_space<vmem>>, vector<64x128xf32>
    tpu.vector_store %arg6[%swap3A, %swap3A_49], %add3A_48 {strides = array<i32>} : memref<64x128xf32, #tpu.memory_space<vmem>>, vector<64x128xf32>,
    return
  }
}

</mosaic_0001>

<sc_bundles>
// kernel: kernel.12.cloned.1.call-start
scs
__scs_entry_jumppad:
0x0: {  	(pc) =	sbr.rel $0x88, $3  }
0x1: {  	(tag) =	ssettag $0x0;
	lr =	simm.s32 $0x1  }
0x2: {  	[smem:$0x3F90] =	sst lr;
	_ =	strace $0xD0000000  }
0x3: {  	_ = 	snop  }
0x4: {  	_ = 	snop  }
0x5: {  	_ = 	snop  }
0x6: {  	_ = 	snop  }
0x7: {  	_ = 	snop  }
__scs_overlays_trampoline_lowered:
0x8: {  	[smem:$0x3F9F] =	sst s0  }
0x9: {  	[smem:$0x3FA0] =	sst s1  }
0xa: {  	[smem:$0x3FA1] =	sst s2  }
0xb: {  	[smem:$0x3FA2] =	sst s3  }
0xc: {  	[smem:$0x3FA3] =	sst s4  }
0xd: {  	[smem:$0x3FA4] =	sst s5  }
0xe: {  	[smem:$0x3FA5] =	sst s6  }
0xf: {  	[smem:$0x3FA6] =	sst s7  }
0x10: {  	[smem:$0x3FA7] =	sst s8  }
0x11: {  	[smem:$0x3FA8] =	sst s9;
	s0 =	simm.s32 @!p0 $0x0  }
0x12: {  	s1 =	sld [smem:$0x3F8E];
	s0 =	simm.s32 @p0 $0x1  }
0x13: {  	[smem:$0x3FA9] =	sst s0;
	s0 =	simm.s32 @!p1 $0x0  }
0x14: {  	s2 =	sld [smem:$0x3F8D];
	s0 =	simm.s32 @p1 $0x1  }
0x15: {  	[smem:$0x3FAA] =	sst s0;
	s0 =	simm.s32 @!p2 $0x0  }
0x16: {  	s3 =	sld [smem:$0x3FDB];
	s0 =	simm.s32 @p2 $0x1  }
0x17: {  	s4 =	simm.s32 $0x1BF5;
	[smem:$0x3FAC] =	sst s0  }
0x18: {  	s0 =	sld [smem:$0x3F8F];
	_ =	swait.ge [sflag:s4], $0x0  }
0x19: {  	s7 =	sld [smem:$0x3F90]  }
0x1a: {  	s8 =	sadd.s32 $0xFFFFE003, lr  }
0x1b: {  	s9 =	sadd.s32 $0xFFFFFEF7, lr;
	s5 =	simm.s32 $0xFFFFFFFF;
	p2 =	slt.u32 s8, $0xFFFFF086  }
0x1c: {  	p1 =	slt.u32 s9, $0xF7A;
	s5 =	simm.s32 @!p2 $0x0  }
0x1d: {  	s5 =	simm.s32 @p1 $0x1;
	p0 =	seq.s32 s7, s2  }
0x1e: {  	s7 =	smul.u32 @!p0 $0xF7A, s2;
	p2 =	seq.s32 @!p0 s5, $0x0  }
0x1f: {  	s9 =	smul.u32 $0xF7A, s1;
	s8 =	simm.s32 @!p0 $0x1BF5;
	p2 =	por !p2, p0  }
0x20: {  	[sflag:s8] =	ssyncset.s32 @!p0 $0xFFFFF086;
	s6 =	sadd.s32 @!p0 s3, s7;
	s7 =	simm.s32 @!p0 $0x108  }
0x21: {  	s3 =	sadd.s32 s3, s9;
	s6 =	sadd.s32 @!p0 $0x88, s6;
	s7 =	simm.s32 @p2 $0x1082  }
0x22: {  	[simem:s7], [sflag:s8] =	dma.local @!p0 [hbm:s6], $0xF7A  }
0x23: {  	s9 =	sor.u32 $0xD0000000, s2;
	s6 =	simm.s32 $0x108;
	_ =	swait.ge @!p0 [sflag:s8], $0x0  }
0x24: {  	s3 =	sadd.s32 $0x88, s3;
	s6 =	simm.s32 @!p1 $0x1082;
	[sflag:s4] =	ssyncset.s32 $0xFFFFF086  }
0x25: {  	[simem:s6], [sflag:s4] =	dma.local [hbm:s3], $0xF7A  }
0x26: {  	[smem:$0x3F90] =	sst s1;
	(tag) =	ssettag s2;
	_ =	strace s9  }
0x27: {  	s1 =	sld [smem:$0x3FA0]  }
0x28: {  	s2 =	sld [smem:$0x3FA1]  }
0x29: {  	s4 =	sld [smem:$0x3FA3]  }
0x2a: {  	p0 =	seq.s32 s5, $0x0;
	s5 =	sld [smem:$0x3FA4]  }
0x2b: {  	s6 =	sld [smem:$0x3FA5]  }
0x2c: {  	s7 =	sld [smem:$0x3FA6]  }
0x2d: {  	s3 =	simm.s32 $0x108;
	s8 =	sld [smem:$0x3FA7]  }
0x2e: {  	s3 =	simm.s32 @!p0 $0x1082;
	s9 =	sld [smem:$0x3FA8]  }
0x2f: {  	lr =	sadd.s32 s0, s3;
	s0 =	sld [smem:$0x3F9F]  }
0x30: {  	s3 =	sld [smem:$0x3FA2]  }
0x31: {  	[smem:$0x3FAB] =	sst s10  }
0x32: {  	s10 =	sld [smem:$0x3FA9];
	_ =	sdelay $0x3  }
0x33: {  	p0 =	seq.s32 s10, $0x1;
	s10 =	sld [smem:$0x3FAB];
	_ =	sdelay $0x3  }
0x34: {  	[smem:$0x3FAB] =	sst s10  }
0x35: {  	s10 =	sld [smem:$0x3FAA];
	_ =	sdelay $0x3  }
0x36: {  	p1 =	seq.s32 s10, $0x1;
	s10 =	sld [smem:$0x3FAB];
	_ =	sdelay $0x3  }
0x37: {  	[smem:$0x3FAB] =	sst s10  }
0x38: {  	s10 =	sld [smem:$0x3FAC]  }
0x39: {  	_ = 	snop;
	(pc) =	sbr.ind lr, $3  }
0x3a: {  	_ = 	snop  }
0x3b: {  	_ = 	snop  }
0x3c: {  	p2 =	seq.s32 s10, $0x1;
	s10 =	sld [smem:$0x3FAB]  }
0x3d: {  	_ =	shalt  }
0x3e: {  	_ =	shalt  }
0x3f: {  	_ =	shalt  }
0x40: {  	_ =	shalt  }
0x41: {  	_ =	shalt  }
0x42: {  	_ =	shalt  }
0x43: {  	_ =	shalt  }
0x44: {  	_ =	shalt  }
0x45: {  	_ =	shalt  }
0x46: {  	_ =	shalt  }
0x47: {  	_ =	shalt  }
0x48: {  	_ =	shalt  }
0x49: {  	_ =	shalt  }
0x4a: {  	_ =	shalt  }
0x4b: {  	_ =	shalt  }
0x4c: {  	_ =	shalt  }
0x4d: {  	_ =	shalt  }
0x4e: {  	_ =	shalt  }
0x4f: {  	_ =	shalt  }
0x50: {  	_ =	shalt  }
0x51: {  	_ =	shalt  }
0x52: {  	_ =	shalt  }
0x53: {  	_ =	shalt  }
0x54: {  	_ =	shalt  }
0x55: {  	_ =	shalt  }
0x56: {  	_ =	shalt  }
0x57: {  	_ =	shalt  }
0x58: {  	_ =	shalt  }
0x59: {  	_ =	shalt  }
0x5a: {  	_ =	shalt  }
0x5b: {  	_ =	shalt  }
0x5c: {  	_ =	shalt  }
0x5d: {  	_ =	shalt  }
0x5e: {  	_ =	shalt  }
0x5f: {  	_ =	shalt  }
0x60: {  	_ =	shalt  }
0x61: {  	_ =	shalt  }
0x62: {  	_ =	shalt  }
0x63: {  	_ =	shalt  }
0x64: {  	_ =	shalt  }
0x65: {  	_ =	shalt  }
0x66: {  	_ =	shalt  }
0x67: {  	_ =	shalt  }
0x68: {  	_ =	shalt  }
0x69: {  	_ =	shalt  }
0x6a: {  	_ =	shalt  }
0x6b: {  	_ =	shalt  }
0x6c: {  	_ =	shalt  }
0x6d: {  	_ =	shalt  }
0x6e: {  	_ =	shalt  }
0x6f: {  	_ =	shalt  }
0x70: {  	_ =	shalt  }
0x71: {  	_ =	shalt  }
0x72: {  	_ =	shalt  }
0x73: {  	_ =	shalt  }
0x74: {  	_ =	shalt  }
0x75: {  	_ =	shalt  }
0x76: {  	_ =	shalt  }
0x77: {  	_ =	shalt  }
0x78: {  	_ =	shalt  }
0x79: {  	_ =	shalt  }
0x7a: {  	_ =	shalt  }
0x7b: {  	_ =	shalt  }
0x7c: {  	_ =	shalt  }
0x7d: {  	_ =	shalt  }
0x7e: {  	_ =	shalt  }
0x7f: {  	_ =	shalt  }
0x80: {  	_ =	shalt  }
0x81: {  	_ =	shalt  }
0x82: {  	_ =	shalt  }
0x83: {  	_ =	shalt  }
0x84: {  	_ =	shalt  }
0x85: {  	_ =	shalt  }
0x86: {  	_ =	shalt  }
0x87: {  	_ =	shalt  }
.Lfunc_end0:
.L_simem_size_0:
called_computation.1_lowered:
.L_overlay_start_0:
0x88: {  	s2 =	sld [smem:$0x3FD9]  }
0x89: {  	s3 =	sld [smem:$0x3FFE];
	_ =	sdelay $0x1  }
0x8a: {  	s1 =	srdreg.scid  }
0x8b: {  	s0 =	sand.u32 $0x1, s1  }
0x8c: {  	s17 =	sshll.u32 s0, $0xA;
	s2 =	sadd.s32 s3, s2  }
0x8d: {  	s2 =	sadd.s32 s2, s17  }
0x8e: {  	[smem:$0x3FB7] =	sst s2  }
0x8f: {  	_ = 	snop  }
0x90: {  	s2 =	sld [smem:$0x3FD0];
	(tm) =	ssettm $0x1  }
0x91: {  	s18 =	sld [smem:$0x3FFB];
	_ =	sdelay $0x3  }
0x92: {  	_ =	strace s18  }
0x93: {  	s3 =	sld [smem:$0x3FFC];
	_ =	sdelay $0x3  }
0x94: {  	_ =	strace s3  }
0x95: {  	s3 =	sld [smem:$0x3FFD];
	_ =	sdelay $0x3  }
0x96: {  	_ =	strace s3  }
0x97: {  	_ =	strace $0x8FFFFFFF  }
0x98: {  	s19 =	sld [smem:$0x3FDB];
	_ =	sdelay $0x1  }
0x99: {  	s4 =	simm.s32 $_scs_section_size  }
0x9a: {  	s5 =	simm.s32 $_size__tile_overlayer_lowered;
	s6 =	simm.s32 $_tile_overlayer_lowered  }
0x9b: {  	s22 =	simm.s32 $0x1BFF;
	s21 =	sshll.u32 s6, $0x1;
	s3 =	sadd.s32 s4, s19  }
0x9c: {  	s7 =	simm.s32 $0x0;
	s20 =	sshll.u32 s5, $0x1;
	s5 =	sadd.s32 s21, s3  }
0x9d: {  	[timem:s7], [sflag:s22] =	dma.local [hbm:s5], s20  }
0x9e: {  	_ =	swait.ge [sflag:s22], s20  }
0x9f: {  	s4 =	ssub.s32 $0x0, s20;
	[sflag:s22] =	ssyncset.done $0x0  }
0xa0: {  	[sflag:s22] =	ssyncadd.s32 s4;
	_ =	sdelay $0x1  }
0xa1: {  	s23 =	simm.s32 $0x1B8B  }
0xa2: {  	_ =	swait.ge [sflag:s23], $0x1  }
0xa3: {  	[sflag:s23] =	ssyncset.done $0x0  }
0xa4: {  	s25 =	simm.s32 $0x1B8E;
	s24 =	sld [smem:$0x3FFE];
	[sflag:s23] =	ssyncadd.s32 $0xFFFFFFFF  }
0xa5: {  	s26 =	simm.s32 $execute0_lowered;
	[smem:$0x3FD2] =	sst s25  }
0xa6: {  	s5 =	sshll.u32 s26, $0x1;
	_ =	strace $0x80000049;
	[dreg:$0x1] =	wrdreg $0xFFFFFFFF  }
0xa7: {  	s28 =	simm.s32 $_size_execute0_lowered;
	s3 =	sadd.s32 s3, s5;
	[dreg:$0x0] =	wrdreg $0x0  }
0xa8: {  	s5 =	sshll.u32 s28, $0x1;
	[dreg:$0x2] =	wrdreg s3  }
0xa9: {  	[dreg:$0x3] =	wrdreg s5  }
0xaa: {  	[dreg:$0x4] =	wrdreg $0xC0  }
0xab: {  	_ =	task [dreg:s7], $0x5FFFF  }
0xac: {  	[dreg:$0x1] =	wrdreg $0xFFFFFFFF  }
0xad: {  	[dreg:$0x0] =	wrdreg $0x60  }
0xae: {  	[dreg:$0x2] =	wrdreg s24  }
0xaf: {  	[dreg:$0x3] =	wrdreg s2  }
0xb0: {  	[dreg:$0x4] =	wrdreg $0x92000  }
0xb1: {  	[dreg:$0x5] =	wrdreg $0x1D2000  }
0xb2: {  	[dreg:$0x6] =	wrdreg $0x9  }
0xb3: {  	_ =	task.clear_ibuf [dreg:s7], $0x7FFFF;
	_ =	strace $0x90000049  }
0xb4: {  	s29 =	simm.s32 $0x9;
	_ =	strace $0x8000004B  }
0xb5: {  	_ =	swait.ge [sflag:s29], $0x1  }
0xb6: {  	[sflag:s29] =	ssyncadd.s32 $0xFFFFFFFF  }
0xb7: {  	_ =	strace $0x9000004B  }
0xb8: {  	_ =	sfence  }
0xb9: {  	s30 =	sld [smem:$0x0];
	_ =	sdelay $0x2  }
0xba: {  	s31 =	sshll.u32 s1, $0xD;
	s1 =	sshrl.u32 s1, $0x2  }
0xbb: {  	s3 =	sand.u32 $0x4000, s31;
	s1 =	sadd.s32 s1, s30  }
0xbc: {  	s0 =	sor.u32 s3, s0;
	s1 =	sshll.u32 s1, $0x11  }
0xbd: {  	s0 =	sor.u32 s1, s0  }
0xbe: {  	s0 =	sadd.s32 $0x8F2B, s0  }
0xbf: {  	[sflag:s0] =	ssyncadd.remote.s32 $0x1  }
0xc0: {  	_ =	sfence.sel $0xFFFF  }
0xc1: {  	[dreg:$0x0] =	wrdreg $0xFFFFFFFF;
	(pc) =	sbr.abs _section_cstart, $3  }
0xc2: {  	[dreg:$0x1] =	wrdreg $0xFFFFFFFF  }
0xc3: {  	_ =	task.clear_ibuf [dreg:s7], $0x2FFFF;
	_ =	strace $0x9FFFFFFF  }
0xc4: {  	(tm) =	ssettm $0x7FFFFFFF  }
0xc5: {  	_ =	shalt  }
tec
execute0_lowered:
.L_overlay_start_1:
0x0: {  	(tag) =	ssettag $0x1  }
0x1: {  	s0 =	rddreg [dreg:$0x0]  }
0x2: {  	s1 =	srdreg.scid;
	s3 =	rddreg [dreg:$0x2]  }
0x3: {  	s18 =	stileid.u32;
	s4 =	rddreg [dreg:$0x3];
	s5 =	simm.s32 $0x0  }
0x4: {  	s20 =	simm.s32 $0x80;
	s21 =	simm.s32 $0x5000;
	s23 =	simm.s32 $0x5080  }
0x5: {  	s28 =	simm.s32 $0x2;
	s29 =	simm.s32 $0x5180;
	s15 =	smul.u32 $0x2800, s18  }
0x6: {  	s1 =	sand.u32 $0x1, s1;
	[smem:$0x7FF] =	sst s5;
	s12 =	smul.u32 $0x280, s18  }
0x7: {  	s7 =	sadd.s32 $0x3C800, s0;
	s8 =	sadd.s32 $0x3CE00, s0;
	s16 =	smul.u32 $0x50000, s18  }
0x8: {  	s31 =	sshll.u32 s18, $0x6;
	s2 =	sshll.u32 s1, $0x4;
	_ =	strace $0x8000004A  }
0x9: {  	s13 =	smul.u32 $0x28000, s1;
	s1 =	ssub.s32 $0x2, s1;
	s6 =	sor.u32 s18, s2  }
0xa: {  	s11 =	sadd.s32 s15, s0;
	s24 =	sshrl.u32 s12, $0x3;
	s25 =	sshrl.u32 s1, $0x1  }
0xb: {  	s30 =	sshrl.u32 s16, $0x2;
	s12 =	sadd.s32 s12, s4;
	s16 =	simm.s32 $0x3  }
0xc: {  	s9 =	smul.u32 $0x500, s6;
	s6 =	sadd.s32 $0x15600, s0;
	s14 =	sadd.s32 s24, s0  }
0xd: {  	s17 =	sadd.s32 s13, s0;
	s1 =	ssub.s32 s1, s25;
	s11 =	sadd.s32 $0x3DA00, s11  }
0xe: {  	s24 =	smul.u32 $0xA0, s18;
	s18 =	sor.u32 $0x1C03, s31;
	s25 =	simm.s32 $0x5200  }
0xf: {  	s13 =	sadd.s32 $0x3D400, s14;
	s17 =	sadd.s32 $0x65A00, s17;
	s14 =	smax.u32 s1, $0x1  }
0x10: {  	s10 =	sadd.s32 s9, s0;
	s0 =	sadd.s32 s2, s0;
	s2 =	sadd.s32 s30, s3  }
0x11: {  	s22 =	sadd.s32 s15, s17;
	s26 =	sadd.s32 $0xB600, s10;
	s10 =	sadd.s32 $0x1600, s10  }
0x12: {  	s0 =	sadd.s32 $0xB5A00, s0;
	s19 =	sshrl.u32 s2, $0x3;
	s2 =	simm.s32 $0x0  }
0x13: {  	[dreg:$0x5] =	wrdreg s26;
	s24 =	sadd.s32 s24, s0;
	s26 =	simm.s32 $0x1  }
.LBB2_1:
0x14: {  	s0 =	rddreg [dreg:$0x1];
	s1 =	simm.s32 $0x5100  }
0x15: {  	[tilespmem:s1], [sflag:$0x3] =	stream.linear.gather [hbm4b:s0+s5], $0x10, $0x38;
	[tilespmem:$0x1D480] =	vst v63  }
0x16: {  	_ =	swait.ge [sflag:s16], $0x10  }
0x17: {  	[sflag:s16] =	ssyncset.done $0x0  }
0x18: {  	s30 =	rddreg [dreg:$0x5];
	[sflag:s16] =	ssyncadd.s32 $0xFFFFFFF0  }
0x19: {  	[tilespmem:s5], [sflag:$0x3] =	stream.linear.gather [hbm4b:s30+s5], $0x2780, $0x38;
	[tilespmem:$0x1D480] =	vst v63  }
0x1a: {  	_ =	swait.ge [sflag:s16], $0x2780  }
0x1b: {  	[sflag:s16] =	ssyncset.done $0x0  }
0x1c: {  	s31 =	simm.s32 $0x2800;
	[sflag:s16] =	ssyncadd.s32 $0xFFFFD880  }
0x1d: {  	[tilespmem:s31], [sflag:$0x3] =	stream.linear.gather [hbm4b:s10+s5], $0x2780, $0x38;
	[tilespmem:$0x1D480] =	vst v63  }
0x1e: {  	_ =	swait.ge [sflag:s16], $0x2780  }
0x1f: {  	[sflag:s16] =	ssyncset.done $0x0  }
0x20: {  	[sflag:s16] =	ssyncadd.s32 $0xFFFFD880  }
0x21: {  	[spmem:s19], [sflag:s18] =	dma.local [hbm:s11], $0x2800  }
0x22: {  	_ =	swait.ge [sflag:s16], $0x2800  }
0x23: {  	[sflag:s16] =	ssyncset.done $0x0  }
0x24: {  	s0 =	sshrl.u32 s12, $0x3;
	[sflag:s16] =	ssyncadd.s32 $0xFFFFD800  }
0x25: {  	[spmem:s0], [sflag:s18] =	dma.local [hbm:s13], $0x50  }
0x26: {  	_ =	swait.ge [sflag:s16], $0x50  }
0x27: {  	[sflag:s16] =	ssyncset.done $0x0  }
0x28: {  	[sflag:s16] =	ssyncadd.s32 $0xFFFFFFB0  }
0x29: {  	[bflag:$0x0] =	sbarrier.arrive $0xFFFF  }
0x2a: {  	s1 =	simm.s32 $0x0;
	v0 =	vld [tilespmem:$0x5100]  }
.LBB2_2:
0x2b: {  	s17 =	sshll.u32 s1, $0x7  }
0x2c: {  	[tilespmem:s21], [sflag:$0x1] =	stream.indirect.gather [hbm4b:s7+s20], $0x1, s17, s20, $0xb8;
	[tilespmem:$0x1D480] =	vst v63  }
0x2d: {  	s15 =	sadd.s32 $0x2800, s17  }
0x2e: {  	[tilespmem:s23], [sflag:$0x1] =	stream.indirect.gather [hbm4b:s8+s20], $0x1, s15, s20, $0xb8;
	[tilespmem:$0x1D480] =	vst v63  }
0x2f: {  	_ = 	snop  }
0x30: {  	[tilespmem:s25], [sflag:$0x2] =	stream.indirect.gather [hbm4b:s6+s20], $0x80, s17, s20, $0xb8;
	[tilespmem:$0x1D480] =	vst v63  }
0x31: {  	_ =	swait.ge [sflag:s26], $0x80  }
0x32: {  	[sflag:s26] =	ssyncset.done $0x0  }
0x33: {  	[sflag:s26] =	ssyncadd.s32 $0xFFFFFF80  }
0x34: {  	_ =	swait.ge [sflag:s26], $0x80  }
0x35: {  	[sflag:s26] =	ssyncset.done $0x0  }
0x36: {  	[sflag:s26] =	ssyncadd.s32 $0xFFFFFF80  }
0x37: {  	v1 =	vld [tilespmem:$0x5000]  }
0x38: {  	v2 =	vld [tilespmem:$0x5080]  }
0x39: {  	v3 =	vld [tilespmem:$0x5010]  }
0x3a: {  	v4 =	vld [tilespmem:$0x5090]  }
0x3b: {  	v5 =	vld [tilespmem:$0x5020]  }
0x3c: {  	v6 =	vld [tilespmem:$0x50A0];
	_ =	sdelay $0x1  }
0x3d: {  	v7 =	vld [tilespmem:$0x50B0];
	v1 =	vadd.f32 v2, v1  }
0x3e: {  	v2 =	vld [tilespmem:$0x5030]  }
0x3f: {  	v9 =	vld [tilespmem:$0x5050];
	v3 =	vadd.f32 v4, v3;
	v8 =	vmul.f32 $2.000000030e-01, v1  }
0x40: {  	v11 =	vld [tilespmem:$0x50D0];
	v5 =	vadd.f32 v6, v5;
	vm0 =	vge.f32 v1, $0.0e+00  }
0x41: {  	v4 =	vld [tilespmem:$0x5040];
	v1 =	vsel vm0, v1, v8;
	v8 =	vmul.f32 $2.000000030e-01, v3  }
0x42: {  	v6 =	vld [tilespmem:$0x50C0];
	vm9 =	vge.f32 v3, $0.0e+00;
	v10 =	vmul.f32 $2.000000030e-01, v5;
	v1 =	vsub.f32 v1, v0  }
0x43: {  	v12 =	vld [tilespmem:$0x5070];
	vm10 =	vge.f32 v5, $0.0e+00;
	v2 =	vadd.f32 v7, v2;
	v3 =	vsel vm9, v3, v8  }
0x44: {  	v5 =	vsel vm10, v5, v10;
	v7 =	vld [tilespmem:$0x5060];
	v1 =	vmul.f32 $1.442695020e+00, v1;
	v3 =	vsub.f32 v3, v0  }
0x45: {  	v5 =	vsub.f32 v5, v0;
	v8 =	vld [tilespmem:$0x50E0];
	v10 =	vmul.f32 $2.000000030e-01, v2  }
0x46: {  	vm11 =	vge.f32 v2, $0.0e+00;
	(erf) = vpow2.f32 v1;
	v1 =	vmul.f32 $1.442695020e+00, v3;
	v3 =	vld [tilespmem:$0x50F0]  }
0x47: {  	v4 =	vadd.f32 v6, v4;
	v5 =	vmul.f32 $1.442695020e+00, v5;
	v2 =	vsel vm11, v2, v10  }
0x48: {  	(erf) = vpow2.f32 v1;
	v1 =	vsub.f32 v2, v0  }
0x49: {  	v2 =	vmul.f32 $2.000000030e-01, v4;
	(erf) = vpow2.f32 v5;
	v5 =	vadd.f32 v11, v9  }
0x4a: {  	vm12 =	vge.f32 v4, $0.0e+00;
	v6 =	vadd.f32 v8, v7;
	v1 =	vmul.f32 $1.442695020e+00, v1  }
0x4b: {  	v2 =	vsel vm12, v4, v2;
	v4 =	vmul.f32 $2.000000030e-01, v5;
	v3 =	vadd.f32 v3, v12  }
0x4c: {  	v7 =	vmul.f32 $2.000000030e-01, v6;
	vm14 =	vge.f32 v6, $0.0e+00;
	vm13 =	vge.f32 v5, $0.0e+00  }
0x4d: {  	v2 =	vsub.f32 v2, v0;
	v4 =	vsel vm13, v5, v4;
	v5 =	vmul.f32 $2.000000030e-01, v3  }
0x4e: {  	v6 =	vsel vm14, v6, v7;
	vm15 =	vge.f32 v3, $0.0e+00;
	v4 =	vsub.f32 v4, v0  }
0x4f: {  	v2 =	vmul.f32 $1.442695020e+00, v2;
	v6 =	vsub.f32 v6, v0;
	v3 =	vsel vm15, v3, v5  }
0x50: {  	(erf) = vpow2.f32 v1;
	v1 =	vmul.f32 $1.442695020e+00, v4;
	v3 =	vsub.f32 v3, v0  }
0x51: {  	(erf) = vpow2.f32 v2;
	v2 =	vmul.f32 $1.442695020e+00, v6  }
0x52: {  	(erf) = vpow2.f32 v1;
	v1 =	vmul.f32 $1.442695020e+00, v3  }
0x53: {  	(erf) = vpow2.f32 v2  }
0x54: {  	(erf) = vpow2.f32 v1;
	_ =	sdelay $0x1  }
0x55: {  	v1 =	vpop (erf)  }
0x56: {  	v2 =	vpop (erf);
	[tilespmem:$0x5180] =	vst v1  }
0x57: {  	v1 =	vpop (erf);
	[tilespmem:$0x5190] =	vst v2  }
0x58: {  	v2 =	vpop (erf);
	[tilespmem:$0x51A0] =	vst v1  }
0x59: {  	v1 =	vpop (erf);
	[tilespmem:$0x51B0] =	vst v2  }
0x5a: {  	v2 =	vpop (erf);
	[tilespmem:$0x51C0] =	vst v1  }
0x5b: {  	v1 =	vpop (erf);
	[tilespmem:$0x51D0] =	vst v2  }
0x5c: {  	[tilespmem:$0x51E0] =	vst v1;
	v1 =	vpop (erf)  }
0x5d: {  	[tilespmem:$0x51F0] =	vst v1  }
0x5e: {  	s9 =	simm.s32 $0x0;
	_ =	swait.ge [sflag:s28], $0x4000  }
0x5f: {  	v1 =	vmov s9;
	[sflag:s28] =	ssyncset.done $0x0  }
0x60: {  	s17 =	simm.s32 $0x5240;
	[sflag:s28] =	ssyncadd.s32 $0xFFFFC000  }
0x61: {  	v5 =	vld [tilespmem:s17+$0x30]  }
0x62: {  	v8 =	vld [tilespmem:s17+$0x10]  }
0x63: {  	v6 =	vld [tilespmem:s17+$0xFFFFFFC0]  }
0x64: {  	v2 =	vld.idx.msk [tilespmem:v1+s29+$0x0], $0xffff  }
0x65: {  	v10 =	vld [tilespmem:s17+$0xFFFFFFE0]  }
0x66: {  	v3 =	vld [tilespmem:s17+$0x20]  }
0x67: {  	v4 =	vld [tilespmem:s17+$0xFFFFFFD0]  }
0x68: {  	v1 =	vld [tilespmem:s17+$0xFFFFFFF0]  }
0x69: {  	v9 =	vmul.f32 v5, v2;
	v5 =	vld [tilespmem:s17+$0x0]  }
0x6a: {  	v7 =	vmul.f32 v6, v2  }
0x6b: {  	s30 =	simm.s32 $0x1;
	s31 =	simm.s32 $0x5240;
	v6 =	vmul.f32 v10, v2;
	v8 =	vmul.f32 v8, v2  }
.LBB2_3:
0x6c: {  	p0 =	sne.s32 s30, $0x7F  }
0x6d: {  	v4 =	vmul.f32 v4, v2;
	v3 =	vmul.f32 v3, v2;
	[tilespmem:s17+$0x30] =	vst v9;
	s31 =	sadd.s32 $0x80, s31;
	s9 =	smov.u32 s30;
	s30 =	sadd.s32 $0x1, s30  }
0x6e: {  	[tilespmem:s17+$0xFFFFFFC0] =	vst v7;
	v7 =	vmul.f32 v1, v2;
	v2 =	vmul.f32 v5, v2  }
0x6f: {  	[tilespmem:s17+$0x10] =	vst v8  }
0x70: {  	v5 =	vmov s9;
	[tilespmem:s17+$0xFFFFFFE0] =	vst v6  }
0x71: {  	v1 =	vld [tilespmem:s31+$0xFFFFFFF0];
	[tilespmem:s17+$0xFFFFFFF0] =	vst v7  }
0x72: {  	v6 =	vld [tilespmem:s31+$0x30];
	[tilespmem:s17+$0x0] =	vst v2  }
0x73: {  	v8 =	vld [tilespmem:s31+$0x10];
	[tilespmem:s17+$0x20] =	vst v3  }
0x74: {  	v7 =	vld [tilespmem:s31+$0xFFFFFFC0];
	[tilespmem:s17+$0xFFFFFFD0] =	vst v4;
	s17 =	smov.u32 s31  }
0x75: {  	v2 =	vld.idx.msk [tilespmem:v5+s29+$0x0], $0xffff  }
0x76: {  	v10 =	vld [tilespmem:s31+$0xFFFFFFE0]  }
0x77: {  	v3 =	vld [tilespmem:s31+$0x20]  }
.Ltmp0:
0x78: {  	v4 =	vld [tilespmem:s31+$0xFFFFFFD0];
	(pc) =	sbr.rel @p0 .LBB2_3-.Ltmp0, $3  }
0x79: {  	v5 =	vld [tilespmem:s31+$0x0];
	_ =	sdelay $0x1  }
0x7a: {  	v7 =	vmul.f32 v7, v2;
	v9 =	vmul.f32 v6, v2  }
0x7b: {  	v8 =	vmul.f32 v8, v2;
	v6 =	vmul.f32 v10, v2  }
0x7c: {  	[tilespmem:s17+$0x30] =	vst v9  }
0x7d: {  	[tilespmem:s17+$0xFFFFFFC0] =	vst v7  }
0x7e: {  	v1 =	vmul.f32 v1, v2;
	[tilespmem:s17+$0x10] =	vst v8  }
0x7f: {  	v3 =	vmul.f32 v3, v2;
	[tilespmem:s17+$0xFFFFFFE0] =	vst v6  }
0x80: {  	v5 =	vmul.f32 v5, v2;
	[tilespmem:s17+$0xFFFFFFF0] =	vst v1  }
0x81: {  	v1 =	vmul.f32 v4, v2;
	[tilespmem:s17+$0x20] =	vst v3  }
0x82: {  	[tilespmem:s17+$0x0] =	vst v5  }
0x83: {  	[tilespmem:s17+$0xFFFFFFD0] =	vst v1  }
0x84: {  	[spmem:s3] =	stream.indirect.scatter.add.f32 [tilespmem:s25], [sflag:$0x3], $0x80, s15, s20, $0xb8;
	[tilespmem:$0x1D480] =	vst v63  }
0x85: {  	s1 =	sadd.s32 $0x1, s1;
	_ =	swait.ge [sflag:s16], $0x4000  }
0x86: {  	p0 =	sne.s32 s1, $0x4F;
	[sflag:s16] =	ssyncset.done $0x0  }
.Ltmp1:
0x87: {  	[sflag:s16] =	ssyncadd.s32 $0xFFFFC000;
	(pc) =	sbr.rel @p0 .LBB2_2-.Ltmp1, $4  }
0x88: {  	[spmem:s4] =	stream.indirect.scatter.add.f32 [tilespmem:s29], [sflag:$0x3], $0x1, s15, s20, $0xb8;
	[tilespmem:$0x1D480] =	vst v63  }
0x89: {  	_ =	swait.ge [sflag:s16], $0x80  }
0x8a: {  	[sflag:s16] =	ssyncset.done $0x0  }
0x8b: {  	[sflag:s16] =	ssyncadd.s32 $0xFFFFFF80  }
0x8c: {  	[bflag:$0x0] =	sbarrier.arrive $0xFFFF  }
0x8d: {  	[hbm:s22], [sflag:s18] =	dma.local [spmem:s19], $0x2800  }
0x8e: {  	s2 =	sadd.s32 $0x1, s2;
	_ =	swait.ge [sflag:s16], $0x2800  }
0x8f: {  	s1 =	simm.s32 $0x20;
	p0 =	sne.s32 s2, s14;
	[sflag:s16] =	ssyncset.done $0x0  }
.Ltmp2:
0x90: {  	s9 =	simm.s32 $0x10;
	[sflag:s16] =	ssyncadd.s32 $0xFFFFD800;
	(pc) =	sbr.rel @p0 .LBB2_1-.Ltmp2, $4  }
0x91: {  	[hbm:s24@s1], [sflag:s18] =	dma.strided [spmem:s0@s9], $0x50, s26, $0x10   }
0x92: {  	_ =	swait.ge [sflag:s16], $0x50  }
0x93: {  	[sflag:s16] =	ssyncset.done $0x0  }
0x94: {  	[sflag:s16] =	ssyncadd.s32 $0xFFFFFFB0  }
0x95: {  	_ =	sfence.sel $0x180000  }
0x96: {  	[bflag:$0x0] =	sbarrier.arrive $0xFFFF  }
0x97: {  	_ =	strace $0x9000004A  }
0x98: {  	s0 =	stileid.u32;
	[bflag:$0x2] =	sbarrier.arrive $0xFFFF  }
0x99: {  	p0 =	sne.s32 s0, $0x0;
	s0 =	rddreg [dreg:$0x4]  }
0x9a: {  	s0 =	sadd.s32 @!p0 $0x100000, s0  }
0x9b: {  	[sflag:s0] =	ssyncadd.tile.s32 @!p0 $0x1;
	_ =	shalt  }
.Lfunc_end2:
_tile_overlayer_lowered:
.L_overlay_start_2:
0x9c: {  	(tag) =	ssettag $0x2  }
0x9d: {  	s0 =	rddreg [dreg:$0x0];
	s2 =	stileid.u32  }
0x9e: {  	s1 =	rddreg [dreg:$0x1];
	p0 =	sne.s32 s2, $0x0  }
0x9f: {  	s3 =	rddreg [dreg:$0x2];
	[bflag:$0x3] =	sbarrier.arrive $0xFFFF;
	s2 =	simm.s32 @!p0 $0x1C03  }
0xa0: {  	[timem:s3], [sflag:s2] =	dma.local @!p0 [hbm:s0], s1  }
0xa1: {  	s0 =	simm.s32 @!p0 $0x3  }
0xa2: {  	_ =	swait.ge @!p0 [sflag:s0], s1  }
0xa3: {  	s1 =	ssub.s32 @!p0 $0x0, s1;
	[sflag:s0] =	ssyncset.done @!p0 $0x0  }
0xa4: {  	[sflag:s0] =	ssyncadd.s32 @!p0 s1  }
0xa5: {  	[bflag:$0x3] =	sbarrier.arrive $0xFFFF  }
0xa6: {  	_ =	shalt  }

// kernel: kernel.15.cloned.1.call-start
scs
__scs_entry_jumppad:
0x0: {  	(pc) =	sbr.rel $0x88, $3  }
0x1: {  	(tag) =	ssettag $0x0;
	lr =	simm.s32 $0x1  }
0x2: {  	[smem:$0x3F90] =	sst lr;
	_ =	strace $0xD0000000  }
0x3: {  	_ = 	snop  }
0x4: {  	_ = 	snop  }
0x5: {  	_ = 	snop  }
0x6: {  	_ = 	snop  }
0x7: {  	_ = 	snop  }
__scs_overlays_trampoline_lowered:
0x8: {  	[smem:$0x3F9F] =	sst s0  }
0x9: {  	[smem:$0x3FA0] =	sst s1  }
0xa: {  	[smem:$0x3FA1] =	sst s2  }
0xb: {  	[smem:$0x3FA2] =	sst s3  }
0xc: {  	[smem:$0x3FA3] =	sst s4  }
0xd: {  	[smem:$0x3FA4] =	sst s5  }
0xe: {  	[smem:$0x3FA5] =	sst s6  }
0xf: {  	[smem:$0x3FA6] =	sst s7  }
0x10: {  	[smem:$0x3FA7] =	sst s8  }
0x11: {  	[smem:$0x3FA8] =	sst s9;
	s0 =	simm.s32 @!p0 $0x0  }
0x12: {  	s1 =	sld [smem:$0x3F8E];
	s0 =	simm.s32 @p0 $0x1  }
0x13: {  	[smem:$0x3FA9] =	sst s0;
	s0 =	simm.s32 @!p1 $0x0  }
0x14: {  	s2 =	sld [smem:$0x3F8D];
	s0 =	simm.s32 @p1 $0x1  }
0x15: {  	[smem:$0x3FAA] =	sst s0;
	s0 =	simm.s32 @!p2 $0x0  }
0x16: {  	s3 =	sld [smem:$0x3FDB];
	s0 =	simm.s32 @p2 $0x1  }
0x17: {  	s4 =	simm.s32 $0x1BF5;
	[smem:$0x3FAC] =	sst s0  }
0x18: {  	s0 =	sld [smem:$0x3F8F];
	_ =	swait.ge [sflag:s4], $0x0  }
0x19: {  	s7 =	sld [smem:$0x3F90]  }
0x1a: {  	s8 =	sadd.s32 $0xFFFFE003, lr  }
0x1b: {  	s9 =	sadd.s32 $0xFFFFFEF7, lr;
	s5 =	simm.s32 $0xFFFFFFFF;
	p2 =	slt.u32 s8, $0xFFFFF086  }
0x1c: {  	p1 =	slt.u32 s9, $0xF7A;
	s5 =	simm.s32 @!p2 $0x0  }
0x1d: {  	s5 =	simm.s32 @p1 $0x1;
	p0 =	seq.s32 s7, s2  }
0x1e: {  	s7 =	smul.u32 @!p0 $0xF7A, s2;
	p2 =	seq.s32 @!p0 s5, $0x0  }
0x1f: {  	s9 =	smul.u32 $0xF7A, s1;
	s8 =	simm.s32 @!p0 $0x1BF5;
	p2 =	por !p2, p0  }
0x20: {  	[sflag:s8] =	ssyncset.s32 @!p0 $0xFFFFF086;
	s6 =	sadd.s32 @!p0 s3, s7;
	s7 =	simm.s32 @!p0 $0x108  }
0x21: {  	s3 =	sadd.s32 s3, s9;
	s6 =	sadd.s32 @!p0 $0x88, s6;
	s7 =	simm.s32 @p2 $0x1082  }
0x22: {  	[simem:s7], [sflag:s8] =	dma.local @!p0 [hbm:s6], $0xF7A  }
0x23: {  	s9 =	sor.u32 $0xD0000000, s2;
	s6 =	simm.s32 $0x108;
	_ =	swait.ge @!p0 [sflag:s8], $0x0  }
0x24: {  	s3 =	sadd.s32 $0x88, s3;
	s6 =	simm.s32 @!p1 $0x1082;
	[sflag:s4] =	ssyncset.s32 $0xFFFFF086  }
0x25: {  	[simem:s6], [sflag:s4] =	dma.local [hbm:s3], $0xF7A  }
0x26: {  	[smem:$0x3F90] =	sst s1;
	(tag) =	ssettag s2;
	_ =	strace s9  }
0x27: {  	s1 =	sld [smem:$0x3FA0]  }
0x28: {  	s2 =	sld [smem:$0x3FA1]  }
0x29: {  	s4 =	sld [smem:$0x3FA3]  }
0x2a: {  	p0 =	seq.s32 s5, $0x0;
	s5 =	sld [smem:$0x3FA4]  }
0x2b: {  	s6 =	sld [smem:$0x3FA5]  }
0x2c: {  	s7 =	sld [smem:$0x3FA6]  }
0x2d: {  	s3 =	simm.s32 $0x108;
	s8 =	sld [smem:$0x3FA7]  }
0x2e: {  	s3 =	simm.s32 @!p0 $0x1082;
	s9 =	sld [smem:$0x3FA8]  }
0x2f: {  	lr =	sadd.s32 s0, s3;
	s0 =	sld [smem:$0x3F9F]  }
0x30: {  	s3 =	sld [smem:$0x3FA2]  }
0x31: {  	[smem:$0x3FAB] =	sst s10  }
0x32: {  	s10 =	sld [smem:$0x3FA9];
	_ =	sdelay $0x3  }
0x33: {  	p0 =	seq.s32 s10, $0x1;
	s10 =	sld [smem:$0x3FAB];
	_ =	sdelay $0x3  }
0x34: {  	[smem:$0x3FAB] =	sst s10  }
0x35: {  	s10 =	sld [smem:$0x3FAA];
	_ =	sdelay $0x3  }
0x36: {  	p1 =	seq.s32 s10, $0x1;
	s10 =	sld [smem:$0x3FAB];
	_ =	sdelay $0x3  }
0x37: {  	[smem:$0x3FAB] =	sst s10  }
0x38: {  	s10 =	sld [smem:$0x3FAC]  }
0x39: {  	_ = 	snop;
	(pc) =	sbr.ind lr, $3  }
0x3a: {  	_ = 	snop  }
0x3b: {  	_ = 	snop  }
0x3c: {  	p2 =	seq.s32 s10, $0x1;
	s10 =	sld [smem:$0x3FAB]  }
0x3d: {  	_ =	shalt  }
0x3e: {  	_ =	shalt  }
0x3f: {  	_ =	shalt  }
0x40: {  	_ =	shalt  }
0x41: {  	_ =	shalt  }
0x42: {  	_ =	shalt  }
0x43: {  	_ =	shalt  }
0x44: {  	_ =	shalt  }
0x45: {  	_ =	shalt  }
0x46: {  	_ =	shalt  }
0x47: {  	_ =	shalt  }
0x48: {  	_ =	shalt  }
0x49: {  	_ =	shalt  }
0x4a: {  	_ =	shalt  }
0x4b: {  	_ =	shalt  }
0x4c: {  	_ =	shalt  }
0x4d: {  	_ =	shalt  }
0x4e: {  	_ =	shalt  }
0x4f: {  	_ =	shalt  }
0x50: {  	_ =	shalt  }
0x51: {  	_ =	shalt  }
0x52: {  	_ =	shalt  }
0x53: {  	_ =	shalt  }
0x54: {  	_ =	shalt  }
0x55: {  	_ =	shalt  }
0x56: {  	_ =	shalt  }
0x57: {  	_ =	shalt  }
0x58: {  	_ =	shalt  }
0x59: {  	_ =	shalt  }
0x5a: {  	_ =	shalt  }
0x5b: {  	_ =	shalt  }
0x5c: {  	_ =	shalt  }
0x5d: {  	_ =	shalt  }
0x5e: {  	_ =	shalt  }
0x5f: {  	_ =	shalt  }
0x60: {  	_ =	shalt  }
0x61: {  	_ =	shalt  }
0x62: {  	_ =	shalt  }
0x63: {  	_ =	shalt  }
0x64: {  	_ =	shalt  }
0x65: {  	_ =	shalt  }
0x66: {  	_ =	shalt  }
0x67: {  	_ =	shalt  }
0x68: {  	_ =	shalt  }
0x69: {  	_ =	shalt  }
0x6a: {  	_ =	shalt  }
0x6b: {  	_ =	shalt  }
0x6c: {  	_ =	shalt  }
0x6d: {  	_ =	shalt  }
0x6e: {  	_ =	shalt  }
0x6f: {  	_ =	shalt  }
0x70: {  	_ =	shalt  }
0x71: {  	_ =	shalt  }
0x72: {  	_ =	shalt  }
0x73: {  	_ =	shalt  }
0x74: {  	_ =	shalt  }
0x75: {  	_ =	shalt  }
0x76: {  	_ =	shalt  }
0x77: {  	_ =	shalt  }
0x78: {  	_ =	shalt  }
0x79: {  	_ =	shalt  }
0x7a: {  	_ =	shalt  }
0x7b: {  	_ =	shalt  }
0x7c: {  	_ =	shalt  }
0x7d: {  	_ =	shalt  }
0x7e: {  	_ =	shalt  }
0x7f: {  	_ =	shalt  }
0x80: {  	_ =	shalt  }
0x81: {  	_ =	shalt  }
0x82: {  	_ =	shalt  }
0x83: {  	_ =	shalt  }
0x84: {  	_ =	shalt  }
0x85: {  	_ =	shalt  }
0x86: {  	_ =	shalt  }
0x87: {  	_ =	shalt  }
.Lfunc_end0:
.L_simem_size_0:
called_computation.2_lowered:
.L_overlay_start_0:
0x88: {  	s2 =	sld [smem:$0x3FD9]  }
0x89: {  	s3 =	sld [smem:$0x3FFE];
	_ =	sdelay $0x1  }
0x8a: {  	s1 =	srdreg.scid  }
0x8b: {  	s0 =	sand.u32 $0x1, s1  }
0x8c: {  	s17 =	sshll.u32 s0, $0xA;
	s2 =	sadd.s32 s3, s2  }
0x8d: {  	s2 =	sadd.s32 s2, s17  }
0x8e: {  	[smem:$0x3FB7] =	sst s2  }
0x8f: {  	_ = 	snop  }
0x90: {  	s2 =	sld [smem:$0x3FD0];
	(tm) =	ssettm $0x1  }
0x91: {  	s18 =	sld [smem:$0x3FFB];
	_ =	sdelay $0x3  }
0x92: {  	_ =	strace s18  }
0x93: {  	s3 =	sld [smem:$0x3FFC];
	_ =	sdelay $0x3  }
0x94: {  	_ =	strace s3  }
0x95: {  	s3 =	sld [smem:$0x3FFD];
	_ =	sdelay $0x3  }
0x96: {  	_ =	strace s3  }
0x97: {  	_ =	strace $0x8FFFFFFF  }
0x98: {  	s19 =	sld [smem:$0x3FDB];
	_ =	sdelay $0x1  }
0x99: {  	s4 =	simm.s32 $_scs_section_size  }
0x9a: {  	s5 =	simm.s32 $_size__tile_overlayer_lowered;
	s6 =	simm.s32 $_tile_overlayer_lowered  }
0x9b: {  	s22 =	simm.s32 $0x1BFF;
	s21 =	sshll.u32 s6, $0x1;
	s3 =	sadd.s32 s4, s19  }
0x9c: {  	s7 =	simm.s32 $0x0;
	s20 =	sshll.u32 s5, $0x1;
	s5 =	sadd.s32 s21, s3  }
0x9d: {  	[timem:s7], [sflag:s22] =	dma.local [hbm:s5], s20  }
0x9e: {  	_ =	swait.ge [sflag:s22], s20  }
0x9f: {  	s4 =	ssub.s32 $0x0, s20;
	[sflag:s22] =	ssyncset.done $0x0  }
0xa0: {  	[sflag:s22] =	ssyncadd.s32 s4;
	_ =	sdelay $0x1  }
0xa1: {  	s23 =	simm.s32 $0x1B8B  }
0xa2: {  	_ =	swait.ge [sflag:s23], $0x1  }
0xa3: {  	[sflag:s23] =	ssyncset.done $0x0  }
0xa4: {  	s25 =	simm.s32 $0x1B8E;
	s24 =	sld [smem:$0x3FFE];
	[sflag:s23] =	ssyncadd.s32 $0xFFFFFFFF  }
0xa5: {  	s26 =	simm.s32 $execute0_lowered;
	[smem:$0x3FD2] =	sst s25  }
0xa6: {  	s5 =	sshll.u32 s26, $0x1;
	_ =	strace $0x8000004C;
	[dreg:$0x1] =	wrdreg $0xFFFFFFFF  }
0xa7: {  	s28 =	simm.s32 $_size_execute0_lowered;
	s3 =	sadd.s32 s3, s5;
	[dreg:$0x0] =	wrdreg $0x0  }
0xa8: {  	s5 =	sshll.u32 s28, $0x1;
	[dreg:$0x2] =	wrdreg s3  }
0xa9: {  	[dreg:$0x3] =	wrdreg s5  }
0xaa: {  	[dreg:$0x4] =	wrdreg $0xC0  }
0xab: {  	_ =	task [dreg:s7], $0x5FFFF  }
0xac: {  	[dreg:$0x1] =	wrdreg $0xFFFFFFFF  }
0xad: {  	[dreg:$0x0] =	wrdreg $0x60  }
0xae: {  	[dreg:$0x2] =	wrdreg s24  }
0xaf: {  	[dreg:$0x3] =	wrdreg s2  }
0xb0: {  	[dreg:$0x4] =	wrdreg $0x92000  }
0xb1: {  	[dreg:$0x5] =	wrdreg $0x1D2000  }
0xb2: {  	[dreg:$0x6] =	wrdreg $0x9  }
0xb3: {  	_ =	task.clear_ibuf [dreg:s7], $0x7FFFF;
	_ =	strace $0x9000004C  }
0xb4: {  	s29 =	simm.s32 $0x9;
	_ =	strace $0x8000004E  }
0xb5: {  	_ =	swait.ge [sflag:s29], $0x1  }
0xb6: {  	[sflag:s29] =	ssyncadd.s32 $0xFFFFFFFF  }
0xb7: {  	_ =	strace $0x9000004E  }
0xb8: {  	_ =	sfence  }
0xb9: {  	s30 =	sld [smem:$0x0];
	_ =	sdelay $0x2  }
0xba: {  	s31 =	sshll.u32 s1, $0xD;
	s1 =	sshrl.u32 s1, $0x2  }
0xbb: {  	s3 =	sand.u32 $0x4000, s31;
	s1 =	sadd.s32 s1, s30  }
0xbc: {  	s0 =	sor.u32 s3, s0;
	s1 =	sshll.u32 s1, $0x11  }
0xbd: {  	s0 =	sor.u32 s1, s0  }
0xbe: {  	s0 =	sadd.s32 $0x8F2B, s0  }
0xbf: {  	[sflag:s0] =	ssyncadd.remote.s32 $0x1  }
0xc0: {  	_ =	sfence.sel $0xFFFF  }
0xc1: {  	[dreg:$0x0] =	wrdreg $0xFFFFFFFF;
	(pc) =	sbr.abs _section_cstart, $3  }
0xc2: {  	[dreg:$0x1] =	wrdreg $0xFFFFFFFF  }
0xc3: {  	_ =	task.clear_ibuf [dreg:s7], $0x2FFFF;
	_ =	strace $0x9FFFFFFF  }
0xc4: {  	(tm) =	ssettm $0x7FFFFFFF  }
0xc5: {  	_ =	shalt  }
tec
execute0_lowered:
.L_overlay_start_1:
0x0: {  	(tag) =	ssettag $0x1  }
0x1: {  	s0 =	rddreg [dreg:$0x0]  }
0x2: {  	s1 =	srdreg.scid;
	s3 =	rddreg [dreg:$0x2]  }
0x3: {  	s18 =	stileid.u32;
	s4 =	rddreg [dreg:$0x3];
	s5 =	simm.s32 $0x0  }
0x4: {  	s20 =	simm.s32 $0x80;
	s21 =	simm.s32 $0x5000;
	s23 =	simm.s32 $0x5080  }
0x5: {  	s28 =	simm.s32 $0x2;
	s29 =	simm.s32 $0x5180;
	s15 =	smul.u32 $0x2800, s18  }
0x6: {  	s1 =	sand.u32 $0x1, s1;
	[smem:$0x7FF] =	sst s5;
	s12 =	smul.u32 $0x280, s18  }
0x7: {  	s7 =	sadd.s32 $0x3C800, s0;
	s8 =	sadd.s32 $0x3CE00, s0;
	s16 =	smul.u32 $0x50000, s18  }
0x8: {  	s31 =	sshll.u32 s18, $0x6;
	s2 =	sshll.u32 s1, $0x4;
	_ =	strace $0x8000004D  }
0x9: {  	s13 =	smul.u32 $0x28000, s1;
	s1 =	ssub.s32 $0x2, s1;
	s6 =	sor.u32 s18, s2  }
0xa: {  	s11 =	sadd.s32 s15, s0;
	s24 =	sshrl.u32 s12, $0x3;
	s25 =	sshrl.u32 s1, $0x1  }
0xb: {  	s30 =	sshrl.u32 s16, $0x2;
	s12 =	sadd.s32 s12, s4;
	s16 =	simm.s32 $0x3  }
0xc: {  	s9 =	smul.u32 $0x500, s6;
	s6 =	sadd.s32 $0x15600, s0;
	s14 =	sadd.s32 s24, s0  }
0xd: {  	s17 =	sadd.s32 s13, s0;
	s1 =	ssub.s32 s1, s25;
	s11 =	sadd.s32 $0x3DA00, s11  }
0xe: {  	s24 =	smul.u32 $0xA0, s18;
	s18 =	sor.u32 $0x1C03, s31;
	s25 =	simm.s32 $0x5200  }
0xf: {  	s13 =	sadd.s32 $0x3D400, s14;
	s17 =	sadd.s32 $0x65A00, s17;
	s14 =	smax.u32 s1, $0x1  }
0x10: {  	s10 =	sadd.s32 s9, s0;
	s0 =	sadd.s32 s2, s0;
	s2 =	sadd.s32 s30, s3  }
0x11: {  	s22 =	sadd.s32 s15, s17;
	s26 =	sadd.s32 $0xB600, s10;
	s10 =	sadd.s32 $0x1600, s10  }
0x12: {  	s0 =	sadd.s32 $0xB5A00, s0;
	s19 =	sshrl.u32 s2, $0x3;
	s2 =	simm.s32 $0x0  }
0x13: {  	[dreg:$0x5] =	wrdreg s26;
	s24 =	sadd.s32 s24, s0;
	s26 =	simm.s32 $0x1  }
.LBB2_1:
0x14: {  	s0 =	rddreg [dreg:$0x1];
	s1 =	simm.s32 $0x5100  }
0x15: {  	[tilespmem:s1], [sflag:$0x3] =	stream.linear.gather [hbm4b:s0+s5], $0x10, $0x38;
	[tilespmem:$0x1D480] =	vst v63  }
0x16: {  	_ =	swait.ge [sflag:s16], $0x10  }
0x17: {  	[sflag:s16] =	ssyncset.done $0x0  }
0x18: {  	s30 =	rddreg [dreg:$0x5];
	[sflag:s16] =	ssyncadd.s32 $0xFFFFFFF0  }
0x19: {  	[tilespmem:s5], [sflag:$0x3] =	stream.linear.gather [hbm4b:s30+s5], $0x2780, $0x38;
	[tilespmem:$0x1D480] =	vst v63  }
0x1a: {  	_ =	swait.ge [sflag:s16], $0x2780  }
0x1b: {  	[sflag:s16] =	ssyncset.done $0x0  }
0x1c: {  	s31 =	simm.s32 $0x2800;
	[sflag:s16] =	ssyncadd.s32 $0xFFFFD880  }
0x1d: {  	[tilespmem:s31], [sflag:$0x3] =	stream.linear.gather [hbm4b:s10+s5], $0x2780, $0x38;
	[tilespmem:$0x1D480] =	vst v63  }
0x1e: {  	_ =	swait.ge [sflag:s16], $0x2780  }
0x1f: {  	[sflag:s16] =	ssyncset.done $0x0  }
0x20: {  	[sflag:s16] =	ssyncadd.s32 $0xFFFFD880  }
0x21: {  	[spmem:s19], [sflag:s18] =	dma.local [hbm:s11], $0x2800  }
0x22: {  	_ =	swait.ge [sflag:s16], $0x2800  }
0x23: {  	[sflag:s16] =	ssyncset.done $0x0  }
0x24: {  	s0 =	sshrl.u32 s12, $0x3;
	[sflag:s16] =	ssyncadd.s32 $0xFFFFD800  }
0x25: {  	[spmem:s0], [sflag:s18] =	dma.local [hbm:s13], $0x50  }
0x26: {  	_ =	swait.ge [sflag:s16], $0x50  }
0x27: {  	[sflag:s16] =	ssyncset.done $0x0  }
0x28: {  	[sflag:s16] =	ssyncadd.s32 $0xFFFFFFB0  }
0x29: {  	[bflag:$0x0] =	sbarrier.arrive $0xFFFF  }
0x2a: {  	s1 =	simm.s32 $0x0;
	v0 =	vld [tilespmem:$0x5100]  }
.LBB2_2:
0x2b: {  	s17 =	sshll.u32 s1, $0x7  }
0x2c: {  	[tilespmem:s21], [sflag:$0x1] =	stream.indirect.gather [hbm4b:s7+s20], $0x1, s17, s20, $0xb8;
	[tilespmem:$0x1D480] =	vst v63  }
0x2d: {  	s15 =	sadd.s32 $0x2800, s17  }
0x2e: {  	[tilespmem:s23], [sflag:$0x1] =	stream.indirect.gather [hbm4b:s8+s20], $0x1, s15, s20, $0xb8;
	[tilespmem:$0x1D480] =	vst v63  }
0x2f: {  	_ = 	snop  }
0x30: {  	[tilespmem:s25], [sflag:$0x2] =	stream.indirect.gather [hbm4b:s6+s20], $0x80, s17, s20, $0xb8;
	[tilespmem:$0x1D480] =	vst v63  }
0x31: {  	_ =	swait.ge [sflag:s26], $0x80  }
0x32: {  	[sflag:s26] =	ssyncset.done $0x0  }
0x33: {  	[sflag:s26] =	ssyncadd.s32 $0xFFFFFF80  }
0x34: {  	_ =	swait.ge [sflag:s26], $0x80  }
0x35: {  	[sflag:s26] =	ssyncset.done $0x0  }
0x36: {  	[sflag:s26] =	ssyncadd.s32 $0xFFFFFF80  }
0x37: {  	v1 =	vld [tilespmem:$0x5000]  }
0x38: {  	v2 =	vld [tilespmem:$0x5080]  }
0x39: {  	v3 =	vld [tilespmem:$0x5010]  }
0x3a: {  	v4 =	vld [tilespmem:$0x5090]  }
0x3b: {  	v5 =	vld [tilespmem:$0x5020]  }
0x3c: {  	v6 =	vld [tilespmem:$0x50A0];
	_ =	sdelay $0x1  }
0x3d: {  	v7 =	vld [tilespmem:$0x50B0];
	v1 =	vadd.f32 v2, v1  }
0x3e: {  	v2 =	vld [tilespmem:$0x5030]  }
0x3f: {  	v9 =	vld [tilespmem:$0x5050];
	v3 =	vadd.f32 v4, v3;
	v8 =	vmul.f32 $2.000000030e-01, v1  }
0x40: {  	v11 =	vld [tilespmem:$0x50D0];
	v5 =	vadd.f32 v6, v5;
	vm0 =	vge.f32 v1, $0.0e+00  }
0x41: {  	v4 =	vld [tilespmem:$0x5040];
	v1 =	vsel vm0, v1, v8;
	v8 =	vmul.f32 $2.000000030e-01, v3  }
0x42: {  	v6 =	vld [tilespmem:$0x50C0];
	vm9 =	vge.f32 v3, $0.0e+00;
	v10 =	vmul.f32 $2.000000030e-01, v5;
	v1 =	vsub.f32 v1, v0  }
0x43: {  	v12 =	vld [tilespmem:$0x5070];
	vm10 =	vge.f32 v5, $0.0e+00;
	v2 =	vadd.f32 v7, v2;
	v3 =	vsel vm9, v3, v8  }
0x44: {  	v5 =	vsel vm10, v5, v10;
	v7 =	vld [tilespmem:$0x5060];
	v1 =	vmul.f32 $1.442695020e+00, v1;
	v3 =	vsub.f32 v3, v0  }
0x45: {  	v5 =	vsub.f32 v5, v0;
	v8 =	vld [tilespmem:$0x50E0];
	v10 =	vmul.f32 $2.000000030e-01, v2  }
0x46: {  	vm11 =	vge.f32 v2, $0.0e+00;
	(erf) = vpow2.f32 v1;
	v1 =	vmul.f32 $1.442695020e+00, v3;
	v3 =	vld [tilespmem:$0x50F0]  }
0x47: {  	v4 =	vadd.f32 v6, v4;
	v5 =	vmul.f32 $1.442695020e+00, v5;
	v2 =	vsel vm11, v2, v10  }
0x48: {  	(erf) = vpow2.f32 v1;
	v1 =	vsub.f32 v2, v0  }
0x49: {  	v2 =	vmul.f32 $2.000000030e-01, v4;
	(erf) = vpow2.f32 v5;
	v5 =	vadd.f32 v11, v9  }
0x4a: {  	vm12 =	vge.f32 v4, $0.0e+00;
	v6 =	vadd.f32 v8, v7;
	v1 =	vmul.f32 $1.442695020e+00, v1  }
0x4b: {  	v2 =	vsel vm12, v4, v2;
	v4 =	vmul.f32 $2.000000030e-01, v5;
	v3 =	vadd.f32 v3, v12  }
0x4c: {  	v7 =	vmul.f32 $2.000000030e-01, v6;
	vm14 =	vge.f32 v6, $0.0e+00;
	vm13 =	vge.f32 v5, $0.0e+00  }
0x4d: {  	v2 =	vsub.f32 v2, v0;
	v4 =	vsel vm13, v5, v4;
	v5 =	vmul.f32 $2.000000030e-01, v3  }
0x4e: {  	v6 =	vsel vm14, v6, v7;
	vm15 =	vge.f32 v3, $0.0e+00;
	v4 =	vsub.f32 v4, v0  }
0x4f: {  	v2 =	vmul.f32 $1.442695020e+00, v2;
	v6 =	vsub.f32 v6, v0;
	v3 =	vsel vm15, v3, v5  }
0x50: {  	(erf) = vpow2.f32 v1;
	v1 =	vmul.f32 $1.442695020e+00, v4;
	v3 =	vsub.f32 v3, v0  }
0x51: {  	(erf) = vpow2.f32 v2;
	v2 =	vmul.f32 $1.442695020e+00, v6  }
0x52: {  	(erf) = vpow2.f32 v1;
	v1 =	vmul.f32 $1.442695020e+00, v3  }
0x53: {  	(erf) = vpow2.f32 v2  }
0x54: {  	(erf) = vpow2.f32 v1;
	_ =	sdelay $0x1  }
0x55: {  	v1 =	vpop (erf)  }
0x56: {  	v2 =	vpop (erf);
	[tilespmem:$0x5180] =	vst v1  }
0x57: {  	v1 =	vpop (erf);
	[tilespmem:$0x5190] =	vst v2  }
0x58: {  	v2 =	vpop (erf);
	[tilespmem:$0x51A0] =	vst v1  }
0x59: {  	v1 =	vpop (erf);
	[tilespmem:$0x51B0] =	vst v2  }
0x5a: {  	v2 =	vpop (erf);
	[tilespmem:$0x51C0] =	vst v1  }
0x5b: {  	v1 =	vpop (erf);
	[tilespmem:$0x51D0] =	vst v2  }
0x5c: {  	[tilespmem:$0x51E0] =	vst v1;
	v1 =	vpop (erf)  }
0x5d: {  	[tilespmem:$0x51F0] =	vst v1  }
0x5e: {  	s9 =	simm.s32 $0x0;
	_ =	swait.ge [sflag:s28], $0x4000  }
0x5f: {  	v1 =	vmov s9;
	[sflag:s28] =	ssyncset.done $0x0  }
0x60: {  	s17 =	simm.s32 $0x5240;
	[sflag:s28] =	ssyncadd.s32 $0xFFFFC000  }
0x61: {  	v5 =	vld [tilespmem:s17+$0x30]  }
0x62: {  	v8 =	vld [tilespmem:s17+$0x10]  }
0x63: {  	v6 =	vld [tilespmem:s17+$0xFFFFFFC0]  }
0x64: {  	v2 =	vld.idx.msk [tilespmem:v1+s29+$0x0], $0xffff  }
0x65: {  	v10 =	vld [tilespmem:s17+$0xFFFFFFE0]  }
0x66: {  	v3 =	vld [tilespmem:s17+$0x20]  }
0x67: {  	v4 =	vld [tilespmem:s17+$0xFFFFFFD0]  }
0x68: {  	v1 =	vld [tilespmem:s17+$0xFFFFFFF0]  }
0x69: {  	v9 =	vmul.f32 v5, v2;
	v5 =	vld [tilespmem:s17+$0x0]  }
0x6a: {  	v7 =	vmul.f32 v6, v2  }
0x6b: {  	s30 =	simm.s32 $0x1;
	s31 =	simm.s32 $0x5240;
	v6 =	vmul.f32 v10, v2;
	v8 =	vmul.f32 v8, v2  }
.LBB2_3:
0x6c: {  	p0 =	sne.s32 s30, $0x7F  }
0x6d: {  	v4 =	vmul.f32 v4, v2;
	v3 =	vmul.f32 v3, v2;
	[tilespmem:s17+$0x30] =	vst v9;
	s31 =	sadd.s32 $0x80, s31;
	s9 =	smov.u32 s30;
	s30 =	sadd.s32 $0x1, s30  }
0x6e: {  	[tilespmem:s17+$0xFFFFFFC0] =	vst v7;
	v7 =	vmul.f32 v1, v2;
	v2 =	vmul.f32 v5, v2  }
0x6f: {  	[tilespmem:s17+$0x10] =	vst v8  }
0x70: {  	v5 =	vmov s9;
	[tilespmem:s17+$0xFFFFFFE0] =	vst v6  }
0x71: {  	v1 =	vld [tilespmem:s31+$0xFFFFFFF0];
	[tilespmem:s17+$0xFFFFFFF0] =	vst v7  }
0x72: {  	v6 =	vld [tilespmem:s31+$0x30];
	[tilespmem:s17+$0x0] =	vst v2  }
0x73: {  	v8 =	vld [tilespmem:s31+$0x10];
	[tilespmem:s17+$0x20] =	vst v3  }
0x74: {  	v7 =	vld [tilespmem:s31+$0xFFFFFFC0];
	[tilespmem:s17+$0xFFFFFFD0] =	vst v4;
	s17 =	smov.u32 s31  }
0x75: {  	v2 =	vld.idx.msk [tilespmem:v5+s29+$0x0], $0xffff  }
0x76: {  	v10 =	vld [tilespmem:s31+$0xFFFFFFE0]  }
0x77: {  	v3 =	vld [tilespmem:s31+$0x20]  }
.Ltmp0:
0x78: {  	v4 =	vld [tilespmem:s31+$0xFFFFFFD0];
	(pc) =	sbr.rel @p0 .LBB2_3-.Ltmp0, $3  }
0x79: {  	v5 =	vld [tilespmem:s31+$0x0];
	_ =	sdelay $0x1  }
0x7a: {  	v7 =	vmul.f32 v7, v2;
	v9 =	vmul.f32 v6, v2  }
0x7b: {  	v8 =	vmul.f32 v8, v2;
	v6 =	vmul.f32 v10, v2  }
0x7c: {  	[tilespmem:s17+$0x30] =	vst v9  }
0x7d: {  	[tilespmem:s17+$0xFFFFFFC0] =	vst v7  }
0x7e: {  	v1 =	vmul.f32 v1, v2;
	[tilespmem:s17+$0x10] =	vst v8  }
0x7f: {  	v3 =	vmul.f32 v3, v2;
	[tilespmem:s17+$0xFFFFFFE0] =	vst v6  }
0x80: {  	v5 =	vmul.f32 v5, v2;
	[tilespmem:s17+$0xFFFFFFF0] =	vst v1  }
0x81: {  	v1 =	vmul.f32 v4, v2;
	[tilespmem:s17+$0x20] =	vst v3  }
0x82: {  	[tilespmem:s17+$0x0] =	vst v5  }
0x83: {  	[tilespmem:s17+$0xFFFFFFD0] =	vst v1  }
0x84: {  	[spmem:s3] =	stream.indirect.scatter.add.f32 [tilespmem:s25], [sflag:$0x3], $0x80, s15, s20, $0xb8;
	[tilespmem:$0x1D480] =	vst v63  }
0x85: {  	s1 =	sadd.s32 $0x1, s1;
	_ =	swait.ge [sflag:s16], $0x4000  }
0x86: {  	p0 =	sne.s32 s1, $0x4F;
	[sflag:s16] =	ssyncset.done $0x0  }
.Ltmp1:
0x87: {  	[sflag:s16] =	ssyncadd.s32 $0xFFFFC000;
	(pc) =	sbr.rel @p0 .LBB2_2-.Ltmp1, $4  }
0x88: {  	[spmem:s4] =	stream.indirect.scatter.add.f32 [tilespmem:s29], [sflag:$0x3], $0x1, s15, s20, $0xb8;
	[tilespmem:$0x1D480] =	vst v63  }
0x89: {  	_ =	swait.ge [sflag:s16], $0x80  }
0x8a: {  	[sflag:s16] =	ssyncset.done $0x0  }
0x8b: {  	[sflag:s16] =	ssyncadd.s32 $0xFFFFFF80  }
0x8c: {  	[bflag:$0x0] =	sbarrier.arrive $0xFFFF  }
0x8d: {  	[hbm:s22], [sflag:s18] =	dma.local [spmem:s19], $0x2800  }
0x8e: {  	s2 =	sadd.s32 $0x1, s2;
	_ =	swait.ge [sflag:s16], $0x2800  }
0x8f: {  	s1 =	simm.s32 $0x20;
	p0 =	sne.s32 s2, s14;
	[sflag:s16] =	ssyncset.done $0x0  }
.Ltmp2:
0x90: {  	s9 =	simm.s32 $0x10;
	[sflag:s16] =	ssyncadd.s32 $0xFFFFD800;
	(pc) =	sbr.rel @p0 .LBB2_1-.Ltmp2, $4  }
0x91: {  	[hbm:s24@s1], [sflag:s18] =	dma.strided [spmem:s0@s9], $0x50, s26, $0x10   }
0x92: {  	_ =	swait.ge [sflag:s16], $0x50  }
0x93: {  	[sflag:s16] =	ssyncset.done $0x0  }
0x94: {  	[sflag:s16] =	ssyncadd.s32 $0xFFFFFFB0  }
0x95: {  	_ =	sfence.sel $0x180000  }
0x96: {  	[bflag:$0x0] =	sbarrier.arrive $0xFFFF  }
0x97: {  	_ =	strace $0x9000004D  }
0x98: {  	s0 =	stileid.u32;
	[bflag:$0x2] =	sbarrier.arrive $0xFFFF  }
0x99: {  	p0 =	sne.s32 s0, $0x0;
	s0 =	rddreg [dreg:$0x4]  }
0x9a: {  	s0 =	sadd.s32 @!p0 $0x100000, s0  }
0x9b: {  	[sflag:s0] =	ssyncadd.tile.s32 @!p0 $0x1;
	_ =	shalt  }
.Lfunc_end2:
_tile_overlayer_lowered:
.L_overlay_start_2:
0x9c: {  	(tag) =	ssettag $0x2  }
0x9d: {  	s0 =	rddreg [dreg:$0x0];
	s2 =	stileid.u32  }
0x9e: {  	s1 =	rddreg [dreg:$0x1];
	p0 =	sne.s32 s2, $0x0  }
0x9f: {  	s3 =	rddreg [dreg:$0x2];
	[bflag:$0x3] =	sbarrier.arrive $0xFFFF;
	s2 =	simm.s32 @!p0 $0x1C03  }
0xa0: {  	[timem:s3], [sflag:s2] =	dma.local @!p0 [hbm:s0], s1  }
0xa1: {  	s0 =	simm.s32 @!p0 $0x3  }
0xa2: {  	_ =	swait.ge @!p0 [sflag:s0], s1  }
0xa3: {  	s1 =	ssub.s32 @!p0 $0x0, s1;
	[sflag:s0] =	ssyncset.done @!p0 $0x0  }
0xa4: {  	[sflag:s0] =	ssyncadd.s32 @!p0 s1  }
0xa5: {  	[bflag:$0x3] =	sbarrier.arrive $0xFFFF  }
0xa6: {  	_ =	shalt  }

// kernel: kernel.9.cloned.1.call-start
scs
__scs_entry_jumppad:
0x0: {  	(pc) =	sbr.rel $0x88, $3  }
0x1: {  	(tag) =	ssettag $0x0;
	lr =	simm.s32 $0x1  }
0x2: {  	[smem:$0x3F90] =	sst lr;
	_ =	strace $0xD0000000  }
0x3: {  	_ = 	snop  }
0x4: {  	_ = 	snop  }
0x5: {  	_ = 	snop  }
0x6: {  	_ = 	snop  }
0x7: {  	_ = 	snop  }
__scs_overlays_trampoline_lowered:
0x8: {  	[smem:$0x3F9F] =	sst s0  }
0x9: {  	[smem:$0x3FA0] =	sst s1  }
0xa: {  	[smem:$0x3FA1] =	sst s2  }
0xb: {  	[smem:$0x3FA2] =	sst s3  }
0xc: {  	[smem:$0x3FA3] =	sst s4  }
0xd: {  	[smem:$0x3FA4] =	sst s5  }
0xe: {  	[smem:$0x3FA5] =	sst s6  }
0xf: {  	[smem:$0x3FA6] =	sst s7  }
0x10: {  	[smem:$0x3FA7] =	sst s8  }
0x11: {  	[smem:$0x3FA8] =	sst s9;
	s0 =	simm.s32 @!p0 $0x0  }
0x12: {  	s1 =	sld [smem:$0x3F8E];
	s0 =	simm.s32 @p0 $0x1  }
0x13: {  	[smem:$0x3FA9] =	sst s0;
	s0 =	simm.s32 @!p1 $0x0  }
0x14: {  	s2 =	sld [smem:$0x3F8D];
	s0 =	simm.s32 @p1 $0x1  }
0x15: {  	[smem:$0x3FAA] =	sst s0;
	s0 =	simm.s32 @!p2 $0x0  }
0x16: {  	s3 =	sld [smem:$0x3FDB];
	s0 =	simm.s32 @p2 $0x1  }
0x17: {  	s4 =	simm.s32 $0x1BF5;
	[smem:$0x3FAC] =	sst s0  }
0x18: {  	s0 =	sld [smem:$0x3F8F];
	_ =	swait.ge [sflag:s4], $0x0  }
0x19: {  	s7 =	sld [smem:$0x3F90]  }
0x1a: {  	s8 =	sadd.s32 $0xFFFFE003, lr  }
0x1b: {  	s9 =	sadd.s32 $0xFFFFFEF7, lr;
	s5 =	simm.s32 $0xFFFFFFFF;
	p2 =	slt.u32 s8, $0xFFFFF086  }
0x1c: {  	p1 =	slt.u32 s9, $0xF7A;
	s5 =	simm.s32 @!p2 $0x0  }
0x1d: {  	s5 =	simm.s32 @p1 $0x1;
	p0 =	seq.s32 s7, s2  }
0x1e: {  	s7 =	smul.u32 @!p0 $0xF7A, s2;
	p2 =	seq.s32 @!p0 s5, $0x0  }
0x1f: {  	s9 =	smul.u32 $0xF7A, s1;
	s8 =	simm.s32 @!p0 $0x1BF5;
	p2 =	por !p2, p0  }
0x20: {  	[sflag:s8] =	ssyncset.s32 @!p0 $0xFFFFF086;
	s6 =	sadd.s32 @!p0 s3, s7;
	s7 =	simm.s32 @!p0 $0x108  }
0x21: {  	s3 =	sadd.s32 s3, s9;
	s6 =	sadd.s32 @!p0 $0x88, s6;
	s7 =	simm.s32 @p2 $0x1082  }
0x22: {  	[simem:s7], [sflag:s8] =	dma.local @!p0 [hbm:s6], $0xF7A  }
0x23: {  	s9 =	sor.u32 $0xD0000000, s2;
	s6 =	simm.s32 $0x108;
	_ =	swait.ge @!p0 [sflag:s8], $0x0  }
0x24: {  	s3 =	sadd.s32 $0x88, s3;
	s6 =	simm.s32 @!p1 $0x1082;
	[sflag:s4] =	ssyncset.s32 $0xFFFFF086  }
0x25: {  	[simem:s6], [sflag:s4] =	dma.local [hbm:s3], $0xF7A  }
0x26: {  	[smem:$0x3F90] =	sst s1;
	(tag) =	ssettag s2;
	_ =	strace s9  }
0x27: {  	s1 =	sld [smem:$0x3FA0]  }
0x28: {  	s2 =	sld [smem:$0x3FA1]  }
0x29: {  	s4 =	sld [smem:$0x3FA3]  }
0x2a: {  	p0 =	seq.s32 s5, $0x0;
	s5 =	sld [smem:$0x3FA4]  }
0x2b: {  	s6 =	sld [smem:$0x3FA5]  }
0x2c: {  	s7 =	sld [smem:$0x3FA6]  }
0x2d: {  	s3 =	simm.s32 $0x108;
	s8 =	sld [smem:$0x3FA7]  }
0x2e: {  	s3 =	simm.s32 @!p0 $0x1082;
	s9 =	sld [smem:$0x3FA8]  }
0x2f: {  	lr =	sadd.s32 s0, s3;
	s0 =	sld [smem:$0x3F9F]  }
0x30: {  	s3 =	sld [smem:$0x3FA2]  }
0x31: {  	[smem:$0x3FAB] =	sst s10  }
0x32: {  	s10 =	sld [smem:$0x3FA9];
	_ =	sdelay $0x3  }
0x33: {  	p0 =	seq.s32 s10, $0x1;
	s10 =	sld [smem:$0x3FAB];
	_ =	sdelay $0x3  }
0x34: {  	[smem:$0x3FAB] =	sst s10  }
0x35: {  	s10 =	sld [smem:$0x3FAA];
	_ =	sdelay $0x3  }
0x36: {  	p1 =	seq.s32 s10, $0x1;
	s10 =	sld [smem:$0x3FAB];
	_ =	sdelay $0x3  }
0x37: {  	[smem:$0x3FAB] =	sst s10  }
0x38: {  	s10 =	sld [smem:$0x3FAC]  }
0x39: {  	_ = 	snop;
	(pc) =	sbr.ind lr, $3  }
0x3a: {  	_ = 	snop  }
0x3b: {  	_ = 	snop  }
0x3c: {  	p2 =	seq.s32 s10, $0x1;
	s10 =	sld [smem:$0x3FAB]  }
0x3d: {  	_ =	shalt  }
0x3e: {  	_ =	shalt  }
0x3f: {  	_ =	shalt  }
0x40: {  	_ =	shalt  }
0x41: {  	_ =	shalt  }
0x42: {  	_ =	shalt  }
0x43: {  	_ =	shalt  }
0x44: {  	_ =	shalt  }
0x45: {  	_ =	shalt  }
0x46: {  	_ =	shalt  }
0x47: {  	_ =	shalt  }
0x48: {  	_ =	shalt  }
0x49: {  	_ =	shalt  }
0x4a: {  	_ =	shalt  }
0x4b: {  	_ =	shalt  }
0x4c: {  	_ =	shalt  }
0x4d: {  	_ =	shalt  }
0x4e: {  	_ =	shalt  }
0x4f: {  	_ =	shalt  }
0x50: {  	_ =	shalt  }
0x51: {  	_ =	shalt  }
0x52: {  	_ =	shalt  }
0x53: {  	_ =	shalt  }
0x54: {  	_ =	shalt  }
0x55: {  	_ =	shalt  }
0x56: {  	_ =	shalt  }
0x57: {  	_ =	shalt  }
0x58: {  	_ =	shalt  }
0x59: {  	_ =	shalt  }
0x5a: {  	_ =	shalt  }
0x5b: {  	_ =	shalt  }
0x5c: {  	_ =	shalt  }
0x5d: {  	_ =	shalt  }
0x5e: {  	_ =	shalt  }
0x5f: {  	_ =	shalt  }
0x60: {  	_ =	shalt  }
0x61: {  	_ =	shalt  }
0x62: {  	_ =	shalt  }
0x63: {  	_ =	shalt  }
0x64: {  	_ =	shalt  }
0x65: {  	_ =	shalt  }
0x66: {  	_ =	shalt  }
0x67: {  	_ =	shalt  }
0x68: {  	_ =	shalt  }
0x69: {  	_ =	shalt  }
0x6a: {  	_ =	shalt  }
0x6b: {  	_ =	shalt  }
0x6c: {  	_ =	shalt  }
0x6d: {  	_ =	shalt  }
0x6e: {  	_ =	shalt  }
0x6f: {  	_ =	shalt  }
0x70: {  	_ =	shalt  }
0x71: {  	_ =	shalt  }
0x72: {  	_ =	shalt  }
0x73: {  	_ =	shalt  }
0x74: {  	_ =	shalt  }
0x75: {  	_ =	shalt  }
0x76: {  	_ =	shalt  }
0x77: {  	_ =	shalt  }
0x78: {  	_ =	shalt  }
0x79: {  	_ =	shalt  }
0x7a: {  	_ =	shalt  }
0x7b: {  	_ =	shalt  }
0x7c: {  	_ =	shalt  }
0x7d: {  	_ =	shalt  }
0x7e: {  	_ =	shalt  }
0x7f: {  	_ =	shalt  }
0x80: {  	_ =	shalt  }
0x81: {  	_ =	shalt  }
0x82: {  	_ =	shalt  }
0x83: {  	_ =	shalt  }
0x84: {  	_ =	shalt  }
0x85: {  	_ =	shalt  }
0x86: {  	_ =	shalt  }
0x87: {  	_ =	shalt  }
.Lfunc_end0:
.L_simem_size_0:
called_computation_lowered:
.L_overlay_start_0:
0x88: {  	s2 =	sld [smem:$0x3FD9]  }
0x89: {  	s3 =	sld [smem:$0x3FFE];
	_ =	sdelay $0x1  }
0x8a: {  	s1 =	srdreg.scid  }
0x8b: {  	s0 =	sand.u32 $0x1, s1  }
0x8c: {  	s17 =	sshll.u32 s0, $0xA;
	s2 =	sadd.s32 s3, s2  }
0x8d: {  	s2 =	sadd.s32 s2, s17  }
0x8e: {  	[smem:$0x3FB7] =	sst s2  }
0x8f: {  	_ = 	snop  }
0x90: {  	s2 =	sld [smem:$0x3FD0];
	(tm) =	ssettm $0x1  }
0x91: {  	s18 =	sld [smem:$0x3FFB];
	_ =	sdelay $0x3  }
0x92: {  	_ =	strace s18  }
0x93: {  	s3 =	sld [smem:$0x3FFC];
	_ =	sdelay $0x3  }
0x94: {  	_ =	strace s3  }
0x95: {  	s3 =	sld [smem:$0x3FFD];
	_ =	sdelay $0x3  }
0x96: {  	_ =	strace s3  }
0x97: {  	_ =	strace $0x8FFFFFFF  }
0x98: {  	s19 =	sld [smem:$0x3FDB];
	_ =	sdelay $0x1  }
0x99: {  	s4 =	simm.s32 $_scs_section_size  }
0x9a: {  	s5 =	simm.s32 $_size__tile_overlayer_lowered;
	s6 =	simm.s32 $_tile_overlayer_lowered  }
0x9b: {  	s22 =	simm.s32 $0x1BFF;
	s21 =	sshll.u32 s6, $0x1;
	s3 =	sadd.s32 s4, s19  }
0x9c: {  	s7 =	simm.s32 $0x0;
	s20 =	sshll.u32 s5, $0x1;
	s5 =	sadd.s32 s21, s3  }
0x9d: {  	[timem:s7], [sflag:s22] =	dma.local [hbm:s5], s20  }
0x9e: {  	_ =	swait.ge [sflag:s22], s20  }
0x9f: {  	s4 =	ssub.s32 $0x0, s20;
	[sflag:s22] =	ssyncset.done $0x0  }
0xa0: {  	[sflag:s22] =	ssyncadd.s32 s4;
	_ =	sdelay $0x1  }
0xa1: {  	s23 =	simm.s32 $0x1B8B  }
0xa2: {  	_ =	swait.ge [sflag:s23], $0x1  }
0xa3: {  	[sflag:s23] =	ssyncset.done $0x0  }
0xa4: {  	s25 =	simm.s32 $0x1B8E;
	s24 =	sld [smem:$0x3FFE];
	[sflag:s23] =	ssyncadd.s32 $0xFFFFFFFF  }
0xa5: {  	s26 =	simm.s32 $execute0_lowered;
	[smem:$0x3FD2] =	sst s25  }
0xa6: {  	s5 =	sshll.u32 s26, $0x1;
	_ =	strace $0x80000046;
	[dreg:$0x1] =	wrdreg $0xFFFFFFFF  }
0xa7: {  	s28 =	simm.s32 $_size_execute0_lowered;
	s3 =	sadd.s32 s3, s5;
	[dreg:$0x0] =	wrdreg $0x0  }
0xa8: {  	s5 =	sshll.u32 s28, $0x1;
	[dreg:$0x2] =	wrdreg s3  }
0xa9: {  	[dreg:$0x3] =	wrdreg s5  }
0xaa: {  	[dreg:$0x4] =	wrdreg $0xC0  }
0xab: {  	_ =	task [dreg:s7], $0x5FFFF  }
0xac: {  	[dreg:$0x1] =	wrdreg $0xFFFFFFFF  }
0xad: {  	[dreg:$0x0] =	wrdreg $0x60  }
0xae: {  	[dreg:$0x2] =	wrdreg s24  }
0xaf: {  	[dreg:$0x3] =	wrdreg s2  }
0xb0: {  	[dreg:$0x4] =	wrdreg $0x92000  }
0xb1: {  	[dreg:$0x5] =	wrdreg $0x1D2000  }
0xb2: {  	[dreg:$0x6] =	wrdreg $0x9  }
0xb3: {  	_ =	task.clear_ibuf [dreg:s7], $0x7FFFF;
	_ =	strace $0x90000046  }
0xb4: {  	s29 =	simm.s32 $0x9;
	_ =	strace $0x80000048  }
0xb5: {  	_ =	swait.ge [sflag:s29], $0x1  }
0xb6: {  	[sflag:s29] =	ssyncadd.s32 $0xFFFFFFFF  }
0xb7: {  	_ =	strace $0x90000048  }
0xb8: {  	_ =	sfence  }
0xb9: {  	s30 =	sld [smem:$0x0];
	_ =	sdelay $0x2  }
0xba: {  	s31 =	sshll.u32 s1, $0xD;
	s1 =	sshrl.u32 s1, $0x2  }
0xbb: {  	s3 =	sand.u32 $0x4000, s31;
	s1 =	sadd.s32 s1, s30  }
0xbc: {  	s0 =	sor.u32 s3, s0;
	s1 =	sshll.u32 s1, $0x11  }
0xbd: {  	s0 =	sor.u32 s1, s0  }
0xbe: {  	s0 =	sadd.s32 $0x8F2B, s0  }
0xbf: {  	[sflag:s0] =	ssyncadd.remote.s32 $0x1  }
0xc0: {  	_ =	sfence.sel $0xFFFF  }
0xc1: {  	[dreg:$0x0] =	wrdreg $0xFFFFFFFF;
	(pc) =	sbr.abs _section_cstart, $3  }
0xc2: {  	[dreg:$0x1] =	wrdreg $0xFFFFFFFF  }
0xc3: {  	_ =	task.clear_ibuf [dreg:s7], $0x2FFFF;
	_ =	strace $0x9FFFFFFF  }
0xc4: {  	(tm) =	ssettm $0x7FFFFFFF  }
0xc5: {  	_ =	shalt  }
tec
execute0_lowered:
.L_overlay_start_1:
0x0: {  	(tag) =	ssettag $0x1  }
0x1: {  	s0 =	rddreg [dreg:$0x0]  }
0x2: {  	s1 =	srdreg.scid;
	s3 =	rddreg [dreg:$0x2]  }
0x3: {  	s18 =	stileid.u32;
	s4 =	rddreg [dreg:$0x3];
	s5 =	simm.s32 $0x0  }
0x4: {  	s20 =	simm.s32 $0x80;
	s21 =	simm.s32 $0x5000;
	s23 =	simm.s32 $0x5080  }
0x5: {  	s28 =	simm.s32 $0x2;
	s29 =	simm.s32 $0x5180;
	s15 =	smul.u32 $0x2800, s18  }
0x6: {  	s1 =	sand.u32 $0x1, s1;
	[smem:$0x7FF] =	sst s5;
	s12 =	smul.u32 $0x280, s18  }
0x7: {  	s7 =	sadd.s32 $0x3C800, s0;
	s8 =	sadd.s32 $0x3CE00, s0;
	s16 =	smul.u32 $0x50000, s18  }
0x8: {  	s31 =	sshll.u32 s18, $0x6;
	s2 =	sshll.u32 s1, $0x4;
	_ =	strace $0x80000047  }
0x9: {  	s13 =	smul.u32 $0x28000, s1;
	s1 =	ssub.s32 $0x2, s1;
	s6 =	sor.u32 s18, s2  }
0xa: {  	s11 =	sadd.s32 s15, s0;
	s24 =	sshrl.u32 s12, $0x3;
	s25 =	sshrl.u32 s1, $0x1  }
0xb: {  	s30 =	sshrl.u32 s16, $0x2;
	s12 =	sadd.s32 s12, s4;
	s16 =	simm.s32 $0x3  }
0xc: {  	s9 =	smul.u32 $0x500, s6;
	s6 =	sadd.s32 $0x15600, s0;
	s14 =	sadd.s32 s24, s0  }
0xd: {  	s17 =	sadd.s32 s13, s0;
	s1 =	ssub.s32 s1, s25;
	s11 =	sadd.s32 $0x3DA00, s11  }
0xe: {  	s24 =	smul.u32 $0xA0, s18;
	s18 =	sor.u32 $0x1C03, s31;
	s25 =	simm.s32 $0x5200  }
0xf: {  	s13 =	sadd.s32 $0x3D400, s14;
	s17 =	sadd.s32 $0x65A00, s17;
	s14 =	smax.u32 s1, $0x1  }
0x10: {  	s10 =	sadd.s32 s9, s0;
	s0 =	sadd.s32 s2, s0;
	s2 =	sadd.s32 s30, s3  }
0x11: {  	s22 =	sadd.s32 s15, s17;
	s26 =	sadd.s32 $0xB600, s10;
	s10 =	sadd.s32 $0x1600, s10  }
0x12: {  	s0 =	sadd.s32 $0xB5A00, s0;
	s19 =	sshrl.u32 s2, $0x3;
	s2 =	simm.s32 $0x0  }
0x13: {  	[dreg:$0x5] =	wrdreg s26;
	s24 =	sadd.s32 s24, s0;
	s26 =	simm.s32 $0x1  }
.LBB2_1:
0x14: {  	s0 =	rddreg [dreg:$0x1];
	s1 =	simm.s32 $0x5100  }
0x15: {  	[tilespmem:s1], [sflag:$0x3] =	stream.linear.gather [hbm4b:s0+s5], $0x10, $0x38;
	[tilespmem:$0x1D480] =	vst v63  }
0x16: {  	_ =	swait.ge [sflag:s16], $0x10  }
0x17: {  	[sflag:s16] =	ssyncset.done $0x0  }
0x18: {  	s30 =	rddreg [dreg:$0x5];
	[sflag:s16] =	ssyncadd.s32 $0xFFFFFFF0  }
0x19: {  	[tilespmem:s5], [sflag:$0x3] =	stream.linear.gather [hbm4b:s30+s5], $0x2780, $0x38;
	[tilespmem:$0x1D480] =	vst v63  }
0x1a: {  	_ =	swait.ge [sflag:s16], $0x2780  }
0x1b: {  	[sflag:s16] =	ssyncset.done $0x0  }
0x1c: {  	s31 =	simm.s32 $0x2800;
	[sflag:s16] =	ssyncadd.s32 $0xFFFFD880  }
0x1d: {  	[tilespmem:s31], [sflag:$0x3] =	stream.linear.gather [hbm4b:s10+s5], $0x2780, $0x38;
	[tilespmem:$0x1D480] =	vst v63  }
0x1e: {  	_ =	swait.ge [sflag:s16], $0x2780  }
0x1f: {  	[sflag:s16] =	ssyncset.done $0x0  }
0x20: {  	[sflag:s16] =	ssyncadd.s32 $0xFFFFD880  }
0x21: {  	[spmem:s19], [sflag:s18] =	dma.local [hbm:s11], $0x2800  }
0x22: {  	_ =	swait.ge [sflag:s16], $0x2800  }
0x23: {  	[sflag:s16] =	ssyncset.done $0x0  }
0x24: {  	s0 =	sshrl.u32 s12, $0x3;
	[sflag:s16] =	ssyncadd.s32 $0xFFFFD800  }
0x25: {  	[spmem:s0], [sflag:s18] =	dma.local [hbm:s13], $0x50  }
0x26: {  	_ =	swait.ge [sflag:s16], $0x50  }
0x27: {  	[sflag:s16] =	ssyncset.done $0x0  }
0x28: {  	[sflag:s16] =	ssyncadd.s32 $0xFFFFFFB0  }
0x29: {  	[bflag:$0x0] =	sbarrier.arrive $0xFFFF  }
0x2a: {  	s1 =	simm.s32 $0x0;
	v0 =	vld [tilespmem:$0x5100]  }
.LBB2_2:
0x2b: {  	s17 =	sshll.u32 s1, $0x7  }
0x2c: {  	[tilespmem:s21], [sflag:$0x1] =	stream.indirect.gather [hbm4b:s7+s20], $0x1, s17, s20, $0xb8;
	[tilespmem:$0x1D480] =	vst v63  }
0x2d: {  	s15 =	sadd.s32 $0x2800, s17  }
0x2e: {  	[tilespmem:s23], [sflag:$0x1] =	stream.indirect.gather [hbm4b:s8+s20], $0x1, s15, s20, $0xb8;
	[tilespmem:$0x1D480] =	vst v63  }
0x2f: {  	_ = 	snop  }
0x30: {  	[tilespmem:s25], [sflag:$0x2] =	stream.indirect.gather [hbm4b:s6+s20], $0x80, s17, s20, $0xb8;
	[tilespmem:$0x1D480] =	vst v63  }
0x31: {  	_ =	swait.ge [sflag:s26], $0x80  }
0x32: {  	[sflag:s26] =	ssyncset.done $0x0  }
0x33: {  	[sflag:s26] =	ssyncadd.s32 $0xFFFFFF80  }
0x34: {  	_ =	swait.ge [sflag:s26], $0x80  }
0x35: {  	[sflag:s26] =	ssyncset.done $0x0  }
0x36: {  	[sflag:s26] =	ssyncadd.s32 $0xFFFFFF80  }
0x37: {  	v1 =	vld [tilespmem:$0x5000]  }
0x38: {  	v2 =	vld [tilespmem:$0x5080]  }
0x39: {  	v3 =	vld [tilespmem:$0x5010]  }
0x3a: {  	v4 =	vld [tilespmem:$0x5090]  }
0x3b: {  	v5 =	vld [tilespmem:$0x5020]  }
0x3c: {  	v6 =	vld [tilespmem:$0x50A0];
	_ =	sdelay $0x1  }
0x3d: {  	v7 =	vld [tilespmem:$0x50B0];
	v1 =	vadd.f32 v2, v1  }
0x3e: {  	v2 =	vld [tilespmem:$0x5030]  }
0x3f: {  	v9 =	vld [tilespmem:$0x5050];
	v3 =	vadd.f32 v4, v3;
	v8 =	vmul.f32 $2.000000030e-01, v1  }
0x40: {  	v11 =	vld [tilespmem:$0x50D0];
	v5 =	vadd.f32 v6, v5;
	vm0 =	vge.f32 v1, $0.0e+00  }
0x41: {  	v4 =	vld [tilespmem:$0x5040];
	v1 =	vsel vm0, v1, v8;
	v8 =	vmul.f32 $2.000000030e-01, v3  }
0x42: {  	v6 =	vld [tilespmem:$0x50C0];
	vm9 =	vge.f32 v3, $0.0e+00;
	v10 =	vmul.f32 $2.000000030e-01, v5;
	v1 =	vsub.f32 v1, v0  }
0x43: {  	v12 =	vld [tilespmem:$0x5070];
	vm10 =	vge.f32 v5, $0.0e+00;
	v2 =	vadd.f32 v7, v2;
	v3 =	vsel vm9, v3, v8  }
0x44: {  	v5 =	vsel vm10, v5, v10;
	v7 =	vld [tilespmem:$0x5060];
	v1 =	vmul.f32 $1.442695020e+00, v1;
	v3 =	vsub.f32 v3, v0  }
0x45: {  	v5 =	vsub.f32 v5, v0;
	v8 =	vld [tilespmem:$0x50E0];
	v10 =	vmul.f32 $2.000000030e-01, v2  }
0x46: {  	vm11 =	vge.f32 v2, $0.0e+00;
	(erf) = vpow2.f32 v1;
	v1 =	vmul.f32 $1.442695020e+00, v3;
	v3 =	vld [tilespmem:$0x50F0]  }
0x47: {  	v4 =	vadd.f32 v6, v4;
	v5 =	vmul.f32 $1.442695020e+00, v5;
	v2 =	vsel vm11, v2, v10  }
0x48: {  	(erf) = vpow2.f32 v1;
	v1 =	vsub.f32 v2, v0  }
0x49: {  	v2 =	vmul.f32 $2.000000030e-01, v4;
	(erf) = vpow2.f32 v5;
	v5 =	vadd.f32 v11, v9  }
0x4a: {  	vm12 =	vge.f32 v4, $0.0e+00;
	v6 =	vadd.f32 v8, v7;
	v1 =	vmul.f32 $1.442695020e+00, v1  }
0x4b: {  	v2 =	vsel vm12, v4, v2;
	v4 =	vmul.f32 $2.000000030e-01, v5;
	v3 =	vadd.f32 v3, v12  }
0x4c: {  	v7 =	vmul.f32 $2.000000030e-01, v6;
	vm14 =	vge.f32 v6, $0.0e+00;
	vm13 =	vge.f32 v5, $0.0e+00  }
0x4d: {  	v2 =	vsub.f32 v2, v0;
	v4 =	vsel vm13, v5, v4;
	v5 =	vmul.f32 $2.000000030e-01, v3  }
0x4e: {  	v6 =	vsel vm14, v6, v7;
	vm15 =	vge.f32 v3, $0.0e+00;
	v4 =	vsub.f32 v4, v0  }
0x4f: {  	v2 =	vmul.f32 $1.442695020e+00, v2;
	v6 =	vsub.f32 v6, v0;
	v3 =	vsel vm15, v3, v5  }
0x50: {  	(erf) = vpow2.f32 v1;
	v1 =	vmul.f32 $1.442695020e+00, v4;
	v3 =	vsub.f32 v3, v0  }
0x51: {  	(erf) = vpow2.f32 v2;
	v2 =	vmul.f32 $1.442695020e+00, v6  }
0x52: {  	(erf) = vpow2.f32 v1;
	v1 =	vmul.f32 $1.442695020e+00, v3  }
0x53: {  	(erf) = vpow2.f32 v2  }
0x54: {  	(erf) = vpow2.f32 v1;
	_ =	sdelay $0x1  }
0x55: {  	v1 =	vpop (erf)  }
0x56: {  	v2 =	vpop (erf);
	[tilespmem:$0x5180] =	vst v1  }
0x57: {  	v1 =	vpop (erf);
	[tilespmem:$0x5190] =	vst v2  }
0x58: {  	v2 =	vpop (erf);
	[tilespmem:$0x51A0] =	vst v1  }
0x59: {  	v1 =	vpop (erf);
	[tilespmem:$0x51B0] =	vst v2  }
0x5a: {  	v2 =	vpop (erf);
	[tilespmem:$0x51C0] =	vst v1  }
0x5b: {  	v1 =	vpop (erf);
	[tilespmem:$0x51D0] =	vst v2  }
0x5c: {  	[tilespmem:$0x51E0] =	vst v1;
	v1 =	vpop (erf)  }
0x5d: {  	[tilespmem:$0x51F0] =	vst v1  }
0x5e: {  	s9 =	simm.s32 $0x0;
	_ =	swait.ge [sflag:s28], $0x4000  }
0x5f: {  	v1 =	vmov s9;
	[sflag:s28] =	ssyncset.done $0x0  }
0x60: {  	s17 =	simm.s32 $0x5240;
	[sflag:s28] =	ssyncadd.s32 $0xFFFFC000  }
0x61: {  	v5 =	vld [tilespmem:s17+$0x30]  }
0x62: {  	v8 =	vld [tilespmem:s17+$0x10]  }
0x63: {  	v6 =	vld [tilespmem:s17+$0xFFFFFFC0]  }
0x64: {  	v2 =	vld.idx.msk [tilespmem:v1+s29+$0x0], $0xffff  }
0x65: {  	v10 =	vld [tilespmem:s17+$0xFFFFFFE0]  }
0x66: {  	v3 =	vld [tilespmem:s17+$0x20]  }
0x67: {  	v4 =	vld [tilespmem:s17+$0xFFFFFFD0]  }
0x68: {  	v1 =	vld [tilespmem:s17+$0xFFFFFFF0]  }
0x69: {  	v9 =	vmul.f32 v5, v2;
	v5 =	vld [tilespmem:s17+$0x0]  }
0x6a: {  	v7 =	vmul.f32 v6, v2  }
0x6b: {  	s30 =	simm.s32 $0x1;
	s31 =	simm.s32 $0x5240;
	v6 =	vmul.f32 v10, v2;
	v8 =	vmul.f32 v8, v2  }
.LBB2_3:
0x6c: {  	p0 =	sne.s32 s30, $0x7F  }
0x6d: {  	v4 =	vmul.f32 v4, v2;
	v3 =	vmul.f32 v3, v2;
	[tilespmem:s17+$0x30] =	vst v9;
	s31 =	sadd.s32 $0x80, s31;
	s9 =	smov.u32 s30;
	s30 =	sadd.s32 $0x1, s30  }
0x6e: {  	[tilespmem:s17+$0xFFFFFFC0] =	vst v7;
	v7 =	vmul.f32 v1, v2;
	v2 =	vmul.f32 v5, v2  }
0x6f: {  	[tilespmem:s17+$0x10] =	vst v8  }
0x70: {  	v5 =	vmov s9;
	[tilespmem:s17+$0xFFFFFFE0] =	vst v6  }
0x71: {  	v1 =	vld [tilespmem:s31+$0xFFFFFFF0];
	[tilespmem:s17+$0xFFFFFFF0] =	vst v7  }
0x72: {  	v6 =	vld [tilespmem:s31+$0x30];
	[tilespmem:s17+$0x0] =	vst v2  }
0x73: {  	v8 =	vld [tilespmem:s31+$0x10];
	[tilespmem:s17+$0x20] =	vst v3  }
0x74: {  	v7 =	vld [tilespmem:s31+$0xFFFFFFC0];
	[tilespmem:s17+$0xFFFFFFD0] =	vst v4;
	s17 =	smov.u32 s31  }
0x75: {  	v2 =	vld.idx.msk [tilespmem:v5+s29+$0x0], $0xffff  }
0x76: {  	v10 =	vld [tilespmem:s31+$0xFFFFFFE0]  }
0x77: {  	v3 =	vld [tilespmem:s31+$0x20]  }
.Ltmp0:
0x78: {  	v4 =	vld [tilespmem:s31+$0xFFFFFFD0];
	(pc) =	sbr.rel @p0 .LBB2_3-.Ltmp0, $3  }
0x79: {  	v5 =	vld [tilespmem:s31+$0x0];
	_ =	sdelay $0x1  }
0x7a: {  	v7 =	vmul.f32 v7, v2;
	v9 =	vmul.f32 v6, v2  }
0x7b: {  	v8 =	vmul.f32 v8, v2;
	v6 =	vmul.f32 v10, v2  }
0x7c: {  	[tilespmem:s17+$0x30] =	vst v9  }
0x7d: {  	[tilespmem:s17+$0xFFFFFFC0] =	vst v7  }
0x7e: {  	v1 =	vmul.f32 v1, v2;
	[tilespmem:s17+$0x10] =	vst v8  }
0x7f: {  	v3 =	vmul.f32 v3, v2;
	[tilespmem:s17+$0xFFFFFFE0] =	vst v6  }
0x80: {  	v5 =	vmul.f32 v5, v2;
	[tilespmem:s17+$0xFFFFFFF0] =	vst v1  }
0x81: {  	v1 =	vmul.f32 v4, v2;
	[tilespmem:s17+$0x20] =	vst v3  }
0x82: {  	[tilespmem:s17+$0x0] =	vst v5  }
0x83: {  	[tilespmem:s17+$0xFFFFFFD0] =	vst v1  }
0x84: {  	[spmem:s3] =	stream.indirect.scatter.add.f32 [tilespmem:s25], [sflag:$0x3], $0x80, s15, s20, $0xb8;
	[tilespmem:$0x1D480] =	vst v63  }
0x85: {  	s1 =	sadd.s32 $0x1, s1;
	_ =	swait.ge [sflag:s16], $0x4000  }
0x86: {  	p0 =	sne.s32 s1, $0x4F;
	[sflag:s16] =	ssyncset.done $0x0  }
.Ltmp1:
0x87: {  	[sflag:s16] =	ssyncadd.s32 $0xFFFFC000;
	(pc) =	sbr.rel @p0 .LBB2_2-.Ltmp1, $4  }
0x88: {  	[spmem:s4] =	stream.indirect.scatter.add.f32 [tilespmem:s29], [sflag:$0x3], $0x1, s15, s20, $0xb8;
	[tilespmem:$0x1D480] =	vst v63  }
0x89: {  	_ =	swait.ge [sflag:s16], $0x80  }
0x8a: {  	[sflag:s16] =	ssyncset.done $0x0  }
0x8b: {  	[sflag:s16] =	ssyncadd.s32 $0xFFFFFF80  }
0x8c: {  	[bflag:$0x0] =	sbarrier.arrive $0xFFFF  }
0x8d: {  	[hbm:s22], [sflag:s18] =	dma.local [spmem:s19], $0x2800  }
0x8e: {  	s2 =	sadd.s32 $0x1, s2;
	_ =	swait.ge [sflag:s16], $0x2800  }
0x8f: {  	s1 =	simm.s32 $0x20;
	p0 =	sne.s32 s2, s14;
	[sflag:s16] =	ssyncset.done $0x0  }
.Ltmp2:
0x90: {  	s9 =	simm.s32 $0x10;
	[sflag:s16] =	ssyncadd.s32 $0xFFFFD800;
	(pc) =	sbr.rel @p0 .LBB2_1-.Ltmp2, $4  }
0x91: {  	[hbm:s24@s1], [sflag:s18] =	dma.strided [spmem:s0@s9], $0x50, s26, $0x10   }
0x92: {  	_ =	swait.ge [sflag:s16], $0x50  }
0x93: {  	[sflag:s16] =	ssyncset.done $0x0  }
0x94: {  	[sflag:s16] =	ssyncadd.s32 $0xFFFFFFB0  }
0x95: {  	_ =	sfence.sel $0x180000  }
0x96: {  	[bflag:$0x0] =	sbarrier.arrive $0xFFFF  }
0x97: {  	_ =	strace $0x90000047  }
0x98: {  	s0 =	stileid.u32;
	[bflag:$0x2] =	sbarrier.arrive $0xFFFF  }
0x99: {  	p0 =	sne.s32 s0, $0x0;
	s0 =	rddreg [dreg:$0x4]  }
0x9a: {  	s0 =	sadd.s32 @!p0 $0x100000, s0  }
0x9b: {  	[sflag:s0] =	ssyncadd.tile.s32 @!p0 $0x1;
	_ =	shalt  }
.Lfunc_end2:
_tile_overlayer_lowered:
.L_overlay_start_2:
0x9c: {  	(tag) =	ssettag $0x2  }
0x9d: {  	s0 =	rddreg [dreg:$0x0];
	s2 =	stileid.u32  }
0x9e: {  	s1 =	rddreg [dreg:$0x1];
	p0 =	sne.s32 s2, $0x0  }
0x9f: {  	s3 =	rddreg [dreg:$0x2];
	[bflag:$0x3] =	sbarrier.arrive $0xFFFF;
	s2 =	simm.s32 @!p0 $0x1C03  }
0xa0: {  	[timem:s3], [sflag:s2] =	dma.local @!p0 [hbm:s0], s1  }
0xa1: {  	s0 =	simm.s32 @!p0 $0x3  }
0xa2: {  	_ =	swait.ge @!p0 [sflag:s0], s1  }
0xa3: {  	s1 =	ssub.s32 @!p0 $0x0, s1;
	[sflag:s0] =	ssyncset.done @!p0 $0x0  }
0xa4: {  	[sflag:s0] =	ssyncadd.s32 @!p0 s1  }
0xa5: {  	[bflag:$0x3] =	sbarrier.arrive $0xFFFF  }
0xa6: {  	_ =	shalt  }

</sc_bundles>
